<compile_context>
chip_gen: v7x
topology: tpu7x:2x2x1
jax: 0.10.2.dev20260603
libtpu: 0.0.44.dev20260713+nightly
codegen_flags: <defaults>
</compile_context>

<pallas_src>
import functools

import jax
import jax.numpy as jnp
from jax import lax
from jax.experimental import pallas as pl
from jax.experimental.pallas import tpu as pltpu
from jax.experimental.pallas import tpu_sc as plsc

N_TOTAL = 16384
BS = 8192
HID = 256
NN = 100000
NC = 2
NS = 16
NW = NC * NS
L = 16

CHUNK = 6256
TAB = NS * CHUNK
RPT = BS // NW
RC = 128
NCH = RPT // RC
XC = 64
NXC = RPT // XC
IN_GROUPS = BS // L
TAB_GROUPS = CHUNK // L


def _body(x_hbm, nid_hbm, hist_hbm, out_hbm,
          inids_v, tab_v, outids_v, pos_v, xidx_v, sidx_v, hist_b,
          stage_b, tab_sh, sem_in0, sem_in1, sem_h, sem_w, sem_x, sem_s,
          sem_t):
    c = lax.axis_index("c")
    s = lax.axis_index("s")
    wid = c * NS + s
    row0 = wid * RPT
    iota = lax.iota(jnp.int32, L)

    oid_dmas = [
        pltpu.async_copy(nid_hbm.at[pl.ds(BS + row0 + ch * RC, RC)],
                         outids_v.at[ch], sem)
        for ch, sem in ((0, sem_w), (1, sem_s))
    ]
    for dma in oid_dmas:
        dma.wait()
    hist_dmas = [
        pltpu.async_copy(hist_hbm.at[outids_v.at[ch]],
                         hist_b.at[pl.ds(ch * RC, RC)], sem_h)
        for ch in range(NCH)
    ]
    in_dmas = [
        pltpu.async_copy(nid_hbm.at[pl.ds(half * (BS // 2), BS // 2)],
                         inids_v.at[pl.ds(half * (BS // 2), BS // 2)],
                         sem)
        for half, sem in ((0, sem_in0), (1, sem_in1))
    ]
    tr0 = pltpu.async_copy(x_hbm.at[pl.ds(row0, RC)], stage_b, sem_t)

    neg1 = jnp.full((L,), -1, jnp.int32)

    def init_body(g, carry):
        for k in range(4):
            tab_v[pl.ds((g * 4 + k) * L, L)] = neg1
        return carry

    lax.fori_loop(0, TAB_GROUPS // 4, init_body, 0)
    for k in range(TAB_GROUPS - (TAB_GROUPS // 4) * 4):
        tab_v[pl.ds(((TAB_GROUPS // 4) * 4 + k) * L, L)] = neg1

    base = s * CHUNK

    def scan_one(g, acc):
        ids = inids_v[pl.ds(g * L, L)]
        li = ids - base
        inr = (li >= 0) & (li < CHUNK)
        j16 = g * L + iota
        lic = jnp.where(inr, li, 0)
        plsc.store_scatter(tab_v, [lic], j16, mask=inr)
        r1 = plsc.load_gather(tab_v, [lic])
        w1 = inr & (j16 > r1)
        plsc.store_scatter(tab_v, [lic], j16, mask=w1)
        return acc | (plsc.all_reduce_population_count(w1) >= 2)

    def scan_body(h, acc):
        for k in range(8):
            acc = scan_one(h * 8 + k, acc)
        return acc

    false16 = jnp.zeros((L,), jnp.bool_)
    in_dmas[0].wait()
    acc = lax.fori_loop(0, IN_GROUPS // 16, scan_body, false16)
    tr0.wait()
    tw0 = pltpu.async_copy(stage_b, out_hbm.at[pl.ds(row0, RC)], sem_t)
    in_dmas[1].wait()
    acc = lax.fori_loop(IN_GROUPS // 16, IN_GROUPS // 8, scan_body, acc)

    @pl.when(jnp.any(acc))
    def _serial_redo():
        def redo_body(g, carry):
            ids = inids_v[pl.ds(g * L, L)]
            li = ids - base
            inr = (li >= 0) & (li < CHUNK)
            j16 = g * L + iota
            lic = jnp.where(inr, li, 0)
            for k in range(L):
                plsc.store_scatter(tab_v, [lic], j16,
                                   mask=inr & (iota == k))
            return carry

        lax.fori_loop(0, IN_GROUPS, redo_body, 0)

    for dma in hist_dmas:
        dma.wait()
    w_dmas = [
        pltpu.async_copy(hist_b.at[pl.ds(ch * RC, RC)],
                         out_hbm.at[pl.ds(BS + row0 + ch * RC, RC)], sem_w)
        for ch in range(NCH)
    ]
    pltpu.sync_copy(tab_v, tab_sh.at[pl.ds(base, CHUNK)])
    plsc.subcore_barrier()

    tw0.wait()
    tr1 = pltpu.async_copy(x_hbm.at[pl.ds(row0 + RC, RC)], stage_b, sem_t)

    pos_dmas = [
        pltpu.async_copy(tab_sh.at[outids_v.at[ch]], pos_v.at[ch], sem_x)
        for ch in range(NCH)
    ]
    for dma in pos_dmas:
        dma.wait()
    for gg in range(RPT // L):
        pos16 = pos_v[gg // (RC // L), pl.ds((gg % (RC // L)) * L, L)]
        q16 = row0 + gg * L + iota
        m = pos16 >= 0
        xi = jnp.where(m, pos16, q16)
        si = jnp.where(m, BS + q16, q16)
        xidx_v[gg // (XC // L), pl.ds((gg % (XC // L)) * L, L)] = xi
        sidx_v[gg // (XC // L), pl.ds((gg % (XC // L)) * L, L)] = si

    xg_sems = (sem_x, sem_in0, sem_in1, sem_h)
    xg = []
    for q in range(NXC):
        if q % 2 == 0:
            w_dmas[q // 2].wait()
        xg.append(
            pltpu.async_copy(x_hbm.at[xidx_v.at[q]],
                             hist_b.at[pl.ds(q * XC, XC)], xg_sems[q]))
    tr1.wait()
    tw1 = pltpu.async_copy(stage_b, out_hbm.at[pl.ds(row0 + RC, RC)],
                           sem_t)
    s_dmas = []
    for q in range(NXC):
        xg[q].wait()
        s_dmas.append(
            pltpu.async_copy(hist_b.at[pl.ds(q * XC, XC)],
                             out_hbm.at[sidx_v.at[q]], sem_s))
    for dma in s_dmas:
        dma.wait()
    tw1.wait()


@functools.partial(jax.jit, static_argnums=())
def kernel(x, n_id, batch_size, hist_emb):
    del batch_size
    mesh = plsc.VectorSubcoreMesh(core_axis_name="c", subcore_axis_name="s")
    run = pl.kernel(
        _body,
        out_type=jax.ShapeDtypeStruct((N_TOTAL, HID), jnp.float32),
        mesh=mesh,
        compiler_params=pltpu.CompilerParams(needs_layout_passes=False),
        scratch_types=[
            pltpu.VMEM((BS,), jnp.int32),
            pltpu.VMEM((CHUNK,), jnp.int32),
            pltpu.VMEM((NCH, RC), jnp.int32),
            pltpu.VMEM((NCH, RC), jnp.int32),
            pltpu.VMEM((NXC, XC), jnp.int32),
            pltpu.VMEM((NXC, XC), jnp.int32),
            pltpu.VMEM((RPT, HID), jnp.float32),
            pltpu.VMEM((RC, HID), jnp.float32),
            pltpu.VMEM_SHARED((TAB,), jnp.int32),
            pltpu.SemaphoreType.DMA,
            pltpu.SemaphoreType.DMA,
            pltpu.SemaphoreType.DMA,
            pltpu.SemaphoreType.DMA,
            pltpu.SemaphoreType.DMA,
            pltpu.SemaphoreType.DMA,
            pltpu.SemaphoreType.DMA,
        ],
    )
    return run(x, n_id, hist_emb)

# --- scband reference (transcript-rebuilt; emitter-appended) ---
"""Pipeline reference for scband-scalable-gnn-23227183137166 (READ-ONLY COPY).

The authoritative reference and input builder live on the scoring server;
editing this copy changes nothing except your own understanding.
"""

import jax, jax.numpy as jnp
import numpy as np

NUM_NODES = 100000
HIDDEN = 256
N_TOTAL = 16384
BATCH_SIZE = 8192


def setup_inputs(seed: int = 0) -> dict:
    key = jax.random.key(seed)
    k1, k2, k3 = jax.random.split(key, 3)
    x = jax.random.normal(k1, (N_TOTAL, HIDDEN), dtype=jnp.float32)
    n_id = jax.random.randint(k2, (N_TOTAL,), 0, NUM_NODES).astype(jnp.int32)
    # historical embedding table (one layer's History.emb), a learned/stateful buffer
    hist_emb = jax.random.normal(k3, (NUM_NODES, HIDDEN), dtype=jnp.float32)
    return {"x": x, "n_id": n_id, "batch_size": BATCH_SIZE, "hist_emb": hist_emb}


def reference(x, n_id, batch_size, hist_emb):
    # Core push_and_pull semantics of ScalableGNN's historical embeddings:
    # 1) PUSH: scatter-overwrite the freshly computed in-mini-batch embeddings
    #    x[:batch_size] into the history table at rows n_id[:batch_size].
    # 2) PULL: gather historical embeddings for the out-of-mini-batch
    #    neighbor nodes n_id[batch_size:].
    # 3) Concatenate fresh in-batch embeddings with pulled historical ones.
    in_ids = n_id[:BATCH_SIZE]
    out_ids = jax.lax.dynamic_slice_in_dim(n_id, batch_size, n_id.shape[0] - BATCH_SIZE)
    hist_new = hist_emb.at[in_ids].set(x[:BATCH_SIZE])
    pulled = jnp.take(hist_new, out_ids, axis=0)
    out = jnp.concatenate([x[:BATCH_SIZE], pulled], axis=0)
    return out

if __name__ == "__main__":
    import jax
    _d = setup_inputs()
    print(jax.jit(kernel)(*tuple(_d.values())))

</pallas_src>

<mosaic_0001>
#map = affine_map<(d0, d1) -> (0, 0)>
#map1 = affine_map<(d0, d1) -> (0)>
module attributes {stable_mosaic.version = 14 : i64} {
  func.func @_body(%arg0: i32, %arg1: i32, %arg2: memref<16384x256xf32, #tpu.memory_space<hbm>>, %arg3: memref<16384xi32, #tpu.memory_space<hbm>>, %arg4: memref<100000x256xf32, #tpu.memory_space<hbm>>, %arg5: memref<16384x256xf32, #tpu.memory_space<hbm>>, %arg6: memref<8192xi32, #tpu.memory_space<vmem>>, %arg7: memref<6256xi32, #tpu.memory_space<vmem>>, %arg8: memref<2x128xi32, #tpu.memory_space<vmem>>, %arg9: memref<2x128xi32, #tpu.memory_space<vmem>>, %arg10: memref<4x64xi32, #tpu.memory_space<vmem>>, %arg11: memref<4x64xi32, #tpu.memory_space<vmem>>, %arg12: memref<256x256xf32, #tpu.memory_space<vmem>>, %arg13: memref<128x256xf32, #tpu.memory_space<vmem>>, %arg14: memref<100096xi32, #tpu.memory_space<vmem_shared>>, %arg15: memref<!tpu.dma_semaphore, #tpu.memory_space<semaphore_mem>>, %arg16: memref<!tpu.dma_semaphore, #tpu.memory_space<semaphore_mem>>, %arg17: memref<!tpu.dma_semaphore, #tpu.memory_space<semaphore_mem>>, %arg18: memref<!tpu.dma_semaphore, #tpu.memory_space<semaphore_mem>>, %arg19: memref<!tpu.dma_semaphore, #tpu.memory_space<semaphore_mem>>, %arg20: memref<!tpu.dma_semaphore, #tpu.memory_space<semaphore_mem>>, %arg21: memref<!tpu.dma_semaphore, #tpu.memory_space<semaphore_mem>>) attributes {dimension_semantics = [#tpu.dimension_semantics<core_parallel>, #tpu.dimension_semantics<subcore_parallel>], iteration_bounds = array<i64: 2, 16>, scalar_prefetch = 0 : i64, scratch_operands = 16 : i64, tpu.core_type = #tpu.core_type<sc_vector_subcore>, window_params = [{transform_indices = #map}, {transform_indices = #map1}, {transform_indices = #map}, {transform_indices = #map}]} {
    %mul3A = arith.constant 16 : i32
    %mul3A_0 = arith.muli %arg0, %mul3A : i32
    %add3A = arith.addi %mul3A_0, %arg1 : i32
    %mul3A_1 = arith.constant 256 : i32
    %mul3A_2 = arith.muli %add3A, %mul3A_1 : i32
    %iota3A = tpu.iota {dimensions = array<i32: 0>} : vector<16xi32>
    %add3A_3 = arith.constant 8192 : i32
    %add3A_4 = arith.addi %add3A_3, %mul3A_2 : i32
    %add3A_5 = arith.constant 0 : i32
    %add3A_6 = arith.addi %add3A_4, %add3A_5 : i32
    %dma_start3A = arith.constant 0 : i32
    %dma_start3A_7 = arith.constant 0 : i32
    %dma_start3A_8 = tpu.memref_slice %arg8[%dma_start3A, %dma_start3A_7] : memref<2x128xi32, #tpu.memory_space<vmem>> -> memref<1x128xi32, #tpu.memory_space<vmem>>
    %dma_start3A_9 = tpu.memref_squeeze %dma_start3A_8 : memref<1x128xi32, #tpu.memory_space<vmem>> -> memref<128xi32, #tpu.memory_space<vmem>>
    %dma_start3A_10 = tpu.memref_slice %arg3[%add3A_6] : memref<16384xi32, #tpu.memory_space<hbm>> -> memref<128xi32, #tpu.memory_space<hbm>>
    %dma_start3A_11 = arith.constant 0 : i32
    %dma_start3A_12 = tpu.memref_slice %arg8[%dma_start3A, %dma_start3A_11] : memref<2x128xi32, #tpu.memory_space<vmem>> -> memref<1x128xi32, #tpu.memory_space<vmem>>
    %dma_start3A_13 = tpu.memref_squeeze %dma_start3A_12 : memref<1x128xi32, #tpu.memory_space<vmem>> -> memref<128xi32, #tpu.memory_space<vmem>>
    %dma_start3A_14 = tpu.memref_slice %arg3[%add3A_6] : memref<16384xi32, #tpu.memory_space<hbm>> -> memref<128xi32, #tpu.memory_space<hbm>>
    tpu.enqueue_dma source(%dma_start3A_14 : memref<128xi32, #tpu.memory_space<hbm>>) target(%dma_start3A_13 : memref<128xi32, #tpu.memory_space<vmem>>) target_semaphore(%arg18 : memref<!tpu.dma_semaphore, #tpu.memory_space<semaphore_mem>>)
    %add3A_15 = arith.constant 8192 : i32
    %add3A_16 = arith.addi %add3A_15, %mul3A_2 : i32
    %add3A_17 = arith.constant 128 : i32
    %add3A_18 = arith.addi %add3A_16, %add3A_17 : i32
    %dma_start3A_19 = arith.constant 1 : i32
    %dma_start3A_20 = arith.constant 0 : i32
    %dma_start3A_21 = tpu.memref_slice %arg8[%dma_start3A_19, %dma_start3A_20] : memref<2x128xi32, #tpu.memory_space<vmem>> -> memref<1x128xi32, #tpu.memory_space<vmem>>
    %dma_start3A_22 = tpu.memref_squeeze %dma_start3A_21 : memref<1x128xi32, #tpu.memory_space<vmem>> -> memref<128xi32, #tpu.memory_space<vmem>>
    %dma_start3A_23 = tpu.memref_slice %arg3[%add3A_18] : memref<16384xi32, #tpu.memory_space<hbm>> -> memref<128xi32, #tpu.memory_space<hbm>>
    %dma_start3A_24 = arith.constant 0 : i32
    %dma_start3A_25 = tpu.memref_slice %arg8[%dma_start3A_19, %dma_start3A_24] : memref<2x128xi32, #tpu.memory_space<vmem>> -> memref<1x128xi32, #tpu.memory_space<vmem>>
    %dma_start3A_26 = tpu.memref_squeeze %dma_start3A_25 : memref<1x128xi32, #tpu.memory_space<vmem>> -> memref<128xi32, #tpu.memory_space<vmem>>
    %dma_start3A_27 = tpu.memref_slice %arg3[%add3A_18] : memref<16384xi32, #tpu.memory_space<hbm>> -> memref<128xi32, #tpu.memory_space<hbm>>
    tpu.enqueue_dma source(%dma_start3A_27 : memref<128xi32, #tpu.memory_space<hbm>>) target(%dma_start3A_26 : memref<128xi32, #tpu.memory_space<vmem>>) target_semaphore(%arg20 : memref<!tpu.dma_semaphore, #tpu.memory_space<semaphore_mem>>)
    %dma_wait3A = arith.constant 0 : i32
    %dma_wait3A_28 = arith.constant 0 : i32
    %dma_wait3A_29 = tpu.memref_slice %arg8[%dma_wait3A, %dma_wait3A_28] : memref<2x128xi32, #tpu.memory_space<vmem>> -> memref<1x128xi32, #tpu.memory_space<vmem>>
    %dma_wait3A_30 = tpu.memref_squeeze %dma_wait3A_29 : memref<1x128xi32, #tpu.memory_space<vmem>> -> memref<128xi32, #tpu.memory_space<vmem>>
    %dma_wait3A_31 = tpu.memref_slice %arg3[%add3A_6] : memref<16384xi32, #tpu.memory_space<hbm>> -> memref<128xi32, #tpu.memory_space<hbm>>
    %dma_wait3A_32 = arith.constant 0 : i32
    %dma_wait3A_33 = tpu.memref_slice %arg8[%dma_wait3A, %dma_wait3A_32] : memref<2x128xi32, #tpu.memory_space<vmem>> -> memref<1x128xi32, #tpu.memory_space<vmem>>
    %dma_wait3A_34 = tpu.memref_squeeze %dma_wait3A_33 : memref<1x128xi32, #tpu.memory_space<vmem>> -> memref<128xi32, #tpu.memory_space<vmem>>
    %dma_wait3A_35 = tpu.memref_slice %arg3[%add3A_6] : memref<16384xi32, #tpu.memory_space<hbm>> -> memref<128xi32, #tpu.memory_space<hbm>>
    tpu.wait_dma2 semaphore(%arg18 : memref<!tpu.dma_semaphore, #tpu.memory_space<semaphore_mem>>) src(%dma_wait3A_35 : memref<128xi32, #tpu.memory_space<hbm>>) dst(%dma_wait3A_34 : memref<128xi32, #tpu.memory_space<vmem>>)
    %dma_wait3A_36 = arith.constant 1 : i32
    %dma_wait3A_37 = arith.constant 0 : i32
    %dma_wait3A_38 = tpu.memref_slice %arg8[%dma_wait3A_36, %dma_wait3A_37] : memref<2x128xi32, #tpu.memory_space<vmem>> -> memref<1x128xi32, #tpu.memory_space<vmem>>
    %dma_wait3A_39 = tpu.memref_squeeze %dma_wait3A_38 : memref<1x128xi32, #tpu.memory_space<vmem>> -> memref<128xi32, #tpu.memory_space<vmem>>
    %dma_wait3A_40 = tpu.memref_slice %arg3[%add3A_18] : memref<16384xi32, #tpu.memory_space<hbm>> -> memref<128xi32, #tpu.memory_space<hbm>>
    %dma_wait3A_41 = arith.constant 0 : i32
    %dma_wait3A_42 = tpu.memref_slice %arg8[%dma_wait3A_36, %dma_wait3A_41] : memref<2x128xi32, #tpu.memory_space<vmem>> -> memref<1x128xi32, #tpu.memory_space<vmem>>
    %dma_wait3A_43 = tpu.memref_squeeze %dma_wait3A_42 : memref<1x128xi32, #tpu.memory_space<vmem>> -> memref<128xi32, #tpu.memory_space<vmem>>
    %dma_wait3A_44 = tpu.memref_slice %arg3[%add3A_18] : memref<16384xi32, #tpu.memory_space<hbm>> -> memref<128xi32, #tpu.memory_space<hbm>>
    tpu.wait_dma2 semaphore(%arg20 : memref<!tpu.dma_semaphore, #tpu.memory_space<semaphore_mem>>) src(%dma_wait3A_44 : memref<128xi32, #tpu.memory_space<hbm>>) dst(%dma_wait3A_43 : memref<128xi32, #tpu.memory_space<vmem>>)
    %dma_start3A_45 = arith.constant 0 : i32
    %dma_start3A_46 = arith.constant 0 : i32
    %dma_start3A_47 = arith.constant 0 : i32
    %dma_start3A_48 = tpu.memref_slice %arg12[%dma_start3A_46, %dma_start3A_47] : memref<256x256xf32, #tpu.memory_space<vmem>> -> memref<128x256xf32, #tpu.memory_space<vmem>>
    %dma_start3A_49 = arith.constant 0 : i32
    %dma_start3A_50 = tpu.memref_slice %arg8[%dma_start3A_45, %dma_start3A_49] : memref<2x128xi32, #tpu.memory_space<vmem>> -> memref<1x128xi32, #tpu.memory_space<vmem>>
    %dma_start3A_51 = tpu.memref_squeeze %dma_start3A_50 : memref<1x128xi32, #tpu.memory_space<vmem>> -> memref<128xi32, #tpu.memory_space<vmem>>
    %dma_start3A_52 = arith.constant 0 : i32
    %dma_start3A_53 = arith.constant 0 : i32
    %dma_start3A_54 = tpu.memref_slice %arg4[%dma_start3A_52, %dma_start3A_53] : memref<100000x256xf32, #tpu.memory_space<hbm>> -> memref<100000x256xf32, #tpu.memory_space<hbm>>
    tpu.enqueue_indirect_dma source(%dma_start3A_54 : memref<100000x256xf32, #tpu.memory_space<hbm>>) target(%dma_start3A_48 : memref<128x256xf32, #tpu.memory_space<vmem>>) offsets(%dma_start3A_51 : memref<128xi32, #tpu.memory_space<vmem>>) semaphore(%arg17 : memref<!tpu.dma_semaphore, #tpu.memory_space<semaphore_mem>>)
    %dma_start3A_55 = arith.constant 1 : i32
    %dma_start3A_56 = arith.constant 128 : i32
    %dma_start3A_57 = arith.constant 0 : i32
    %dma_start3A_58 = tpu.memref_slice %arg12[%dma_start3A_56, %dma_start3A_57] : memref<256x256xf32, #tpu.memory_space<vmem>> -> memref<128x256xf32, #tpu.memory_space<vmem>>
    %dma_start3A_59 = arith.constant 0 : i32
    %dma_start3A_60 = tpu.memref_slice %arg8[%dma_start3A_55, %dma_start3A_59] : memref<2x128xi32, #tpu.memory_space<vmem>> -> memref<1x128xi32, #tpu.memory_space<vmem>>
    %dma_start3A_61 = tpu.memref_squeeze %dma_start3A_60 : memref<1x128xi32, #tpu.memory_space<vmem>> -> memref<128xi32, #tpu.memory_space<vmem>>
    %dma_start3A_62 = arith.constant 0 : i32
    %dma_start3A_63 = arith.constant 0 : i32
    %dma_start3A_64 = tpu.memref_slice %arg4[%dma_start3A_62, %dma_start3A_63] : memref<100000x256xf32, #tpu.memory_space<hbm>> -> memref<100000x256xf32, #tpu.memory_space<hbm>>
    tpu.enqueue_indirect_dma source(%dma_start3A_64 : memref<100000x256xf32, #tpu.memory_space<hbm>>) target(%dma_start3A_58 : memref<128x256xf32, #tpu.memory_space<vmem>>) offsets(%dma_start3A_61 : memref<128xi32, #tpu.memory_space<vmem>>) semaphore(%arg17 : memref<!tpu.dma_semaphore, #tpu.memory_space<semaphore_mem>>)
    %dma_start3A_65 = arith.constant 0 : i32
    %dma_start3A_66 = tpu.memref_slice %arg6[%dma_start3A_65] : memref<8192xi32, #tpu.memory_space<vmem>> -> memref<4096xi32, #tpu.memory_space<vmem>>
    %dma_start3A_67 = arith.constant 0 : i32
    %dma_start3A_68 = tpu.memref_slice %arg3[%dma_start3A_67] : memref<16384xi32, #tpu.memory_space<hbm>> -> memref<4096xi32, #tpu.memory_space<hbm>>
    %dma_start3A_69 = arith.constant 0 : i32
    %dma_start3A_70 = tpu.memref_slice %arg6[%dma_start3A_69] : memref<8192xi32, #tpu.memory_space<vmem>> -> memref<4096xi32, #tpu.memory_space<vmem>>
    %dma_start3A_71 = arith.constant 0 : i32
    %dma_start3A_72 = tpu.memref_slice %arg3[%dma_start3A_71] : memref<16384xi32, #tpu.memory_space<hbm>> -> memref<4096xi32, #tpu.memory_space<hbm>>
    tpu.enqueue_dma source(%dma_start3A_72 : memref<4096xi32, #tpu.memory_space<hbm>>) target(%dma_start3A_70 : memref<4096xi32, #tpu.memory_space<vmem>>) target_semaphore(%arg15 : memref<!tpu.dma_semaphore, #tpu.memory_space<semaphore_mem>>)
    %dma_start3A_73 = arith.constant 4096 : i32
    %dma_start3A_74 = tpu.memref_slice %arg6[%dma_start3A_73] : memref<8192xi32, #tpu.memory_space<vmem>> -> memref<4096xi32, #tpu.memory_space<vmem>>
    %dma_start3A_75 = arith.constant 4096 : i32
    %dma_start3A_76 = tpu.memref_slice %arg3[%dma_start3A_75] : memref<16384xi32, #tpu.memory_space<hbm>> -> memref<4096xi32, #tpu.memory_space<hbm>>
    %dma_start3A_77 = arith.constant 4096 : i32
    %dma_start3A_78 = tpu.memref_slice %arg6[%dma_start3A_77] : memref<8192xi32, #tpu.memory_space<vmem>> -> memref<4096xi32, #tpu.memory_space<vmem>>
    %dma_start3A_79 = arith.constant 4096 : i32
    %dma_start3A_80 = tpu.memref_slice %arg3[%dma_start3A_79] : memref<16384xi32, #tpu.memory_space<hbm>> -> memref<4096xi32, #tpu.memory_space<hbm>>
    tpu.enqueue_dma source(%dma_start3A_80 : memref<4096xi32, #tpu.memory_space<hbm>>) target(%dma_start3A_78 : memref<4096xi32, #tpu.memory_space<vmem>>) target_semaphore(%arg16 : memref<!tpu.dma_semaphore, #tpu.memory_space<semaphore_mem>>)
    %dma_start3A_81 = arith.constant 0 : i32
    %dma_start3A_82 = tpu.memref_slice %arg2[%mul3A_2, %dma_start3A_81] : memref<16384x256xf32, #tpu.memory_space<hbm>> -> memref<128x256xf32, #tpu.memory_space<hbm>>
    %dma_start3A_83 = arith.constant 0 : i32
    %dma_start3A_84 = tpu.memref_slice %arg2[%mul3A_2, %dma_start3A_83] : memref<16384x256xf32, #tpu.memory_space<hbm>> -> memref<128x256xf32, #tpu.memory_space<hbm>>
    tpu.enqueue_dma source(%dma_start3A_84 : memref<128x256xf32, #tpu.memory_space<hbm>>) target(%arg13 : memref<128x256xf32, #tpu.memory_space<vmem>>) target_semaphore(%arg21 : memref<!tpu.dma_semaphore, #tpu.memory_space<semaphore_mem>>)
    %broadcast_in_dim3A = arith.constant -1 : i32
    %broadcast_in_dim3A_85 = vector.broadcast %broadcast_in_dim3A : i32 to vector<16xi32>
    %scan3A = arith.constant 0 : i32
    %scan3A_86 = arith.constant 0 : i32
    %scan3A_87 = arith.constant 97 : i32
    %scan3A_88 = arith.addi %scan3A_86, %scan3A_87 : i32
    %scan3A_89 = arith.constant 1 : i32
    scf.for %scan3A_820 = %scan3A_86 to %scan3A_88 step %scan3A_89  : i32 {
      %mul3A_821 = arith.constant 4 : i32
      %mul3A_822 = arith.muli %scan3A_820, %mul3A_821 : i32
      %add3A_823 = arith.constant 0 : i32
      %add3A_824 = arith.addi %mul3A_822, %add3A_823 : i32
      %mul3A_825 = arith.constant 16 : i32
      %mul3A_826 = arith.muli %add3A_824, %mul3A_825 : i32
      %swap3A_827 = arith.index_cast %mul3A_826 : i32 to index
      %swap3A_828 = tpu.vector_load %arg7[%swap3A_827] {strides = array<i32>} : memref<6256xi32, #tpu.memory_space<vmem>>, vector<16xi32>,
      tpu.vector_store %arg7[%swap3A_827], %broadcast_in_dim3A_85 {strides = array<i32>} : memref<6256xi32, #tpu.memory_space<vmem>>, vector<16xi32>,
      %mul3A_829 = arith.constant 4 : i32
      %mul3A_830 = arith.muli %scan3A_820, %mul3A_829 : i32
      %add3A_831 = arith.constant 1 : i32
      %add3A_832 = arith.addi %mul3A_830, %add3A_831 : i32
      %mul3A_833 = arith.constant 16 : i32
      %mul3A_834 = arith.muli %add3A_832, %mul3A_833 : i32
      %swap3A_835 = arith.index_cast %mul3A_834 : i32 to index
      %swap3A_836 = tpu.vector_load %arg7[%swap3A_835] {strides = array<i32>} : memref<6256xi32, #tpu.memory_space<vmem>>, vector<16xi32>,
      tpu.vector_store %arg7[%swap3A_835], %broadcast_in_dim3A_85 {strides = array<i32>} : memref<6256xi32, #tpu.memory_space<vmem>>, vector<16xi32>,
      %mul3A_837 = arith.constant 4 : i32
      %mul3A_838 = arith.muli %scan3A_820, %mul3A_837 : i32
      %add3A_839 = arith.constant 2 : i32
      %add3A_840 = arith.addi %mul3A_838, %add3A_839 : i32
      %mul3A_841 = arith.constant 16 : i32
      %mul3A_842 = arith.muli %add3A_840, %mul3A_841 : i32
      %swap3A_843 = arith.index_cast %mul3A_842 : i32 to index
      %swap3A_844 = tpu.vector_load %arg7[%swap3A_843] {strides = array<i32>} : memref<6256xi32, #tpu.memory_space<vmem>>, vector<16xi32>,
      tpu.vector_store %arg7[%swap3A_843], %broadcast_in_dim3A_85 {strides = array<i32>} : memref<6256xi32, #tpu.memory_space<vmem>>, vector<16xi32>,
      %mul3A_845 = arith.constant 4 : i32
      %mul3A_846 = arith.muli %scan3A_820, %mul3A_845 : i32
      %add3A_847 = arith.constant 3 : i32
      %add3A_848 = arith.addi %mul3A_846, %add3A_847 : i32
      %mul3A_849 = arith.constant 16 : i32
      %mul3A_850 = arith.muli %add3A_848, %mul3A_849 : i32
      %swap3A_851 = arith.index_cast %mul3A_850 : i32 to index
      %swap3A_852 = tpu.vector_load %arg7[%swap3A_851] {strides = array<i32>} : memref<6256xi32, #tpu.memory_space<vmem>>, vector<16xi32>,
      tpu.vector_store %arg7[%swap3A_851], %broadcast_in_dim3A_85 {strides = array<i32>} : memref<6256xi32, #tpu.memory_space<vmem>>, vector<16xi32>,
    }
    %scan3A_90 = arith.constant 97 : i32
    %swap3A = arith.constant 6208 : index
    %swap3A_91 = tpu.vector_load %arg7[%swap3A] {strides = array<i32>} : memref<6256xi32, #tpu.memory_space<vmem>>, vector<16xi32>,
    tpu.vector_store %arg7[%swap3A], %broadcast_in_dim3A_85 {strides = array<i32>} : memref<6256xi32, #tpu.memory_space<vmem>>, vector<16xi32>,
    %swap3A_92 = arith.constant 6224 : index
    %swap3A_93 = tpu.vector_load %arg7[%swap3A_92] {strides = array<i32>} : memref<6256xi32, #tpu.memory_space<vmem>>, vector<16xi32>,
    tpu.vector_store %arg7[%swap3A_92], %broadcast_in_dim3A_85 {strides = array<i32>} : memref<6256xi32, #tpu.memory_space<vmem>>, vector<16xi32>,
    %swap3A_94 = arith.constant 6240 : index
    %swap3A_95 = tpu.vector_load %arg7[%swap3A_94] {strides = array<i32>} : memref<6256xi32, #tpu.memory_space<vmem>>, vector<16xi32>,
    tpu.vector_store %arg7[%swap3A_94], %broadcast_in_dim3A_85 {strides = array<i32>} : memref<6256xi32, #tpu.memory_space<vmem>>, vector<16xi32>,
    %mul3A_96 = arith.constant 6256 : i32
    %mul3A_97 = arith.muli %arg1, %mul3A_96 : i32
    %broadcast_in_dim3A_98 = arith.constant false
    %broadcast_in_dim3A_99 = vector.broadcast %broadcast_in_dim3A_98 : i1 to vector<16xi1>
    %dma_wait3A_100 = arith.constant 0 : i32
    %dma_wait3A_101 = tpu.memref_slice %arg6[%dma_wait3A_100] : memref<8192xi32, #tpu.memory_space<vmem>> -> memref<4096xi32, #tpu.memory_space<vmem>>
    %dma_wait3A_102 = arith.constant 0 : i32
    %dma_wait3A_103 = tpu.memref_slice %arg3[%dma_wait3A_102] : memref<16384xi32, #tpu.memory_space<hbm>> -> memref<4096xi32, #tpu.memory_space<hbm>>
    %dma_wait3A_104 = arith.constant 0 : i32
    %dma_wait3A_105 = tpu.memref_slice %arg6[%dma_wait3A_104] : memref<8192xi32, #tpu.memory_space<vmem>> -> memref<4096xi32, #tpu.memory_space<vmem>>
    %dma_wait3A_106 = arith.constant 0 : i32
    %dma_wait3A_107 = tpu.memref_slice %arg3[%dma_wait3A_106] : memref<16384xi32, #tpu.memory_space<hbm>> -> memref<4096xi32, #tpu.memory_space<hbm>>
    tpu.wait_dma2 semaphore(%arg15 : memref<!tpu.dma_semaphore, #tpu.memory_space<semaphore_mem>>) src(%dma_wait3A_107 : memref<4096xi32, #tpu.memory_space<hbm>>) dst(%dma_wait3A_105 : memref<4096xi32, #tpu.memory_space<vmem>>)
    %scan3A_108 = arith.constant 0 : i32
    %scan3A_109 = arith.constant 32 : i32
    %scan3A_110 = arith.addi %scan3A_108, %scan3A_109 : i32
    %scan3A_111 = arith.constant 1 : i32
    %scan3A_112 = scf.for %scan3A_820 = %scan3A_108 to %scan3A_110 step %scan3A_111 iter_args(%scan3A_821 = %broadcast_in_dim3A_99) -> (vector<16xi1>)  : i32 {
      %mul3A_822 = arith.constant 8 : i32
      %mul3A_823 = arith.muli %scan3A_820, %mul3A_822 : i32
      %add3A_824 = arith.constant 0 : i32
      %add3A_825 = arith.addi %mul3A_823, %add3A_824 : i32
      %mul3A_826 = arith.constant 16 : i32
      %mul3A_827 = arith.muli %add3A_825, %mul3A_826 : i32
      %get3A_828 = arith.index_cast %mul3A_827 : i32 to index
      %get3A_829 = tpu.vector_load %arg6[%get3A_828] {strides = array<i32>} : memref<8192xi32, #tpu.memory_space<vmem>>, vector<16xi32>,
      %sub3A = vector.broadcast %mul3A_97 : i32 to vector<16xi32>
      %sub3A_830 = arith.subi %get3A_829, %sub3A : vector<16xi32>
      %ge3A_831 = arith.constant 0 : i32
      %ge3A_832 = vector.broadcast %ge3A_831 : i32 to vector<16xi32>
      %ge3A_833 = arith.cmpi sge, %sub3A_830, %ge3A_832 : vector<16xi32>
      %lt3A = arith.constant 6256 : i32
      %lt3A_834 = vector.broadcast %lt3A : i32 to vector<16xi32>
      %lt3A_835 = arith.cmpi slt, %sub3A_830, %lt3A_834 : vector<16xi32>
      %and3A = arith.andi %ge3A_833, %lt3A_835 : vector<16xi1>
      %mul3A_836 = arith.constant 16 : i32
      %mul3A_837 = arith.muli %add3A_825, %mul3A_836 : i32
      %add3A_838 = vector.broadcast %mul3A_837 : i32 to vector<16xi32>
      %add3A_839 = arith.addi %add3A_838, %iota3A : vector<16xi32>
      %jit3A = arith.constant 0 : i32
      %broadcast_in_dim3A_840 = vector.broadcast %jit3A : i32 to vector<16xi32>
      %select_n3A_841 = arith.select %and3A, %sub3A_830, %broadcast_in_dim3A_840 : vector<16xi1>, vector<16xi32>
      tpu.vector_store_idx %arg7[%select_n3A_841], %add3A_839 masked %and3A : memref<6256xi32, #tpu.memory_space<vmem>>[vector<16xi32>], vector<16xi32>, vector<16xi1>
      %gather3A = tpu.vector_load_idx %arg7[%select_n3A_841] : memref<6256xi32, #tpu.memory_space<vmem>>[vector<16xi32>], vector<16xi32>,
      %gt3A = arith.cmpi sgt, %add3A_839, %gather3A : vector<16xi32>
      %and3A_842 = arith.andi %and3A, %gt3A : vector<16xi1>
      tpu.vector_store_idx %arg7[%select_n3A_841], %add3A_839 masked %and3A_842 : memref<6256xi32, #tpu.memory_space<vmem>>[vector<16xi32>], vector<16xi32>, vector<16xi1>
      %all_reduce_population_count3A = tpu.all_reduce %and3A_842 {dim = 0 : i64, kind = #tpu.reduction_kind<sum>} : vector<16xi1> -> vector<16xi32>
      %ge3A_843 = arith.constant 2 : i32
      %ge3A_844 = vector.broadcast %ge3A_843 : i32 to vector<16xi32>
      %ge3A_845 = arith.cmpi sge, %all_reduce_population_count3A, %ge3A_844 : vector<16xi32>
      %or3A = arith.ori %scan3A_821, %ge3A_845 : vector<16xi1>
      %mul3A_846 = arith.constant 8 : i32
      %mul3A_847 = arith.muli %scan3A_820, %mul3A_846 : i32
      %add3A_848 = arith.constant 1 : i32
      %add3A_849 = arith.addi %mul3A_847, %add3A_848 : i32
      %mul3A_850 = arith.constant 16 : i32
      %mul3A_851 = arith.muli %add3A_849, %mul3A_850 : i32
      %get3A_852 = arith.index_cast %mul3A_851 : i32 to index
      %get3A_853 = tpu.vector_load %arg6[%get3A_852] {strides = array<i32>} : memref<8192xi32, #tpu.memory_space<vmem>>, vector<16xi32>,
      %sub3A_854 = vector.broadcast %mul3A_97 : i32 to vector<16xi32>
      %sub3A_855 = arith.subi %get3A_853, %sub3A_854 : vector<16xi32>
      %ge3A_856 = arith.constant 0 : i32
      %ge3A_857 = vector.broadcast %ge3A_856 : i32 to vector<16xi32>
      %ge3A_858 = arith.cmpi sge, %sub3A_855, %ge3A_857 : vector<16xi32>
      %lt3A_859 = arith.constant 6256 : i32
      %lt3A_860 = vector.broadcast %lt3A_859 : i32 to vector<16xi32>
      %lt3A_861 = arith.cmpi slt, %sub3A_855, %lt3A_860 : vector<16xi32>
      %and3A_862 = arith.andi %ge3A_858, %lt3A_861 : vector<16xi1>
      %mul3A_863 = arith.constant 16 : i32
      %mul3A_864 = arith.muli %add3A_849, %mul3A_863 : i32
      %add3A_865 = vector.broadcast %mul3A_864 : i32 to vector<16xi32>
      %add3A_866 = arith.addi %add3A_865, %iota3A : vector<16xi32>
      %jit3A_867 = arith.constant 0 : i32
      %broadcast_in_dim3A_868 = vector.broadcast %jit3A_867 : i32 to vector<16xi32>
      %select_n3A_869 = arith.select %and3A_862, %sub3A_855, %broadcast_in_dim3A_868 : vector<16xi1>, vector<16xi32>
      tpu.vector_store_idx %arg7[%select_n3A_869], %add3A_866 masked %and3A_862 : memref<6256xi32, #tpu.memory_space<vmem>>[vector<16xi32>], vector<16xi32>, vector<16xi1>
      %gather3A_870 = tpu.vector_load_idx %arg7[%select_n3A_869] : memref<6256xi32, #tpu.memory_space<vmem>>[vector<16xi32>], vector<16xi32>,
      %gt3A_871 = arith.cmpi sgt, %add3A_866, %gather3A_870 : vector<16xi32>
      %and3A_872 = arith.andi %and3A_862, %gt3A_871 : vector<16xi1>
      tpu.vector_store_idx %arg7[%select_n3A_869], %add3A_866 masked %and3A_872 : memref<6256xi32, #tpu.memory_space<vmem>>[vector<16xi32>], vector<16xi32>, vector<16xi1>
      %all_reduce_population_count3A_873 = tpu.all_reduce %and3A_872 {dim = 0 : i64, kind = #tpu.reduction_kind<sum>} : vector<16xi1> -> vector<16xi32>
      %ge3A_874 = arith.constant 2 : i32
      %ge3A_875 = vector.broadcast %ge3A_874 : i32 to vector<16xi32>
      %ge3A_876 = arith.cmpi sge, %all_reduce_population_count3A_873, %ge3A_875 : vector<16xi32>
      %or3A_877 = arith.ori %or3A, %ge3A_876 : vector<16xi1>
      %mul3A_878 = arith.constant 8 : i32
      %mul3A_879 = arith.muli %scan3A_820, %mul3A_878 : i32
      %add3A_880 = arith.constant 2 : i32
      %add3A_881 = arith.addi %mul3A_879, %add3A_880 : i32
      %mul3A_882 = arith.constant 16 : i32
      %mul3A_883 = arith.muli %add3A_881, %mul3A_882 : i32
      %get3A_884 = arith.index_cast %mul3A_883 : i32 to index
      %get3A_885 = tpu.vector_load %arg6[%get3A_884] {strides = array<i32>} : memref<8192xi32, #tpu.memory_space<vmem>>, vector<16xi32>,
      %sub3A_886 = vector.broadcast %mul3A_97 : i32 to vector<16xi32>
      %sub3A_887 = arith.subi %get3A_885, %sub3A_886 : vector<16xi32>
      %ge3A_888 = arith.constant 0 : i32
      %ge3A_889 = vector.broadcast %ge3A_888 : i32 to vector<16xi32>
      %ge3A_890 = arith.cmpi sge, %sub3A_887, %ge3A_889 : vector<16xi32>
      %lt3A_891 = arith.constant 6256 : i32
      %lt3A_892 = vector.broadcast %lt3A_891 : i32 to vector<16xi32>
      %lt3A_893 = arith.cmpi slt, %sub3A_887, %lt3A_892 : vector<16xi32>
      %and3A_894 = arith.andi %ge3A_890, %lt3A_893 : vector<16xi1>
      %mul3A_895 = arith.constant 16 : i32
      %mul3A_896 = arith.muli %add3A_881, %mul3A_895 : i32
      %add3A_897 = vector.broadcast %mul3A_896 : i32 to vector<16xi32>
      %add3A_898 = arith.addi %add3A_897, %iota3A : vector<16xi32>
      %jit3A_899 = arith.constant 0 : i32
      %broadcast_in_dim3A_900 = vector.broadcast %jit3A_899 : i32 to vector<16xi32>
      %select_n3A_901 = arith.select %and3A_894, %sub3A_887, %broadcast_in_dim3A_900 : vector<16xi1>, vector<16xi32>
      tpu.vector_store_idx %arg7[%select_n3A_901], %add3A_898 masked %and3A_894 : memref<6256xi32, #tpu.memory_space<vmem>>[vector<16xi32>], vector<16xi32>, vector<16xi1>
      %gather3A_902 = tpu.vector_load_idx %arg7[%select_n3A_901] : memref<6256xi32, #tpu.memory_space<vmem>>[vector<16xi32>], vector<16xi32>,
      %gt3A_903 = arith.cmpi sgt, %add3A_898, %gather3A_902 : vector<16xi32>
      %and3A_904 = arith.andi %and3A_894, %gt3A_903 : vector<16xi1>
      tpu.vector_store_idx %arg7[%select_n3A_901], %add3A_898 masked %and3A_904 : memref<6256xi32, #tpu.memory_space<vmem>>[vector<16xi32>], vector<16xi32>, vector<16xi1>
      %all_reduce_population_count3A_905 = tpu.all_reduce %and3A_904 {dim = 0 : i64, kind = #tpu.reduction_kind<sum>} : vector<16xi1> -> vector<16xi32>
      %ge3A_906 = arith.constant 2 : i32
      %ge3A_907 = vector.broadcast %ge3A_906 : i32 to vector<16xi32>
      %ge3A_908 = arith.cmpi sge, %all_reduce_population_count3A_905, %ge3A_907 : vector<16xi32>
      %or3A_909 = arith.ori %or3A_877, %ge3A_908 : vector<16xi1>
      %mul3A_910 = arith.constant 8 : i32
      %mul3A_911 = arith.muli %scan3A_820, %mul3A_910 : i32
      %add3A_912 = arith.constant 3 : i32
      %add3A_913 = arith.addi %mul3A_911, %add3A_912 : i32
      %mul3A_914 = arith.constant 16 : i32
      %mul3A_915 = arith.muli %add3A_913, %mul3A_914 : i32
      %get3A_916 = arith.index_cast %mul3A_915 : i32 to index
      %get3A_917 = tpu.vector_load %arg6[%get3A_916] {strides = array<i32>} : memref<8192xi32, #tpu.memory_space<vmem>>, vector<16xi32>,
      %sub3A_918 = vector.broadcast %mul3A_97 : i32 to vector<16xi32>
      %sub3A_919 = arith.subi %get3A_917, %sub3A_918 : vector<16xi32>
      %ge3A_920 = arith.constant 0 : i32
      %ge3A_921 = vector.broadcast %ge3A_920 : i32 to vector<16xi32>
      %ge3A_922 = arith.cmpi sge, %sub3A_919, %ge3A_921 : vector<16xi32>
      %lt3A_923 = arith.constant 6256 : i32
      %lt3A_924 = vector.broadcast %lt3A_923 : i32 to vector<16xi32>
      %lt3A_925 = arith.cmpi slt, %sub3A_919, %lt3A_924 : vector<16xi32>
      %and3A_926 = arith.andi %ge3A_922, %lt3A_925 : vector<16xi1>
      %mul3A_927 = arith.constant 16 : i32
      %mul3A_928 = arith.muli %add3A_913, %mul3A_927 : i32
      %add3A_929 = vector.broadcast %mul3A_928 : i32 to vector<16xi32>
      %add3A_930 = arith.addi %add3A_929, %iota3A : vector<16xi32>
      %jit3A_931 = arith.constant 0 : i32
      %broadcast_in_dim3A_932 = vector.broadcast %jit3A_931 : i32 to vector<16xi32>
      %select_n3A_933 = arith.select %and3A_926, %sub3A_919, %broadcast_in_dim3A_932 : vector<16xi1>, vector<16xi32>
      tpu.vector_store_idx %arg7[%select_n3A_933], %add3A_930 masked %and3A_926 : memref<6256xi32, #tpu.memory_space<vmem>>[vector<16xi32>], vector<16xi32>, vector<16xi1>
      %gather3A_934 = tpu.vector_load_idx %arg7[%select_n3A_933] : memref<6256xi32, #tpu.memory_space<vmem>>[vector<16xi32>], vector<16xi32>,
      %gt3A_935 = arith.cmpi sgt, %add3A_930, %gather3A_934 : vector<16xi32>
      %and3A_936 = arith.andi %and3A_926, %gt3A_935 : vector<16xi1>
      tpu.vector_store_idx %arg7[%select_n3A_933], %add3A_930 masked %and3A_936 : memref<6256xi32, #tpu.memory_space<vmem>>[vector<16xi32>], vector<16xi32>, vector<16xi1>
      %all_reduce_population_count3A_937 = tpu.all_reduce %and3A_936 {dim = 0 : i64, kind = #tpu.reduction_kind<sum>} : vector<16xi1> -> vector<16xi32>
      %ge3A_938 = arith.constant 2 : i32
      %ge3A_939 = vector.broadcast %ge3A_938 : i32 to vector<16xi32>
      %ge3A_940 = arith.cmpi sge, %all_reduce_population_count3A_937, %ge3A_939 : vector<16xi32>
      %or3A_941 = arith.ori %or3A_909, %ge3A_940 : vector<16xi1>
      %mul3A_942 = arith.constant 8 : i32
      %mul3A_943 = arith.muli %scan3A_820, %mul3A_942 : i32
      %add3A_944 = arith.constant 4 : i32
      %add3A_945 = arith.addi %mul3A_943, %add3A_944 : i32
      %mul3A_946 = arith.constant 16 : i32
      %mul3A_947 = arith.muli %add3A_945, %mul3A_946 : i32
      %get3A_948 = arith.index_cast %mul3A_947 : i32 to index
      %get3A_949 = tpu.vector_load %arg6[%get3A_948] {strides = array<i32>} : memref<8192xi32, #tpu.memory_space<vmem>>, vector<16xi32>,
      %sub3A_950 = vector.broadcast %mul3A_97 : i32 to vector<16xi32>
      %sub3A_951 = arith.subi %get3A_949, %sub3A_950 : vector<16xi32>
      %ge3A_952 = arith.constant 0 : i32
      %ge3A_953 = vector.broadcast %ge3A_952 : i32 to vector<16xi32>
      %ge3A_954 = arith.cmpi sge, %sub3A_951, %ge3A_953 : vector<16xi32>
      %lt3A_955 = arith.constant 6256 : i32
      %lt3A_956 = vector.broadcast %lt3A_955 : i32 to vector<16xi32>
      %lt3A_957 = arith.cmpi slt, %sub3A_951, %lt3A_956 : vector<16xi32>
      %and3A_958 = arith.andi %ge3A_954, %lt3A_957 : vector<16xi1>
      %mul3A_959 = arith.constant 16 : i32
      %mul3A_960 = arith.muli %add3A_945, %mul3A_959 : i32
      %add3A_961 = vector.broadcast %mul3A_960 : i32 to vector<16xi32>
      %add3A_962 = arith.addi %add3A_961, %iota3A : vector<16xi32>
      %jit3A_963 = arith.constant 0 : i32
      %broadcast_in_dim3A_964 = vector.broadcast %jit3A_963 : i32 to vector<16xi32>
      %select_n3A_965 = arith.select %and3A_958, %sub3A_951, %broadcast_in_dim3A_964 : vector<16xi1>, vector<16xi32>
      tpu.vector_store_idx %arg7[%select_n3A_965], %add3A_962 masked %and3A_958 : memref<6256xi32, #tpu.memory_space<vmem>>[vector<16xi32>], vector<16xi32>, vector<16xi1>
      %gather3A_966 = tpu.vector_load_idx %arg7[%select_n3A_965] : memref<6256xi32, #tpu.memory_space<vmem>>[vector<16xi32>], vector<16xi32>,
      %gt3A_967 = arith.cmpi sgt, %add3A_962, %gather3A_966 : vector<16xi32>
      %and3A_968 = arith.andi %and3A_958, %gt3A_967 : vector<16xi1>
      tpu.vector_store_idx %arg7[%select_n3A_965], %add3A_962 masked %and3A_968 : memref<6256xi32, #tpu.memory_space<vmem>>[vector<16xi32>], vector<16xi32>, vector<16xi1>
      %all_reduce_population_count3A_969 = tpu.all_reduce %and3A_968 {dim = 0 : i64, kind = #tpu.reduction_kind<sum>} : vector<16xi1> -> vector<16xi32>
      %ge3A_970 = arith.constant 2 : i32
      %ge3A_971 = vector.broadcast %ge3A_970 : i32 to vector<16xi32>
      %ge3A_972 = arith.cmpi sge, %all_reduce_population_count3A_969, %ge3A_971 : vector<16xi32>
      %or3A_973 = arith.ori %or3A_941, %ge3A_972 : vector<16xi1>
      %mul3A_974 = arith.constant 8 : i32
      %mul3A_975 = arith.muli %scan3A_820, %mul3A_974 : i32
      %add3A_976 = arith.constant 5 : i32
      %add3A_977 = arith.addi %mul3A_975, %add3A_976 : i32
      %mul3A_978 = arith.constant 16 : i32
      %mul3A_979 = arith.muli %add3A_977, %mul3A_978 : i32
      %get3A_980 = arith.index_cast %mul3A_979 : i32 to index
      %get3A_981 = tpu.vector_load %arg6[%get3A_980] {strides = array<i32>} : memref<8192xi32, #tpu.memory_space<vmem>>, vector<16xi32>,
      %sub3A_982 = vector.broadcast %mul3A_97 : i32 to vector<16xi32>
      %sub3A_983 = arith.subi %get3A_981, %sub3A_982 : vector<16xi32>
      %ge3A_984 = arith.constant 0 : i32
      %ge3A_985 = vector.broadcast %ge3A_984 : i32 to vector<16xi32>
      %ge3A_986 = arith.cmpi sge, %sub3A_983, %ge3A_985 : vector<16xi32>
      %lt3A_987 = arith.constant 6256 : i32
      %lt3A_988 = vector.broadcast %lt3A_987 : i32 to vector<16xi32>
      %lt3A_989 = arith.cmpi slt, %sub3A_983, %lt3A_988 : vector<16xi32>
      %and3A_990 = arith.andi %ge3A_986, %lt3A_989 : vector<16xi1>
      %mul3A_991 = arith.constant 16 : i32
      %mul3A_992 = arith.muli %add3A_977, %mul3A_991 : i32
      %add3A_993 = vector.broadcast %mul3A_992 : i32 to vector<16xi32>
      %add3A_994 = arith.addi %add3A_993, %iota3A : vector<16xi32>
      %jit3A_995 = arith.constant 0 : i32
      %broadcast_in_dim3A_996 = vector.broadcast %jit3A_995 : i32 to vector<16xi32>
      %select_n3A_997 = arith.select %and3A_990, %sub3A_983, %broadcast_in_dim3A_996 : vector<16xi1>, vector<16xi32>
      tpu.vector_store_idx %arg7[%select_n3A_997], %add3A_994 masked %and3A_990 : memref<6256xi32, #tpu.memory_space<vmem>>[vector<16xi32>], vector<16xi32>, vector<16xi1>
      %gather3A_998 = tpu.vector_load_idx %arg7[%select_n3A_997] : memref<6256xi32, #tpu.memory_space<vmem>>[vector<16xi32>], vector<16xi32>,
      %gt3A_999 = arith.cmpi sgt, %add3A_994, %gather3A_998 : vector<16xi32>
      %and3A_1000 = arith.andi %and3A_990, %gt3A_999 : vector<16xi1>
      tpu.vector_store_idx %arg7[%select_n3A_997], %add3A_994 masked %and3A_1000 : memref<6256xi32, #tpu.memory_space<vmem>>[vector<16xi32>], vector<16xi32>, vector<16xi1>
      %all_reduce_population_count3A_1001 = tpu.all_reduce %and3A_1000 {dim = 0 : i64, kind = #tpu.reduction_kind<sum>} : vector<16xi1> -> vector<16xi32>
      %ge3A_1002 = arith.constant 2 : i32
      %ge3A_1003 = vector.broadcast %ge3A_1002 : i32 to vector<16xi32>
      %ge3A_1004 = arith.cmpi sge, %all_reduce_population_count3A_1001, %ge3A_1003 : vector<16xi32>
      %or3A_1005 = arith.ori %or3A_973, %ge3A_1004 : vector<16xi1>
      %mul3A_1006 = arith.constant 8 : i32
      %mul3A_1007 = arith.muli %scan3A_820, %mul3A_1006 : i32
      %add3A_1008 = arith.constant 6 : i32
      %add3A_1009 = arith.addi %mul3A_1007, %add3A_1008 : i32
      %mul3A_1010 = arith.constant 16 : i32
      %mul3A_1011 = arith.muli %add3A_1009, %mul3A_1010 : i32
      %get3A_1012 = arith.index_cast %mul3A_1011 : i32 to index
      %get3A_1013 = tpu.vector_load %arg6[%get3A_1012] {strides = array<i32>} : memref<8192xi32, #tpu.memory_space<vmem>>, vector<16xi32>,
      %sub3A_1014 = vector.broadcast %mul3A_97 : i32 to vector<16xi32>
      %sub3A_1015 = arith.subi %get3A_1013, %sub3A_1014 : vector<16xi32>
      %ge3A_1016 = arith.constant 0 : i32
      %ge3A_1017 = vector.broadcast %ge3A_1016 : i32 to vector<16xi32>
      %ge3A_1018 = arith.cmpi sge, %sub3A_1015, %ge3A_1017 : vector<16xi32>
      %lt3A_1019 = arith.constant 6256 : i32
      %lt3A_1020 = vector.broadcast %lt3A_1019 : i32 to vector<16xi32>
      %lt3A_1021 = arith.cmpi slt, %sub3A_1015, %lt3A_1020 : vector<16xi32>
      %and3A_1022 = arith.andi %ge3A_1018, %lt3A_1021 : vector<16xi1>
      %mul3A_1023 = arith.constant 16 : i32
      %mul3A_1024 = arith.muli %add3A_1009, %mul3A_1023 : i32
      %add3A_1025 = vector.broadcast %mul3A_1024 : i32 to vector<16xi32>
      %add3A_1026 = arith.addi %add3A_1025, %iota3A : vector<16xi32>
      %jit3A_1027 = arith.constant 0 : i32
      %broadcast_in_dim3A_1028 = vector.broadcast %jit3A_1027 : i32 to vector<16xi32>
      %select_n3A_1029 = arith.select %and3A_1022, %sub3A_1015, %broadcast_in_dim3A_1028 : vector<16xi1>, vector<16xi32>
      tpu.vector_store_idx %arg7[%select_n3A_1029], %add3A_1026 masked %and3A_1022 : memref<6256xi32, #tpu.memory_space<vmem>>[vector<16xi32>], vector<16xi32>, vector<16xi1>
      %gather3A_1030 = tpu.vector_load_idx %arg7[%select_n3A_1029] : memref<6256xi32, #tpu.memory_space<vmem>>[vector<16xi32>], vector<16xi32>,
      %gt3A_1031 = arith.cmpi sgt, %add3A_1026, %gather3A_1030 : vector<16xi32>
      %and3A_1032 = arith.andi %and3A_1022, %gt3A_1031 : vector<16xi1>
      tpu.vector_store_idx %arg7[%select_n3A_1029], %add3A_1026 masked %and3A_1032 : memref<6256xi32, #tpu.memory_space<vmem>>[vector<16xi32>], vector<16xi32>, vector<16xi1>
      %all_reduce_population_count3A_1033 = tpu.all_reduce %and3A_1032 {dim = 0 : i64, kind = #tpu.reduction_kind<sum>} : vector<16xi1> -> vector<16xi32>
      %ge3A_1034 = arith.constant 2 : i32
      %ge3A_1035 = vector.broadcast %ge3A_1034 : i32 to vector<16xi32>
      %ge3A_1036 = arith.cmpi sge, %all_reduce_population_count3A_1033, %ge3A_1035 : vector<16xi32>
      %or3A_1037 = arith.ori %or3A_1005, %ge3A_1036 : vector<16xi1>
      %mul3A_1038 = arith.constant 8 : i32
      %mul3A_1039 = arith.muli %scan3A_820, %mul3A_1038 : i32
      %add3A_1040 = arith.constant 7 : i32
      %add3A_1041 = arith.addi %mul3A_1039, %add3A_1040 : i32
      %mul3A_1042 = arith.constant 16 : i32
      %mul3A_1043 = arith.muli %add3A_1041, %mul3A_1042 : i32
      %get3A_1044 = arith.index_cast %mul3A_1043 : i32 to index
      %get3A_1045 = tpu.vector_load %arg6[%get3A_1044] {strides = array<i32>} : memref<8192xi32, #tpu.memory_space<vmem>>, vector<16xi32>,
      %sub3A_1046 = vector.broadcast %mul3A_97 : i32 to vector<16xi32>
      %sub3A_1047 = arith.subi %get3A_1045, %sub3A_1046 : vector<16xi32>
      %ge3A_1048 = arith.constant 0 : i32
      %ge3A_1049 = vector.broadcast %ge3A_1048 : i32 to vector<16xi32>
      %ge3A_1050 = arith.cmpi sge, %sub3A_1047, %ge3A_1049 : vector<16xi32>
      %lt3A_1051 = arith.constant 6256 : i32
      %lt3A_1052 = vector.broadcast %lt3A_1051 : i32 to vector<16xi32>
      %lt3A_1053 = arith.cmpi slt, %sub3A_1047, %lt3A_1052 : vector<16xi32>
      %and3A_1054 = arith.andi %ge3A_1050, %lt3A_1053 : vector<16xi1>
      %mul3A_1055 = arith.constant 16 : i32
      %mul3A_1056 = arith.muli %add3A_1041, %mul3A_1055 : i32
      %add3A_1057 = vector.broadcast %mul3A_1056 : i32 to vector<16xi32>
      %add3A_1058 = arith.addi %add3A_1057, %iota3A : vector<16xi32>
      %jit3A_1059 = arith.constant 0 : i32
      %broadcast_in_dim3A_1060 = vector.broadcast %jit3A_1059 : i32 to vector<16xi32>
      %select_n3A_1061 = arith.select %and3A_1054, %sub3A_1047, %broadcast_in_dim3A_1060 : vector<16xi1>, vector<16xi32>
      tpu.vector_store_idx %arg7[%select_n3A_1061], %add3A_1058 masked %and3A_1054 : memref<6256xi32, #tpu.memory_space<vmem>>[vector<16xi32>], vector<16xi32>, vector<16xi1>
      %gather3A_1062 = tpu.vector_load_idx %arg7[%select_n3A_1061] : memref<6256xi32, #tpu.memory_space<vmem>>[vector<16xi32>], vector<16xi32>,
      %gt3A_1063 = arith.cmpi sgt, %add3A_1058, %gather3A_1062 : vector<16xi32>
      %and3A_1064 = arith.andi %and3A_1054, %gt3A_1063 : vector<16xi1>
      tpu.vector_store_idx %arg7[%select_n3A_1061], %add3A_1058 masked %and3A_1064 : memref<6256xi32, #tpu.memory_space<vmem>>[vector<16xi32>], vector<16xi32>, vector<16xi1>
      %all_reduce_population_count3A_1065 = tpu.all_reduce %and3A_1064 {dim = 0 : i64, kind = #tpu.reduction_kind<sum>} : vector<16xi1> -> vector<16xi32>
      %ge3A_1066 = arith.constant 2 : i32
      %ge3A_1067 = vector.broadcast %ge3A_1066 : i32 to vector<16xi32>
      %ge3A_1068 = arith.cmpi sge, %all_reduce_population_count3A_1065, %ge3A_1067 : vector<16xi32>
      %or3A_1069 = arith.ori %or3A_1037, %ge3A_1068 : vector<16xi1>
      scf.yield %or3A_1069 : vector<16xi1>
    }
    %scan3A_113 = arith.constant 32 : i32
    %dma_wait3A_114 = arith.constant 0 : i32
    %dma_wait3A_115 = tpu.memref_slice %arg2[%mul3A_2, %dma_wait3A_114] : memref<16384x256xf32, #tpu.memory_space<hbm>> -> memref<128x256xf32, #tpu.memory_space<hbm>>
    %dma_wait3A_116 = arith.constant 0 : i32
    %dma_wait3A_117 = tpu.memref_slice %arg2[%mul3A_2, %dma_wait3A_116] : memref<16384x256xf32, #tpu.memory_space<hbm>> -> memref<128x256xf32, #tpu.memory_space<hbm>>
    tpu.wait_dma2 semaphore(%arg21 : memref<!tpu.dma_semaphore, #tpu.memory_space<semaphore_mem>>) src(%dma_wait3A_117 : memref<128x256xf32, #tpu.memory_space<hbm>>) dst(%arg13 : memref<128x256xf32, #tpu.memory_space<vmem>>)
    %dma_start3A_118 = arith.constant 0 : i32
    %dma_start3A_119 = tpu.memref_slice %arg5[%mul3A_2, %dma_start3A_118] : memref<16384x256xf32, #tpu.memory_space<hbm>> -> memref<128x256xf32, #tpu.memory_space<hbm>>
    %dma_start3A_120 = arith.constant 0 : i32
    %dma_start3A_121 = tpu.memref_slice %arg5[%mul3A_2, %dma_start3A_120] : memref<16384x256xf32, #tpu.memory_space<hbm>> -> memref<128x256xf32, #tpu.memory_space<hbm>>
    tpu.enqueue_dma source(%arg13 : memref<128x256xf32, #tpu.memory_space<vmem>>) target(%dma_start3A_121 : memref<128x256xf32, #tpu.memory_space<hbm>>) target_semaphore(%arg21 : memref<!tpu.dma_semaphore, #tpu.memory_space<semaphore_mem>>)
    %dma_wait3A_122 = arith.constant 4096 : i32
    %dma_wait3A_123 = tpu.memref_slice %arg6[%dma_wait3A_122] : memref<8192xi32, #tpu.memory_space<vmem>> -> memref<4096xi32, #tpu.memory_space<vmem>>
    %dma_wait3A_124 = arith.constant 4096 : i32
    %dma_wait3A_125 = tpu.memref_slice %arg3[%dma_wait3A_124] : memref<16384xi32, #tpu.memory_space<hbm>> -> memref<4096xi32, #tpu.memory_space<hbm>>
    %dma_wait3A_126 = arith.constant 4096 : i32
    %dma_wait3A_127 = tpu.memref_slice %arg6[%dma_wait3A_126] : memref<8192xi32, #tpu.memory_space<vmem>> -> memref<4096xi32, #tpu.memory_space<vmem>>
    %dma_wait3A_128 = arith.constant 4096 : i32
    %dma_wait3A_129 = tpu.memref_slice %arg3[%dma_wait3A_128] : memref<16384xi32, #tpu.memory_space<hbm>> -> memref<4096xi32, #tpu.memory_space<hbm>>
    tpu.wait_dma2 semaphore(%arg16 : memref<!tpu.dma_semaphore, #tpu.memory_space<semaphore_mem>>) src(%dma_wait3A_129 : memref<4096xi32, #tpu.memory_space<hbm>>) dst(%dma_wait3A_127 : memref<4096xi32, #tpu.memory_space<vmem>>)
    %scan3A_130 = arith.constant 32 : i32
    %scan3A_131 = arith.constant 32 : i32
    %scan3A_132 = arith.addi %scan3A_130, %scan3A_131 : i32
    %scan3A_133 = arith.constant 1 : i32
    %scan3A_134 = scf.for %scan3A_820 = %scan3A_130 to %scan3A_132 step %scan3A_133 iter_args(%scan3A_821 = %scan3A_112) -> (vector<16xi1>)  : i32 {
      %mul3A_822 = arith.constant 8 : i32
      %mul3A_823 = arith.muli %scan3A_820, %mul3A_822 : i32
      %add3A_824 = arith.constant 0 : i32
      %add3A_825 = arith.addi %mul3A_823, %add3A_824 : i32
      %mul3A_826 = arith.constant 16 : i32
      %mul3A_827 = arith.muli %add3A_825, %mul3A_826 : i32
      %get3A_828 = arith.index_cast %mul3A_827 : i32 to index
      %get3A_829 = tpu.vector_load %arg6[%get3A_828] {strides = array<i32>} : memref<8192xi32, #tpu.memory_space<vmem>>, vector<16xi32>,
      %sub3A = vector.broadcast %mul3A_97 : i32 to vector<16xi32>
      %sub3A_830 = arith.subi %get3A_829, %sub3A : vector<16xi32>
      %ge3A_831 = arith.constant 0 : i32
      %ge3A_832 = vector.broadcast %ge3A_831 : i32 to vector<16xi32>
      %ge3A_833 = arith.cmpi sge, %sub3A_830, %ge3A_832 : vector<16xi32>
      %lt3A = arith.constant 6256 : i32
      %lt3A_834 = vector.broadcast %lt3A : i32 to vector<16xi32>
      %lt3A_835 = arith.cmpi slt, %sub3A_830, %lt3A_834 : vector<16xi32>
      %and3A = arith.andi %ge3A_833, %lt3A_835 : vector<16xi1>
      %mul3A_836 = arith.constant 16 : i32
      %mul3A_837 = arith.muli %add3A_825, %mul3A_836 : i32
      %add3A_838 = vector.broadcast %mul3A_837 : i32 to vector<16xi32>
      %add3A_839 = arith.addi %add3A_838, %iota3A : vector<16xi32>
      %jit3A = arith.constant 0 : i32
      %broadcast_in_dim3A_840 = vector.broadcast %jit3A : i32 to vector<16xi32>
      %select_n3A_841 = arith.select %and3A, %sub3A_830, %broadcast_in_dim3A_840 : vector<16xi1>, vector<16xi32>
      tpu.vector_store_idx %arg7[%select_n3A_841], %add3A_839 masked %and3A : memref<6256xi32, #tpu.memory_space<vmem>>[vector<16xi32>], vector<16xi32>, vector<16xi1>
      %gather3A = tpu.vector_load_idx %arg7[%select_n3A_841] : memref<6256xi32, #tpu.memory_space<vmem>>[vector<16xi32>], vector<16xi32>,
      %gt3A = arith.cmpi sgt, %add3A_839, %gather3A : vector<16xi32>
      %and3A_842 = arith.andi %and3A, %gt3A : vector<16xi1>
      tpu.vector_store_idx %arg7[%select_n3A_841], %add3A_839 masked %and3A_842 : memref<6256xi32, #tpu.memory_space<vmem>>[vector<16xi32>], vector<16xi32>, vector<16xi1>
      %all_reduce_population_count3A = tpu.all_reduce %and3A_842 {dim = 0 : i64, kind = #tpu.reduction_kind<sum>} : vector<16xi1> -> vector<16xi32>
      %ge3A_843 = arith.constant 2 : i32
      %ge3A_844 = vector.broadcast %ge3A_843 : i32 to vector<16xi32>
      %ge3A_845 = arith.cmpi sge, %all_reduce_population_count3A, %ge3A_844 : vector<16xi32>
      %or3A = arith.ori %scan3A_821, %ge3A_845 : vector<16xi1>
      %mul3A_846 = arith.constant 8 : i32
      %mul3A_847 = arith.muli %scan3A_820, %mul3A_846 : i32
      %add3A_848 = arith.constant 1 : i32
      %add3A_849 = arith.addi %mul3A_847, %add3A_848 : i32
      %mul3A_850 = arith.constant 16 : i32
      %mul3A_851 = arith.muli %add3A_849, %mul3A_850 : i32
      %get3A_852 = arith.index_cast %mul3A_851 : i32 to index
      %get3A_853 = tpu.vector_load %arg6[%get3A_852] {strides = array<i32>} : memref<8192xi32, #tpu.memory_space<vmem>>, vector<16xi32>,
      %sub3A_854 = vector.broadcast %mul3A_97 : i32 to vector<16xi32>
      %sub3A_855 = arith.subi %get3A_853, %sub3A_854 : vector<16xi32>
      %ge3A_856 = arith.constant 0 : i32
      %ge3A_857 = vector.broadcast %ge3A_856 : i32 to vector<16xi32>
      %ge3A_858 = arith.cmpi sge, %sub3A_855, %ge3A_857 : vector<16xi32>
      %lt3A_859 = arith.constant 6256 : i32
      %lt3A_860 = vector.broadcast %lt3A_859 : i32 to vector<16xi32>
      %lt3A_861 = arith.cmpi slt, %sub3A_855, %lt3A_860 : vector<16xi32>
      %and3A_862 = arith.andi %ge3A_858, %lt3A_861 : vector<16xi1>
      %mul3A_863 = arith.constant 16 : i32
      %mul3A_864 = arith.muli %add3A_849, %mul3A_863 : i32
      %add3A_865 = vector.broadcast %mul3A_864 : i32 to vector<16xi32>
      %add3A_866 = arith.addi %add3A_865, %iota3A : vector<16xi32>
      %jit3A_867 = arith.constant 0 : i32
      %broadcast_in_dim3A_868 = vector.broadcast %jit3A_867 : i32 to vector<16xi32>
      %select_n3A_869 = arith.select %and3A_862, %sub3A_855, %broadcast_in_dim3A_868 : vector<16xi1>, vector<16xi32>
      tpu.vector_store_idx %arg7[%select_n3A_869], %add3A_866 masked %and3A_862 : memref<6256xi32, #tpu.memory_space<vmem>>[vector<16xi32>], vector<16xi32>, vector<16xi1>
      %gather3A_870 = tpu.vector_load_idx %arg7[%select_n3A_869] : memref<6256xi32, #tpu.memory_space<vmem>>[vector<16xi32>], vector<16xi32>,
      %gt3A_871 = arith.cmpi sgt, %add3A_866, %gather3A_870 : vector<16xi32>
      %and3A_872 = arith.andi %and3A_862, %gt3A_871 : vector<16xi1>
      tpu.vector_store_idx %arg7[%select_n3A_869], %add3A_866 masked %and3A_872 : memref<6256xi32, #tpu.memory_space<vmem>>[vector<16xi32>], vector<16xi32>, vector<16xi1>
      %all_reduce_population_count3A_873 = tpu.all_reduce %and3A_872 {dim = 0 : i64, kind = #tpu.reduction_kind<sum>} : vector<16xi1> -> vector<16xi32>
      %ge3A_874 = arith.constant 2 : i32
      %ge3A_875 = vector.broadcast %ge3A_874 : i32 to vector<16xi32>
      %ge3A_876 = arith.cmpi sge, %all_reduce_population_count3A_873, %ge3A_875 : vector<16xi32>
      %or3A_877 = arith.ori %or3A, %ge3A_876 : vector<16xi1>
      %mul3A_878 = arith.constant 8 : i32
      %mul3A_879 = arith.muli %scan3A_820, %mul3A_878 : i32
      %add3A_880 = arith.constant 2 : i32
      %add3A_881 = arith.addi %mul3A_879, %add3A_880 : i32
      %mul3A_882 = arith.constant 16 : i32
      %mul3A_883 = arith.muli %add3A_881, %mul3A_882 : i32
      %get3A_884 = arith.index_cast %mul3A_883 : i32 to index
      %get3A_885 = tpu.vector_load %arg6[%get3A_884] {strides = array<i32>} : memref<8192xi32, #tpu.memory_space<vmem>>, vector<16xi32>,
      %sub3A_886 = vector.broadcast %mul3A_97 : i32 to vector<16xi32>
      %sub3A_887 = arith.subi %get3A_885, %sub3A_886 : vector<16xi32>
      %ge3A_888 = arith.constant 0 : i32
      %ge3A_889 = vector.broadcast %ge3A_888 : i32 to vector<16xi32>
      %ge3A_890 = arith.cmpi sge, %sub3A_887, %ge3A_889 : vector<16xi32>
      %lt3A_891 = arith.constant 6256 : i32
      %lt3A_892 = vector.broadcast %lt3A_891 : i32 to vector<16xi32>
      %lt3A_893 = arith.cmpi slt, %sub3A_887, %lt3A_892 : vector<16xi32>
      %and3A_894 = arith.andi %ge3A_890, %lt3A_893 : vector<16xi1>
      %mul3A_895 = arith.constant 16 : i32
      %mul3A_896 = arith.muli %add3A_881, %mul3A_895 : i32
      %add3A_897 = vector.broadcast %mul3A_896 : i32 to vector<16xi32>
      %add3A_898 = arith.addi %add3A_897, %iota3A : vector<16xi32>
      %jit3A_899 = arith.constant 0 : i32
      %broadcast_in_dim3A_900 = vector.broadcast %jit3A_899 : i32 to vector<16xi32>
      %select_n3A_901 = arith.select %and3A_894, %sub3A_887, %broadcast_in_dim3A_900 : vector<16xi1>, vector<16xi32>
      tpu.vector_store_idx %arg7[%select_n3A_901], %add3A_898 masked %and3A_894 : memref<6256xi32, #tpu.memory_space<vmem>>[vector<16xi32>], vector<16xi32>, vector<16xi1>
      %gather3A_902 = tpu.vector_load_idx %arg7[%select_n3A_901] : memref<6256xi32, #tpu.memory_space<vmem>>[vector<16xi32>], vector<16xi32>,
      %gt3A_903 = arith.cmpi sgt, %add3A_898, %gather3A_902 : vector<16xi32>
      %and3A_904 = arith.andi %and3A_894, %gt3A_903 : vector<16xi1>
      tpu.vector_store_idx %arg7[%select_n3A_901], %add3A_898 masked %and3A_904 : memref<6256xi32, #tpu.memory_space<vmem>>[vector<16xi32>], vector<16xi32>, vector<16xi1>
      %all_reduce_population_count3A_905 = tpu.all_reduce %and3A_904 {dim = 0 : i64, kind = #tpu.reduction_kind<sum>} : vector<16xi1> -> vector<16xi32>
      %ge3A_906 = arith.constant 2 : i32
      %ge3A_907 = vector.broadcast %ge3A_906 : i32 to vector<16xi32>
      %ge3A_908 = arith.cmpi sge, %all_reduce_population_count3A_905, %ge3A_907 : vector<16xi32>
      %or3A_909 = arith.ori %or3A_877, %ge3A_908 : vector<16xi1>
      %mul3A_910 = arith.constant 8 : i32
      %mul3A_911 = arith.muli %scan3A_820, %mul3A_910 : i32
      %add3A_912 = arith.constant 3 : i32
      %add3A_913 = arith.addi %mul3A_911, %add3A_912 : i32
      %mul3A_914 = arith.constant 16 : i32
      %mul3A_915 = arith.muli %add3A_913, %mul3A_914 : i32
      %get3A_916 = arith.index_cast %mul3A_915 : i32 to index
      %get3A_917 = tpu.vector_load %arg6[%get3A_916] {strides = array<i32>} : memref<8192xi32, #tpu.memory_space<vmem>>, vector<16xi32>,
      %sub3A_918 = vector.broadcast %mul3A_97 : i32 to vector<16xi32>
      %sub3A_919 = arith.subi %get3A_917, %sub3A_918 : vector<16xi32>
      %ge3A_920 = arith.constant 0 : i32
      %ge3A_921 = vector.broadcast %ge3A_920 : i32 to vector<16xi32>
      %ge3A_922 = arith.cmpi sge, %sub3A_919, %ge3A_921 : vector<16xi32>
      %lt3A_923 = arith.constant 6256 : i32
      %lt3A_924 = vector.broadcast %lt3A_923 : i32 to vector<16xi32>
      %lt3A_925 = arith.cmpi slt, %sub3A_919, %lt3A_924 : vector<16xi32>
      %and3A_926 = arith.andi %ge3A_922, %lt3A_925 : vector<16xi1>
      %mul3A_927 = arith.constant 16 : i32
      %mul3A_928 = arith.muli %add3A_913, %mul3A_927 : i32
      %add3A_929 = vector.broadcast %mul3A_928 : i32 to vector<16xi32>
      %add3A_930 = arith.addi %add3A_929, %iota3A : vector<16xi32>
      %jit3A_931 = arith.constant 0 : i32
      %broadcast_in_dim3A_932 = vector.broadcast %jit3A_931 : i32 to vector<16xi32>
      %select_n3A_933 = arith.select %and3A_926, %sub3A_919, %broadcast_in_dim3A_932 : vector<16xi1>, vector<16xi32>
      tpu.vector_store_idx %arg7[%select_n3A_933], %add3A_930 masked %and3A_926 : memref<6256xi32, #tpu.memory_space<vmem>>[vector<16xi32>], vector<16xi32>, vector<16xi1>
      %gather3A_934 = tpu.vector_load_idx %arg7[%select_n3A_933] : memref<6256xi32, #tpu.memory_space<vmem>>[vector<16xi32>], vector<16xi32>,
      %gt3A_935 = arith.cmpi sgt, %add3A_930, %gather3A_934 : vector<16xi32>
      %and3A_936 = arith.andi %and3A_926, %gt3A_935 : vector<16xi1>
      tpu.vector_store_idx %arg7[%select_n3A_933], %add3A_930 masked %and3A_936 : memref<6256xi32, #tpu.memory_space<vmem>>[vector<16xi32>], vector<16xi32>, vector<16xi1>
      %all_reduce_population_count3A_937 = tpu.all_reduce %and3A_936 {dim = 0 : i64, kind = #tpu.reduction_kind<sum>} : vector<16xi1> -> vector<16xi32>
      %ge3A_938 = arith.constant 2 : i32
      %ge3A_939 = vector.broadcast %ge3A_938 : i32 to vector<16xi32>
      %ge3A_940 = arith.cmpi sge, %all_reduce_population_count3A_937, %ge3A_939 : vector<16xi32>
      %or3A_941 = arith.ori %or3A_909, %ge3A_940 : vector<16xi1>
      %mul3A_942 = arith.constant 8 : i32
      %mul3A_943 = arith.muli %scan3A_820, %mul3A_942 : i32
      %add3A_944 = arith.constant 4 : i32
      %add3A_945 = arith.addi %mul3A_943, %add3A_944 : i32
      %mul3A_946 = arith.constant 16 : i32
      %mul3A_947 = arith.muli %add3A_945, %mul3A_946 : i32
      %get3A_948 = arith.index_cast %mul3A_947 : i32 to index
      %get3A_949 = tpu.vector_load %arg6[%get3A_948] {strides = array<i32>} : memref<8192xi32, #tpu.memory_space<vmem>>, vector<16xi32>,
      %sub3A_950 = vector.broadcast %mul3A_97 : i32 to vector<16xi32>
      %sub3A_951 = arith.subi %get3A_949, %sub3A_950 : vector<16xi32>
      %ge3A_952 = arith.constant 0 : i32
      %ge3A_953 = vector.broadcast %ge3A_952 : i32 to vector<16xi32>
      %ge3A_954 = arith.cmpi sge, %sub3A_951, %ge3A_953 : vector<16xi32>
      %lt3A_955 = arith.constant 6256 : i32
      %lt3A_956 = vector.broadcast %lt3A_955 : i32 to vector<16xi32>
      %lt3A_957 = arith.cmpi slt, %sub3A_951, %lt3A_956 : vector<16xi32>
      %and3A_958 = arith.andi %ge3A_954, %lt3A_957 : vector<16xi1>
      %mul3A_959 = arith.constant 16 : i32
      %mul3A_960 = arith.muli %add3A_945, %mul3A_959 : i32
      %add3A_961 = vector.broadcast %mul3A_960 : i32 to vector<16xi32>
      %add3A_962 = arith.addi %add3A_961, %iota3A : vector<16xi32>
      %jit3A_963 = arith.constant 0 : i32
      %broadcast_in_dim3A_964 = vector.broadcast %jit3A_963 : i32 to vector<16xi32>
      %select_n3A_965 = arith.select %and3A_958, %sub3A_951, %broadcast_in_dim3A_964 : vector<16xi1>, vector<16xi32>
      tpu.vector_store_idx %arg7[%select_n3A_965], %add3A_962 masked %and3A_958 : memref<6256xi32, #tpu.memory_space<vmem>>[vector<16xi32>], vector<16xi32>, vector<16xi1>
      %gather3A_966 = tpu.vector_load_idx %arg7[%select_n3A_965] : memref<6256xi32, #tpu.memory_space<vmem>>[vector<16xi32>], vector<16xi32>,
      %gt3A_967 = arith.cmpi sgt, %add3A_962, %gather3A_966 : vector<16xi32>
      %and3A_968 = arith.andi %and3A_958, %gt3A_967 : vector<16xi1>
      tpu.vector_store_idx %arg7[%select_n3A_965], %add3A_962 masked %and3A_968 : memref<6256xi32, #tpu.memory_space<vmem>>[vector<16xi32>], vector<16xi32>, vector<16xi1>
      %all_reduce_population_count3A_969 = tpu.all_reduce %and3A_968 {dim = 0 : i64, kind = #tpu.reduction_kind<sum>} : vector<16xi1> -> vector<16xi32>
      %ge3A_970 = arith.constant 2 : i32
      %ge3A_971 = vector.broadcast %ge3A_970 : i32 to vector<16xi32>
      %ge3A_972 = arith.cmpi sge, %all_reduce_population_count3A_969, %ge3A_971 : vector<16xi32>
      %or3A_973 = arith.ori %or3A_941, %ge3A_972 : vector<16xi1>
      %mul3A_974 = arith.constant 8 : i32
      %mul3A_975 = arith.muli %scan3A_820, %mul3A_974 : i32
      %add3A_976 = arith.constant 5 : i32
      %add3A_977 = arith.addi %mul3A_975, %add3A_976 : i32
      %mul3A_978 = arith.constant 16 : i32
      %mul3A_979 = arith.muli %add3A_977, %mul3A_978 : i32
      %get3A_980 = arith.index_cast %mul3A_979 : i32 to index
      %get3A_981 = tpu.vector_load %arg6[%get3A_980] {strides = array<i32>} : memref<8192xi32, #tpu.memory_space<vmem>>, vector<16xi32>,
      %sub3A_982 = vector.broadcast %mul3A_97 : i32 to vector<16xi32>
      %sub3A_983 = arith.subi %get3A_981, %sub3A_982 : vector<16xi32>
      %ge3A_984 = arith.constant 0 : i32
      %ge3A_985 = vector.broadcast %ge3A_984 : i32 to vector<16xi32>
      %ge3A_986 = arith.cmpi sge, %sub3A_983, %ge3A_985 : vector<16xi32>
      %lt3A_987 = arith.constant 6256 : i32
      %lt3A_988 = vector.broadcast %lt3A_987 : i32 to vector<16xi32>
      %lt3A_989 = arith.cmpi slt, %sub3A_983, %lt3A_988 : vector<16xi32>
      %and3A_990 = arith.andi %ge3A_986, %lt3A_989 : vector<16xi1>
      %mul3A_991 = arith.constant 16 : i32
      %mul3A_992 = arith.muli %add3A_977, %mul3A_991 : i32
      %add3A_993 = vector.broadcast %mul3A_992 : i32 to vector<16xi32>
      %add3A_994 = arith.addi %add3A_993, %iota3A : vector<16xi32>
      %jit3A_995 = arith.constant 0 : i32
      %broadcast_in_dim3A_996 = vector.broadcast %jit3A_995 : i32 to vector<16xi32>
      %select_n3A_997 = arith.select %and3A_990, %sub3A_983, %broadcast_in_dim3A_996 : vector<16xi1>, vector<16xi32>
      tpu.vector_store_idx %arg7[%select_n3A_997], %add3A_994 masked %and3A_990 : memref<6256xi32, #tpu.memory_space<vmem>>[vector<16xi32>], vector<16xi32>, vector<16xi1>
      %gather3A_998 = tpu.vector_load_idx %arg7[%select_n3A_997] : memref<6256xi32, #tpu.memory_space<vmem>>[vector<16xi32>], vector<16xi32>,
      %gt3A_999 = arith.cmpi sgt, %add3A_994, %gather3A_998 : vector<16xi32>
      %and3A_1000 = arith.andi %and3A_990, %gt3A_999 : vector<16xi1>
      tpu.vector_store_idx %arg7[%select_n3A_997], %add3A_994 masked %and3A_1000 : memref<6256xi32, #tpu.memory_space<vmem>>[vector<16xi32>], vector<16xi32>, vector<16xi1>
      %all_reduce_population_count3A_1001 = tpu.all_reduce %and3A_1000 {dim = 0 : i64, kind = #tpu.reduction_kind<sum>} : vector<16xi1> -> vector<16xi32>
      %ge3A_1002 = arith.constant 2 : i32
      %ge3A_1003 = vector.broadcast %ge3A_1002 : i32 to vector<16xi32>
      %ge3A_1004 = arith.cmpi sge, %all_reduce_population_count3A_1001, %ge3A_1003 : vector<16xi32>
      %or3A_1005 = arith.ori %or3A_973, %ge3A_1004 : vector<16xi1>
      %mul3A_1006 = arith.constant 8 : i32
      %mul3A_1007 = arith.muli %scan3A_820, %mul3A_1006 : i32
      %add3A_1008 = arith.constant 6 : i32
      %add3A_1009 = arith.addi %mul3A_1007, %add3A_1008 : i32
      %mul3A_1010 = arith.constant 16 : i32
      %mul3A_1011 = arith.muli %add3A_1009, %mul3A_1010 : i32
      %get3A_1012 = arith.index_cast %mul3A_1011 : i32 to index
      %get3A_1013 = tpu.vector_load %arg6[%get3A_1012] {strides = array<i32>} : memref<8192xi32, #tpu.memory_space<vmem>>, vector<16xi32>,
      %sub3A_1014 = vector.broadcast %mul3A_97 : i32 to vector<16xi32>
      %sub3A_1015 = arith.subi %get3A_1013, %sub3A_1014 : vector<16xi32>
      %ge3A_1016 = arith.constant 0 : i32
      %ge3A_1017 = vector.broadcast %ge3A_1016 : i32 to vector<16xi32>
      %ge3A_1018 = arith.cmpi sge, %sub3A_1015, %ge3A_1017 : vector<16xi32>
      %lt3A_1019 = arith.constant 6256 : i32
      %lt3A_1020 = vector.broadcast %lt3A_1019 : i32 to vector<16xi32>
      %lt3A_1021 = arith.cmpi slt, %sub3A_1015, %lt3A_1020 : vector<16xi32>
      %and3A_1022 = arith.andi %ge3A_1018, %lt3A_1021 : vector<16xi1>
      %mul3A_1023 = arith.constant 16 : i32
      %mul3A_1024 = arith.muli %add3A_1009, %mul3A_1023 : i32
      %add3A_1025 = vector.broadcast %mul3A_1024 : i32 to vector<16xi32>
      %add3A_1026 = arith.addi %add3A_1025, %iota3A : vector<16xi32>
      %jit3A_1027 = arith.constant 0 : i32
      %broadcast_in_dim3A_1028 = vector.broadcast %jit3A_1027 : i32 to vector<16xi32>
      %select_n3A_1029 = arith.select %and3A_1022, %sub3A_1015, %broadcast_in_dim3A_1028 : vector<16xi1>, vector<16xi32>
      tpu.vector_store_idx %arg7[%select_n3A_1029], %add3A_1026 masked %and3A_1022 : memref<6256xi32, #tpu.memory_space<vmem>>[vector<16xi32>], vector<16xi32>, vector<16xi1>
      %gather3A_1030 = tpu.vector_load_idx %arg7[%select_n3A_1029] : memref<6256xi32, #tpu.memory_space<vmem>>[vector<16xi32>], vector<16xi32>,
      %gt3A_1031 = arith.cmpi sgt, %add3A_1026, %gather3A_1030 : vector<16xi32>
      %and3A_1032 = arith.andi %and3A_1022, %gt3A_1031 : vector<16xi1>
      tpu.vector_store_idx %arg7[%select_n3A_1029], %add3A_1026 masked %and3A_1032 : memref<6256xi32, #tpu.memory_space<vmem>>[vector<16xi32>], vector<16xi32>, vector<16xi1>
      %all_reduce_population_count3A_1033 = tpu.all_reduce %and3A_1032 {dim = 0 : i64, kind = #tpu.reduction_kind<sum>} : vector<16xi1> -> vector<16xi32>
      %ge3A_1034 = arith.constant 2 : i32
      %ge3A_1035 = vector.broadcast %ge3A_1034 : i32 to vector<16xi32>
      %ge3A_1036 = arith.cmpi sge, %all_reduce_population_count3A_1033, %ge3A_1035 : vector<16xi32>
      %or3A_1037 = arith.ori %or3A_1005, %ge3A_1036 : vector<16xi1>
      %mul3A_1038 = arith.constant 8 : i32
      %mul3A_1039 = arith.muli %scan3A_820, %mul3A_1038 : i32
      %add3A_1040 = arith.constant 7 : i32
      %add3A_1041 = arith.addi %mul3A_1039, %add3A_1040 : i32
      %mul3A_1042 = arith.constant 16 : i32
      %mul3A_1043 = arith.muli %add3A_1041, %mul3A_1042 : i32
      %get3A_1044 = arith.index_cast %mul3A_1043 : i32 to index
      %get3A_1045 = tpu.vector_load %arg6[%get3A_1044] {strides = array<i32>} : memref<8192xi32, #tpu.memory_space<vmem>>, vector<16xi32>,
      %sub3A_1046 = vector.broadcast %mul3A_97 : i32 to vector<16xi32>
      %sub3A_1047 = arith.subi %get3A_1045, %sub3A_1046 : vector<16xi32>
      %ge3A_1048 = arith.constant 0 : i32
      %ge3A_1049 = vector.broadcast %ge3A_1048 : i32 to vector<16xi32>
      %ge3A_1050 = arith.cmpi sge, %sub3A_1047, %ge3A_1049 : vector<16xi32>
      %lt3A_1051 = arith.constant 6256 : i32
      %lt3A_1052 = vector.broadcast %lt3A_1051 : i32 to vector<16xi32>
      %lt3A_1053 = arith.cmpi slt, %sub3A_1047, %lt3A_1052 : vector<16xi32>
      %and3A_1054 = arith.andi %ge3A_1050, %lt3A_1053 : vector<16xi1>
      %mul3A_1055 = arith.constant 16 : i32
      %mul3A_1056 = arith.muli %add3A_1041, %mul3A_1055 : i32
      %add3A_1057 = vector.broadcast %mul3A_1056 : i32 to vector<16xi32>
      %add3A_1058 = arith.addi %add3A_1057, %iota3A : vector<16xi32>
      %jit3A_1059 = arith.constant 0 : i32
      %broadcast_in_dim3A_1060 = vector.broadcast %jit3A_1059 : i32 to vector<16xi32>
      %select_n3A_1061 = arith.select %and3A_1054, %sub3A_1047, %broadcast_in_dim3A_1060 : vector<16xi1>, vector<16xi32>
      tpu.vector_store_idx %arg7[%select_n3A_1061], %add3A_1058 masked %and3A_1054 : memref<6256xi32, #tpu.memory_space<vmem>>[vector<16xi32>], vector<16xi32>, vector<16xi1>
      %gather3A_1062 = tpu.vector_load_idx %arg7[%select_n3A_1061] : memref<6256xi32, #tpu.memory_space<vmem>>[vector<16xi32>], vector<16xi32>,
      %gt3A_1063 = arith.cmpi sgt, %add3A_1058, %gather3A_1062 : vector<16xi32>
      %and3A_1064 = arith.andi %and3A_1054, %gt3A_1063 : vector<16xi1>
      tpu.vector_store_idx %arg7[%select_n3A_1061], %add3A_1058 masked %and3A_1064 : memref<6256xi32, #tpu.memory_space<vmem>>[vector<16xi32>], vector<16xi32>, vector<16xi1>
      %all_reduce_population_count3A_1065 = tpu.all_reduce %and3A_1064 {dim = 0 : i64, kind = #tpu.reduction_kind<sum>} : vector<16xi1> -> vector<16xi32>
      %ge3A_1066 = arith.constant 2 : i32
      %ge3A_1067 = vector.broadcast %ge3A_1066 : i32 to vector<16xi32>
      %ge3A_1068 = arith.cmpi sge, %all_reduce_population_count3A_1065, %ge3A_1067 : vector<16xi32>
      %or3A_1069 = arith.ori %or3A_1037, %ge3A_1068 : vector<16xi1>
      scf.yield %or3A_1069 : vector<16xi1>
    }
    %scan3A_135 = arith.constant 32 : i32
    %reduce_or3A = arith.constant 1.000000e+00 : f32
    %reduce_or3A_136 = arith.constant 0.000000e+00 : f32
    %reduce_or3A_137 = vector.broadcast %reduce_or3A : f32 to vector<16xf32>
    %reduce_or3A_138 = vector.broadcast %reduce_or3A_136 : f32 to vector<16xf32>
    %reduce_or3A_139 = arith.select %scan3A_134, %reduce_or3A_137, %reduce_or3A_138 : vector<16xi1>, vector<16xf32>
    %reduce_or3A_140 = arith.constant true
    %reduce_or3A_141 = vector.broadcast %reduce_or3A_140 : i1 to vector<16xi1>
    %reduce_or3A_142 = tpu.scan <max>, %reduce_or3A_139 masked %reduce_or3A_141 : vector<16xf32>, vector<16xi1> -> vector<16xf32>
    %reduce_or3A_143 = vector.extract %reduce_or3A_142[15] : f32 from vector<16xf32>
    %reduce_or3A_144 = arith.constant 0.000000e+00 : f32
    %reduce_or3A_145 = arith.cmpf ogt, %reduce_or3A_143, %reduce_or3A_144 : f32
    %convert_element_type3A = arith.extui %reduce_or3A_145 : i1 to i32
    %cond3A = arith.constant 0 : i32
    %cond3A_146 = arith.cmpi ne, %convert_element_type3A, %cond3A : i32
    scf.if %cond3A_146 {
      %scan3A_820 = arith.constant 0 : i32
      %scan3A_821 = arith.constant 0 : i32
      %scan3A_822 = arith.constant 512 : i32
      %scan3A_823 = arith.addi %scan3A_821, %scan3A_822 : i32
      %scan3A_824 = arith.constant 1 : i32
      scf.for %scan3A_826 = %scan3A_821 to %scan3A_823 step %scan3A_824  : i32 {
        %mul3A_827 = arith.constant 16 : i32
        %mul3A_828 = arith.muli %scan3A_826, %mul3A_827 : i32
        %get3A_829 = arith.index_cast %mul3A_828 : i32 to index
        %get3A_830 = tpu.vector_load %arg6[%get3A_829] {strides = array<i32>} : memref<8192xi32, #tpu.memory_space<vmem>>, vector<16xi32>,
        %sub3A = vector.broadcast %mul3A_97 : i32 to vector<16xi32>
        %sub3A_831 = arith.subi %get3A_830, %sub3A : vector<16xi32>
        %ge3A_832 = arith.constant 0 : i32
        %ge3A_833 = vector.broadcast %ge3A_832 : i32 to vector<16xi32>
        %ge3A_834 = arith.cmpi sge, %sub3A_831, %ge3A_833 : vector<16xi32>
        %lt3A = arith.constant 6256 : i32
        %lt3A_835 = vector.broadcast %lt3A : i32 to vector<16xi32>
        %lt3A_836 = arith.cmpi slt, %sub3A_831, %lt3A_835 : vector<16xi32>
        %and3A = arith.andi %ge3A_834, %lt3A_836 : vector<16xi1>
        %mul3A_837 = arith.constant 16 : i32
        %mul3A_838 = arith.muli %scan3A_826, %mul3A_837 : i32
        %add3A_839 = vector.broadcast %mul3A_838 : i32 to vector<16xi32>
        %add3A_840 = arith.addi %add3A_839, %iota3A : vector<16xi32>
        %jit3A = arith.constant 0 : i32
        %broadcast_in_dim3A_841 = vector.broadcast %jit3A : i32 to vector<16xi32>
        %select_n3A_842 = arith.select %and3A, %sub3A_831, %broadcast_in_dim3A_841 : vector<16xi1>, vector<16xi32>
        %eq3A = arith.constant 0 : i32
        %eq3A_843 = vector.broadcast %eq3A : i32 to vector<16xi32>
        %eq3A_844 = arith.cmpi eq, %iota3A, %eq3A_843 : vector<16xi32>
        %and3A_845 = arith.andi %and3A, %eq3A_844 : vector<16xi1>
        tpu.vector_store_idx %arg7[%select_n3A_842], %add3A_840 masked %and3A_845 : memref<6256xi32, #tpu.memory_space<vmem>>[vector<16xi32>], vector<16xi32>, vector<16xi1>
        %eq3A_846 = arith.constant 1 : i32
        %eq3A_847 = vector.broadcast %eq3A_846 : i32 to vector<16xi32>
        %eq3A_848 = arith.cmpi eq, %iota3A, %eq3A_847 : vector<16xi32>
        %and3A_849 = arith.andi %and3A, %eq3A_848 : vector<16xi1>
        tpu.vector_store_idx %arg7[%select_n3A_842], %add3A_840 masked %and3A_849 : memref<6256xi32, #tpu.memory_space<vmem>>[vector<16xi32>], vector<16xi32>, vector<16xi1>
        %eq3A_850 = arith.constant 2 : i32
        %eq3A_851 = vector.broadcast %eq3A_850 : i32 to vector<16xi32>
        %eq3A_852 = arith.cmpi eq, %iota3A, %eq3A_851 : vector<16xi32>
        %and3A_853 = arith.andi %and3A, %eq3A_852 : vector<16xi1>
        tpu.vector_store_idx %arg7[%select_n3A_842], %add3A_840 masked %and3A_853 : memref<6256xi32, #tpu.memory_space<vmem>>[vector<16xi32>], vector<16xi32>, vector<16xi1>
        %eq3A_854 = arith.constant 3 : i32
        %eq3A_855 = vector.broadcast %eq3A_854 : i32 to vector<16xi32>
        %eq3A_856 = arith.cmpi eq, %iota3A, %eq3A_855 : vector<16xi32>
        %and3A_857 = arith.andi %and3A, %eq3A_856 : vector<16xi1>
        tpu.vector_store_idx %arg7[%select_n3A_842], %add3A_840 masked %and3A_857 : memref<6256xi32, #tpu.memory_space<vmem>>[vector<16xi32>], vector<16xi32>, vector<16xi1>
        %eq3A_858 = arith.constant 4 : i32
        %eq3A_859 = vector.broadcast %eq3A_858 : i32 to vector<16xi32>
        %eq3A_860 = arith.cmpi eq, %iota3A, %eq3A_859 : vector<16xi32>
        %and3A_861 = arith.andi %and3A, %eq3A_860 : vector<16xi1>
        tpu.vector_store_idx %arg7[%select_n3A_842], %add3A_840 masked %and3A_861 : memref<6256xi32, #tpu.memory_space<vmem>>[vector<16xi32>], vector<16xi32>, vector<16xi1>
        %eq3A_862 = arith.constant 5 : i32
        %eq3A_863 = vector.broadcast %eq3A_862 : i32 to vector<16xi32>
        %eq3A_864 = arith.cmpi eq, %iota3A, %eq3A_863 : vector<16xi32>
        %and3A_865 = arith.andi %and3A, %eq3A_864 : vector<16xi1>
        tpu.vector_store_idx %arg7[%select_n3A_842], %add3A_840 masked %and3A_865 : memref<6256xi32, #tpu.memory_space<vmem>>[vector<16xi32>], vector<16xi32>, vector<16xi1>
        %eq3A_866 = arith.constant 6 : i32
        %eq3A_867 = vector.broadcast %eq3A_866 : i32 to vector<16xi32>
        %eq3A_868 = arith.cmpi eq, %iota3A, %eq3A_867 : vector<16xi32>
        %and3A_869 = arith.andi %and3A, %eq3A_868 : vector<16xi1>
        tpu.vector_store_idx %arg7[%select_n3A_842], %add3A_840 masked %and3A_869 : memref<6256xi32, #tpu.memory_space<vmem>>[vector<16xi32>], vector<16xi32>, vector<16xi1>
        %eq3A_870 = arith.constant 7 : i32
        %eq3A_871 = vector.broadcast %eq3A_870 : i32 to vector<16xi32>
        %eq3A_872 = arith.cmpi eq, %iota3A, %eq3A_871 : vector<16xi32>
        %and3A_873 = arith.andi %and3A, %eq3A_872 : vector<16xi1>
        tpu.vector_store_idx %arg7[%select_n3A_842], %add3A_840 masked %and3A_873 : memref<6256xi32, #tpu.memory_space<vmem>>[vector<16xi32>], vector<16xi32>, vector<16xi1>
        %eq3A_874 = arith.constant 8 : i32
        %eq3A_875 = vector.broadcast %eq3A_874 : i32 to vector<16xi32>
        %eq3A_876 = arith.cmpi eq, %iota3A, %eq3A_875 : vector<16xi32>
        %and3A_877 = arith.andi %and3A, %eq3A_876 : vector<16xi1>
        tpu.vector_store_idx %arg7[%select_n3A_842], %add3A_840 masked %and3A_877 : memref<6256xi32, #tpu.memory_space<vmem>>[vector<16xi32>], vector<16xi32>, vector<16xi1>
        %eq3A_878 = arith.constant 9 : i32
        %eq3A_879 = vector.broadcast %eq3A_878 : i32 to vector<16xi32>
        %eq3A_880 = arith.cmpi eq, %iota3A, %eq3A_879 : vector<16xi32>
        %and3A_881 = arith.andi %and3A, %eq3A_880 : vector<16xi1>
        tpu.vector_store_idx %arg7[%select_n3A_842], %add3A_840 masked %and3A_881 : memref<6256xi32, #tpu.memory_space<vmem>>[vector<16xi32>], vector<16xi32>, vector<16xi1>
        %eq3A_882 = arith.constant 10 : i32
        %eq3A_883 = vector.broadcast %eq3A_882 : i32 to vector<16xi32>
        %eq3A_884 = arith.cmpi eq, %iota3A, %eq3A_883 : vector<16xi32>
        %and3A_885 = arith.andi %and3A, %eq3A_884 : vector<16xi1>
        tpu.vector_store_idx %arg7[%select_n3A_842], %add3A_840 masked %and3A_885 : memref<6256xi32, #tpu.memory_space<vmem>>[vector<16xi32>], vector<16xi32>, vector<16xi1>
        %eq3A_886 = arith.constant 11 : i32
        %eq3A_887 = vector.broadcast %eq3A_886 : i32 to vector<16xi32>
        %eq3A_888 = arith.cmpi eq, %iota3A, %eq3A_887 : vector<16xi32>
        %and3A_889 = arith.andi %and3A, %eq3A_888 : vector<16xi1>
        tpu.vector_store_idx %arg7[%select_n3A_842], %add3A_840 masked %and3A_889 : memref<6256xi32, #tpu.memory_space<vmem>>[vector<16xi32>], vector<16xi32>, vector<16xi1>
        %eq3A_890 = arith.constant 12 : i32
        %eq3A_891 = vector.broadcast %eq3A_890 : i32 to vector<16xi32>
        %eq3A_892 = arith.cmpi eq, %iota3A, %eq3A_891 : vector<16xi32>
        %and3A_893 = arith.andi %and3A, %eq3A_892 : vector<16xi1>
        tpu.vector_store_idx %arg7[%select_n3A_842], %add3A_840 masked %and3A_893 : memref<6256xi32, #tpu.memory_space<vmem>>[vector<16xi32>], vector<16xi32>, vector<16xi1>
        %eq3A_894 = arith.constant 13 : i32
        %eq3A_895 = vector.broadcast %eq3A_894 : i32 to vector<16xi32>
        %eq3A_896 = arith.cmpi eq, %iota3A, %eq3A_895 : vector<16xi32>
        %and3A_897 = arith.andi %and3A, %eq3A_896 : vector<16xi1>
        tpu.vector_store_idx %arg7[%select_n3A_842], %add3A_840 masked %and3A_897 : memref<6256xi32, #tpu.memory_space<vmem>>[vector<16xi32>], vector<16xi32>, vector<16xi1>
        %eq3A_898 = arith.constant 14 : i32
        %eq3A_899 = vector.broadcast %eq3A_898 : i32 to vector<16xi32>
        %eq3A_900 = arith.cmpi eq, %iota3A, %eq3A_899 : vector<16xi32>
        %and3A_901 = arith.andi %and3A, %eq3A_900 : vector<16xi1>
        tpu.vector_store_idx %arg7[%select_n3A_842], %add3A_840 masked %and3A_901 : memref<6256xi32, #tpu.memory_space<vmem>>[vector<16xi32>], vector<16xi32>, vector<16xi1>
        %eq3A_902 = arith.constant 15 : i32
        %eq3A_903 = vector.broadcast %eq3A_902 : i32 to vector<16xi32>
        %eq3A_904 = arith.cmpi eq, %iota3A, %eq3A_903 : vector<16xi32>
        %and3A_905 = arith.andi %and3A, %eq3A_904 : vector<16xi1>
        tpu.vector_store_idx %arg7[%select_n3A_842], %add3A_840 masked %and3A_905 : memref<6256xi32, #tpu.memory_space<vmem>>[vector<16xi32>], vector<16xi32>, vector<16xi1>
      }
      %scan3A_825 = arith.constant 512 : i32
    } else {
    }
    %dma_wait3A_147 = arith.constant 0 : i32
    %dma_wait3A_148 = arith.constant 0 : i32
    %dma_wait3A_149 = arith.constant 0 : i32
    %dma_wait3A_150 = tpu.memref_slice %arg12[%dma_wait3A_148, %dma_wait3A_149] : memref<256x256xf32, #tpu.memory_space<vmem>> -> memref<128x256xf32, #tpu.memory_space<vmem>>
    %dma_wait3A_151 = arith.constant 0 : i32
    %dma_wait3A_152 = tpu.memref_slice %arg8[%dma_wait3A_147, %dma_wait3A_151] : memref<2x128xi32, #tpu.memory_space<vmem>> -> memref<1x128xi32, #tpu.memory_space<vmem>>
    %dma_wait3A_153 = tpu.memref_squeeze %dma_wait3A_152 : memref<1x128xi32, #tpu.memory_space<vmem>> -> memref<128xi32, #tpu.memory_space<vmem>>
    %dma_wait3A_154 = arith.constant 0 : i32
    %dma_wait3A_155 = arith.constant 0 : i32
    %dma_wait3A_156 = tpu.memref_slice %arg4[%dma_wait3A_154, %dma_wait3A_155] : memref<100000x256xf32, #tpu.memory_space<hbm>> -> memref<100000x256xf32, #tpu.memory_space<hbm>>
    tpu.wait_indirect_dma semaphore(%arg17 : memref<!tpu.dma_semaphore, #tpu.memory_space<semaphore_mem>>) src(%dma_wait3A_156 : memref<100000x256xf32, #tpu.memory_space<hbm>>) dst(%dma_wait3A_150 : memref<128x256xf32, #tpu.memory_space<vmem>>)
    %dma_wait3A_157 = arith.constant 1 : i32
    %dma_wait3A_158 = arith.constant 128 : i32
    %dma_wait3A_159 = arith.constant 0 : i32
    %dma_wait3A_160 = tpu.memref_slice %arg12[%dma_wait3A_158, %dma_wait3A_159] : memref<256x256xf32, #tpu.memory_space<vmem>> -> memref<128x256xf32, #tpu.memory_space<vmem>>
    %dma_wait3A_161 = arith.constant 0 : i32
    %dma_wait3A_162 = tpu.memref_slice %arg8[%dma_wait3A_157, %dma_wait3A_161] : memref<2x128xi32, #tpu.memory_space<vmem>> -> memref<1x128xi32, #tpu.memory_space<vmem>>
    %dma_wait3A_163 = tpu.memref_squeeze %dma_wait3A_162 : memref<1x128xi32, #tpu.memory_space<vmem>> -> memref<128xi32, #tpu.memory_space<vmem>>
    %dma_wait3A_164 = arith.constant 0 : i32
    %dma_wait3A_165 = arith.constant 0 : i32
    %dma_wait3A_166 = tpu.memref_slice %arg4[%dma_wait3A_164, %dma_wait3A_165] : memref<100000x256xf32, #tpu.memory_space<hbm>> -> memref<100000x256xf32, #tpu.memory_space<hbm>>
    tpu.wait_indirect_dma semaphore(%arg17 : memref<!tpu.dma_semaphore, #tpu.memory_space<semaphore_mem>>) src(%dma_wait3A_166 : memref<100000x256xf32, #tpu.memory_space<hbm>>) dst(%dma_wait3A_160 : memref<128x256xf32, #tpu.memory_space<vmem>>)
    %add3A_167 = arith.constant 8192 : i32
    %add3A_168 = arith.addi %add3A_167, %mul3A_2 : i32
    %add3A_169 = arith.constant 0 : i32
    %add3A_170 = arith.addi %add3A_168, %add3A_169 : i32
    %dma_start3A_171 = arith.constant 0 : i32
    %dma_start3A_172 = arith.constant 0 : i32
    %dma_start3A_173 = tpu.memref_slice %arg12[%dma_start3A_171, %dma_start3A_172] : memref<256x256xf32, #tpu.memory_space<vmem>> -> memref<128x256xf32, #tpu.memory_space<vmem>>
    %dma_start3A_174 = arith.constant 0 : i32
    %dma_start3A_175 = tpu.memref_slice %arg5[%add3A_170, %dma_start3A_174] : memref<16384x256xf32, #tpu.memory_space<hbm>> -> memref<128x256xf32, #tpu.memory_space<hbm>>
    %dma_start3A_176 = arith.constant 0 : i32
    %dma_start3A_177 = tpu.memref_slice %arg5[%add3A_170, %dma_start3A_176] : memref<16384x256xf32, #tpu.memory_space<hbm>> -> memref<128x256xf32, #tpu.memory_space<hbm>>
    %dma_start3A_178 = arith.constant 0 : i32
    %dma_start3A_179 = arith.constant 0 : i32
    %dma_start3A_180 = tpu.memref_slice %arg12[%dma_start3A_178, %dma_start3A_179] : memref<256x256xf32, #tpu.memory_space<vmem>> -> memref<128x256xf32, #tpu.memory_space<vmem>>
    tpu.enqueue_dma source(%dma_start3A_180 : memref<128x256xf32, #tpu.memory_space<vmem>>) target(%dma_start3A_177 : memref<128x256xf32, #tpu.memory_space<hbm>>) target_semaphore(%arg18 : memref<!tpu.dma_semaphore, #tpu.memory_space<semaphore_mem>>)
    %add3A_181 = arith.constant 8192 : i32
    %add3A_182 = arith.addi %add3A_181, %mul3A_2 : i32
    %add3A_183 = arith.constant 128 : i32
    %add3A_184 = arith.addi %add3A_182, %add3A_183 : i32
    %dma_start3A_185 = arith.constant 128 : i32
    %dma_start3A_186 = arith.constant 0 : i32
    %dma_start3A_187 = tpu.memref_slice %arg12[%dma_start3A_185, %dma_start3A_186] : memref<256x256xf32, #tpu.memory_space<vmem>> -> memref<128x256xf32, #tpu.memory_space<vmem>>
    %dma_start3A_188 = arith.constant 0 : i32
    %dma_start3A_189 = tpu.memref_slice %arg5[%add3A_184, %dma_start3A_188] : memref<16384x256xf32, #tpu.memory_space<hbm>> -> memref<128x256xf32, #tpu.memory_space<hbm>>
    %dma_start3A_190 = arith.constant 0 : i32
    %dma_start3A_191 = tpu.memref_slice %arg5[%add3A_184, %dma_start3A_190] : memref<16384x256xf32, #tpu.memory_space<hbm>> -> memref<128x256xf32, #tpu.memory_space<hbm>>
    %dma_start3A_192 = arith.constant 128 : i32
    %dma_start3A_193 = arith.constant 0 : i32
    %dma_start3A_194 = tpu.memref_slice %arg12[%dma_start3A_192, %dma_start3A_193] : memref<256x256xf32, #tpu.memory_space<vmem>> -> memref<128x256xf32, #tpu.memory_space<vmem>>
    tpu.enqueue_dma source(%dma_start3A_194 : memref<128x256xf32, #tpu.memory_space<vmem>>) target(%dma_start3A_191 : memref<128x256xf32, #tpu.memory_space<hbm>>) target_semaphore(%arg18 : memref<!tpu.dma_semaphore, #tpu.memory_space<semaphore_mem>>)
    "tpu.region"() ({
      %run_scoped3A = tpu.sem_alloc : memref<!tpu.dma_semaphore, #tpu.memory_space<semaphore_mem>>
      %dma_start3A_820 = tpu.memref_slice %arg14[%mul3A_97] : memref<100096xi32, #tpu.memory_space<vmem_shared>> -> memref<6256xi32, #tpu.memory_space<vmem_shared>>
      %dma_start3A_821 = tpu.memref_slice %arg14[%mul3A_97] : memref<100096xi32, #tpu.memory_space<vmem_shared>> -> memref<6256xi32, #tpu.memory_space<vmem_shared>>
      tpu.enqueue_dma source(%arg7 : memref<6256xi32, #tpu.memory_space<vmem>>) target(%dma_start3A_821 : memref<6256xi32, #tpu.memory_space<vmem_shared>>) target_semaphore(%run_scoped3A : memref<!tpu.dma_semaphore, #tpu.memory_space<semaphore_mem>>)
      %dma_wait3A_822 = tpu.memref_slice %arg14[%mul3A_97] : memref<100096xi32, #tpu.memory_space<vmem_shared>> -> memref<6256xi32, #tpu.memory_space<vmem_shared>>
      %dma_wait3A_823 = tpu.memref_slice %arg14[%mul3A_97] : memref<100096xi32, #tpu.memory_space<vmem_shared>> -> memref<6256xi32, #tpu.memory_space<vmem_shared>>
      tpu.wait_dma2 semaphore(%run_scoped3A : memref<!tpu.dma_semaphore, #tpu.memory_space<semaphore_mem>>) src(%arg7 : memref<6256xi32, #tpu.memory_space<vmem>>) dst(%dma_wait3A_823 : memref<6256xi32, #tpu.memory_space<vmem_shared>>)
      tpu.yield
    }) : () -> ()
    %barrier3A = arith.constant 0 : index
    tpu.barrier barrier_id(%barrier3A)
    %dma_wait3A_195 = arith.constant 0 : i32
    %dma_wait3A_196 = tpu.memref_slice %arg5[%mul3A_2, %dma_wait3A_195] : memref<16384x256xf32, #tpu.memory_space<hbm>> -> memref<128x256xf32, #tpu.memory_space<hbm>>
    %dma_wait3A_197 = arith.constant 0 : i32
    %dma_wait3A_198 = tpu.memref_slice %arg5[%mul3A_2, %dma_wait3A_197] : memref<16384x256xf32, #tpu.memory_space<hbm>> -> memref<128x256xf32, #tpu.memory_space<hbm>>
    tpu.wait_dma2 semaphore(%arg21 : memref<!tpu.dma_semaphore, #tpu.memory_space<semaphore_mem>>) src(%arg13 : memref<128x256xf32, #tpu.memory_space<vmem>>) dst(%dma_wait3A_198 : memref<128x256xf32, #tpu.memory_space<hbm>>)
    %add3A_199 = arith.constant 128 : i32
    %add3A_200 = arith.addi %mul3A_2, %add3A_199 : i32
    %dma_start3A_201 = arith.constant 0 : i32
    %dma_start3A_202 = tpu.memref_slice %arg2[%add3A_200, %dma_start3A_201] : memref<16384x256xf32, #tpu.memory_space<hbm>> -> memref<128x256xf32, #tpu.memory_space<hbm>>
    %dma_start3A_203 = arith.constant 0 : i32
    %dma_start3A_204 = tpu.memref_slice %arg2[%add3A_200, %dma_start3A_203] : memref<16384x256xf32, #tpu.memory_space<hbm>> -> memref<128x256xf32, #tpu.memory_space<hbm>>
    tpu.enqueue_dma source(%dma_start3A_204 : memref<128x256xf32, #tpu.memory_space<hbm>>) target(%arg13 : memref<128x256xf32, #tpu.memory_space<vmem>>) target_semaphore(%arg21 : memref<!tpu.dma_semaphore, #tpu.memory_space<semaphore_mem>>)
    %dma_start3A_205 = arith.constant 0 : i32
    %dma_start3A_206 = arith.constant 0 : i32
    %dma_start3A_207 = arith.constant 0 : i32
    %dma_start3A_208 = tpu.memref_slice %arg9[%dma_start3A_206, %dma_start3A_207] : memref<2x128xi32, #tpu.memory_space<vmem>> -> memref<1x128xi32, #tpu.memory_space<vmem>>
    %dma_start3A_209 = tpu.memref_squeeze %dma_start3A_208 : memref<1x128xi32, #tpu.memory_space<vmem>> -> memref<128xi32, #tpu.memory_space<vmem>>
    %dma_start3A_210 = arith.constant 0 : i32
    %dma_start3A_211 = tpu.memref_slice %arg8[%dma_start3A_205, %dma_start3A_210] : memref<2x128xi32, #tpu.memory_space<vmem>> -> memref<1x128xi32, #tpu.memory_space<vmem>>
    %dma_start3A_212 = tpu.memref_squeeze %dma_start3A_211 : memref<1x128xi32, #tpu.memory_space<vmem>> -> memref<128xi32, #tpu.memory_space<vmem>>
    %dma_start3A_213 = arith.constant 0 : i32
    %dma_start3A_214 = tpu.memref_slice %arg14[%dma_start3A_213] : memref<100096xi32, #tpu.memory_space<vmem_shared>> -> memref<100096xi32, #tpu.memory_space<vmem_shared>>
    tpu.enqueue_indirect_dma source(%dma_start3A_214 : memref<100096xi32, #tpu.memory_space<vmem_shared>>) target(%dma_start3A_209 : memref<128xi32, #tpu.memory_space<vmem>>) offsets(%dma_start3A_212 : memref<128xi32, #tpu.memory_space<vmem>>) semaphore(%arg19 : memref<!tpu.dma_semaphore, #tpu.memory_space<semaphore_mem>>)
    %dma_start3A_215 = arith.constant 1 : i32
    %dma_start3A_216 = arith.constant 1 : i32
    %dma_start3A_217 = arith.constant 0 : i32
    %dma_start3A_218 = tpu.memref_slice %arg9[%dma_start3A_216, %dma_start3A_217] : memref<2x128xi32, #tpu.memory_space<vmem>> -> memref<1x128xi32, #tpu.memory_space<vmem>>
    %dma_start3A_219 = tpu.memref_squeeze %dma_start3A_218 : memref<1x128xi32, #tpu.memory_space<vmem>> -> memref<128xi32, #tpu.memory_space<vmem>>
    %dma_start3A_220 = arith.constant 0 : i32
    %dma_start3A_221 = tpu.memref_slice %arg8[%dma_start3A_215, %dma_start3A_220] : memref<2x128xi32, #tpu.memory_space<vmem>> -> memref<1x128xi32, #tpu.memory_space<vmem>>
    %dma_start3A_222 = tpu.memref_squeeze %dma_start3A_221 : memref<1x128xi32, #tpu.memory_space<vmem>> -> memref<128xi32, #tpu.memory_space<vmem>>
    %dma_start3A_223 = arith.constant 0 : i32
    %dma_start3A_224 = tpu.memref_slice %arg14[%dma_start3A_223] : memref<100096xi32, #tpu.memory_space<vmem_shared>> -> memref<100096xi32, #tpu.memory_space<vmem_shared>>
    tpu.enqueue_indirect_dma source(%dma_start3A_224 : memref<100096xi32, #tpu.memory_space<vmem_shared>>) target(%dma_start3A_219 : memref<128xi32, #tpu.memory_space<vmem>>) offsets(%dma_start3A_222 : memref<128xi32, #tpu.memory_space<vmem>>) semaphore(%arg19 : memref<!tpu.dma_semaphore, #tpu.memory_space<semaphore_mem>>)
    %dma_wait3A_225 = arith.constant 0 : i32
    %dma_wait3A_226 = arith.constant 0 : i32
    %dma_wait3A_227 = arith.constant 0 : i32
    %dma_wait3A_228 = tpu.memref_slice %arg9[%dma_wait3A_226, %dma_wait3A_227] : memref<2x128xi32, #tpu.memory_space<vmem>> -> memref<1x128xi32, #tpu.memory_space<vmem>>
    %dma_wait3A_229 = tpu.memref_squeeze %dma_wait3A_228 : memref<1x128xi32, #tpu.memory_space<vmem>> -> memref<128xi32, #tpu.memory_space<vmem>>
    %dma_wait3A_230 = arith.constant 0 : i32
    %dma_wait3A_231 = tpu.memref_slice %arg8[%dma_wait3A_225, %dma_wait3A_230] : memref<2x128xi32, #tpu.memory_space<vmem>> -> memref<1x128xi32, #tpu.memory_space<vmem>>
    %dma_wait3A_232 = tpu.memref_squeeze %dma_wait3A_231 : memref<1x128xi32, #tpu.memory_space<vmem>> -> memref<128xi32, #tpu.memory_space<vmem>>
    %dma_wait3A_233 = arith.constant 0 : i32
    %dma_wait3A_234 = tpu.memref_slice %arg14[%dma_wait3A_233] : memref<100096xi32, #tpu.memory_space<vmem_shared>> -> memref<100096xi32, #tpu.memory_space<vmem_shared>>
    tpu.wait_indirect_dma semaphore(%arg19 : memref<!tpu.dma_semaphore, #tpu.memory_space<semaphore_mem>>) src(%dma_wait3A_234 : memref<100096xi32, #tpu.memory_space<vmem_shared>>) dst(%dma_wait3A_229 : memref<128xi32, #tpu.memory_space<vmem>>)
    %dma_wait3A_235 = arith.constant 1 : i32
    %dma_wait3A_236 = arith.constant 1 : i32
    %dma_wait3A_237 = arith.constant 0 : i32
    %dma_wait3A_238 = tpu.memref_slice %arg9[%dma_wait3A_236, %dma_wait3A_237] : memref<2x128xi32, #tpu.memory_space<vmem>> -> memref<1x128xi32, #tpu.memory_space<vmem>>
    %dma_wait3A_239 = tpu.memref_squeeze %dma_wait3A_238 : memref<1x128xi32, #tpu.memory_space<vmem>> -> memref<128xi32, #tpu.memory_space<vmem>>
    %dma_wait3A_240 = arith.constant 0 : i32
    %dma_wait3A_241 = tpu.memref_slice %arg8[%dma_wait3A_235, %dma_wait3A_240] : memref<2x128xi32, #tpu.memory_space<vmem>> -> memref<1x128xi32, #tpu.memory_space<vmem>>
    %dma_wait3A_242 = tpu.memref_squeeze %dma_wait3A_241 : memref<1x128xi32, #tpu.memory_space<vmem>> -> memref<128xi32, #tpu.memory_space<vmem>>
    %dma_wait3A_243 = arith.constant 0 : i32
    %dma_wait3A_244 = tpu.memref_slice %arg14[%dma_wait3A_243] : memref<100096xi32, #tpu.memory_space<vmem_shared>> -> memref<100096xi32, #tpu.memory_space<vmem_shared>>
    tpu.wait_indirect_dma semaphore(%arg19 : memref<!tpu.dma_semaphore, #tpu.memory_space<semaphore_mem>>) src(%dma_wait3A_244 : memref<100096xi32, #tpu.memory_space<vmem_shared>>) dst(%dma_wait3A_239 : memref<128xi32, #tpu.memory_space<vmem>>)
    %get3A = arith.constant 0 : i32
    %get3A_245 = arith.index_cast %get3A : i32 to index
    %get3A_246 = arith.constant 0 : index
    %get3A_247 = tpu.vector_load %arg9[%get3A_245, %get3A_246] {strides = array<i32>} : memref<2x128xi32, #tpu.memory_space<vmem>>, vector<16xi32>,
    %add3A_248 = arith.constant 0 : i32
    %add3A_249 = arith.addi %mul3A_2, %add3A_248 : i32
    %add3A_250 = vector.broadcast %add3A_249 : i32 to vector<16xi32>
    %add3A_251 = arith.addi %add3A_250, %iota3A : vector<16xi32>
    %ge3A = arith.constant 0 : i32
    %ge3A_252 = vector.broadcast %ge3A : i32 to vector<16xi32>
    %ge3A_253 = arith.cmpi sge, %get3A_247, %ge3A_252 : vector<16xi32>
    %select_n3A = arith.select %ge3A_253, %get3A_247, %add3A_251 : vector<16xi1>, vector<16xi32>
    %add3A_254 = arith.constant 8192 : i32
    %add3A_255 = vector.broadcast %add3A_254 : i32 to vector<16xi32>
    %add3A_256 = arith.addi %add3A_255, %add3A_251 : vector<16xi32>
    %select_n3A_257 = arith.select %ge3A_253, %add3A_256, %add3A_251 : vector<16xi1>, vector<16xi32>
    %swap3A_258 = arith.constant 0 : i32
    %swap3A_259 = arith.index_cast %swap3A_258 : i32 to index
    %swap3A_260 = arith.constant 0 : index
    %swap3A_261 = tpu.vector_load %arg10[%swap3A_259, %swap3A_260] {strides = array<i32>} : memref<4x64xi32, #tpu.memory_space<vmem>>, vector<16xi32>,
    tpu.vector_store %arg10[%swap3A_259, %swap3A_260], %select_n3A {strides = array<i32>} : memref<4x64xi32, #tpu.memory_space<vmem>>, vector<16xi32>,
    %swap3A_262 = arith.constant 0 : i32
    %swap3A_263 = arith.index_cast %swap3A_262 : i32 to index
    %swap3A_264 = arith.constant 0 : index
    %swap3A_265 = tpu.vector_load %arg11[%swap3A_263, %swap3A_264] {strides = array<i32>} : memref<4x64xi32, #tpu.memory_space<vmem>>, vector<16xi32>,
    tpu.vector_store %arg11[%swap3A_263, %swap3A_264], %select_n3A_257 {strides = array<i32>} : memref<4x64xi32, #tpu.memory_space<vmem>>, vector<16xi32>,
    %get3A_266 = arith.constant 0 : i32
    %get3A_267 = arith.index_cast %get3A_266 : i32 to index
    %get3A_268 = arith.constant 16 : index
    %get3A_269 = tpu.vector_load %arg9[%get3A_267, %get3A_268] {strides = array<i32>} : memref<2x128xi32, #tpu.memory_space<vmem>>, vector<16xi32>,
    %add3A_270 = arith.constant 16 : i32
    %add3A_271 = arith.addi %mul3A_2, %add3A_270 : i32
    %add3A_272 = vector.broadcast %add3A_271 : i32 to vector<16xi32>
    %add3A_273 = arith.addi %add3A_272, %iota3A : vector<16xi32>
    %ge3A_274 = arith.constant 0 : i32
    %ge3A_275 = vector.broadcast %ge3A_274 : i32 to vector<16xi32>
    %ge3A_276 = arith.cmpi sge, %get3A_269, %ge3A_275 : vector<16xi32>
    %select_n3A_277 = arith.select %ge3A_276, %get3A_269, %add3A_273 : vector<16xi1>, vector<16xi32>
    %add3A_278 = arith.constant 8192 : i32
    %add3A_279 = vector.broadcast %add3A_278 : i32 to vector<16xi32>
    %add3A_280 = arith.addi %add3A_279, %add3A_273 : vector<16xi32>
    %select_n3A_281 = arith.select %ge3A_276, %add3A_280, %add3A_273 : vector<16xi1>, vector<16xi32>
    %swap3A_282 = arith.constant 0 : i32
    %swap3A_283 = arith.index_cast %swap3A_282 : i32 to index
    %swap3A_284 = arith.constant 16 : index
    %swap3A_285 = tpu.vector_load %arg10[%swap3A_283, %swap3A_284] {strides = array<i32>} : memref<4x64xi32, #tpu.memory_space<vmem>>, vector<16xi32>,
    tpu.vector_store %arg10[%swap3A_283, %swap3A_284], %select_n3A_277 {strides = array<i32>} : memref<4x64xi32, #tpu.memory_space<vmem>>, vector<16xi32>,
    %swap3A_286 = arith.constant 0 : i32
    %swap3A_287 = arith.index_cast %swap3A_286 : i32 to index
    %swap3A_288 = arith.constant 16 : index
    %swap3A_289 = tpu.vector_load %arg11[%swap3A_287, %swap3A_288] {strides = array<i32>} : memref<4x64xi32, #tpu.memory_space<vmem>>, vector<16xi32>,
    tpu.vector_store %arg11[%swap3A_287, %swap3A_288], %select_n3A_281 {strides = array<i32>} : memref<4x64xi32, #tpu.memory_space<vmem>>, vector<16xi32>,
    %get3A_290 = arith.constant 0 : i32
    %get3A_291 = arith.index_cast %get3A_290 : i32 to index
    %get3A_292 = arith.constant 32 : index
    %get3A_293 = tpu.vector_load %arg9[%get3A_291, %get3A_292] {strides = array<i32>} : memref<2x128xi32, #tpu.memory_space<vmem>>, vector<16xi32>,
    %add3A_294 = arith.constant 32 : i32
    %add3A_295 = arith.addi %mul3A_2, %add3A_294 : i32
    %add3A_296 = vector.broadcast %add3A_295 : i32 to vector<16xi32>
    %add3A_297 = arith.addi %add3A_296, %iota3A : vector<16xi32>
    %ge3A_298 = arith.constant 0 : i32
    %ge3A_299 = vector.broadcast %ge3A_298 : i32 to vector<16xi32>
    %ge3A_300 = arith.cmpi sge, %get3A_293, %ge3A_299 : vector<16xi32>
    %select_n3A_301 = arith.select %ge3A_300, %get3A_293, %add3A_297 : vector<16xi1>, vector<16xi32>
    %add3A_302 = arith.constant 8192 : i32
    %add3A_303 = vector.broadcast %add3A_302 : i32 to vector<16xi32>
    %add3A_304 = arith.addi %add3A_303, %add3A_297 : vector<16xi32>
    %select_n3A_305 = arith.select %ge3A_300, %add3A_304, %add3A_297 : vector<16xi1>, vector<16xi32>
    %swap3A_306 = arith.constant 0 : i32
    %swap3A_307 = arith.index_cast %swap3A_306 : i32 to index
    %swap3A_308 = arith.constant 32 : index
    %swap3A_309 = tpu.vector_load %arg10[%swap3A_307, %swap3A_308] {strides = array<i32>} : memref<4x64xi32, #tpu.memory_space<vmem>>, vector<16xi32>,
    tpu.vector_store %arg10[%swap3A_307, %swap3A_308], %select_n3A_301 {strides = array<i32>} : memref<4x64xi32, #tpu.memory_space<vmem>>, vector<16xi32>,
    %swap3A_310 = arith.constant 0 : i32
    %swap3A_311 = arith.index_cast %swap3A_310 : i32 to index
    %swap3A_312 = arith.constant 32 : index
    %swap3A_313 = tpu.vector_load %arg11[%swap3A_311, %swap3A_312] {strides = array<i32>} : memref<4x64xi32, #tpu.memory_space<vmem>>, vector<16xi32>,
    tpu.vector_store %arg11[%swap3A_311, %swap3A_312], %select_n3A_305 {strides = array<i32>} : memref<4x64xi32, #tpu.memory_space<vmem>>, vector<16xi32>,
    %get3A_314 = arith.constant 0 : i32
    %get3A_315 = arith.index_cast %get3A_314 : i32 to index
    %get3A_316 = arith.constant 48 : index
    %get3A_317 = tpu.vector_load %arg9[%get3A_315, %get3A_316] {strides = array<i32>} : memref<2x128xi32, #tpu.memory_space<vmem>>, vector<16xi32>,
    %add3A_318 = arith.constant 48 : i32
    %add3A_319 = arith.addi %mul3A_2, %add3A_318 : i32
    %add3A_320 = vector.broadcast %add3A_319 : i32 to vector<16xi32>
    %add3A_321 = arith.addi %add3A_320, %iota3A : vector<16xi32>
    %ge3A_322 = arith.constant 0 : i32
    %ge3A_323 = vector.broadcast %ge3A_322 : i32 to vector<16xi32>
    %ge3A_324 = arith.cmpi sge, %get3A_317, %ge3A_323 : vector<16xi32>
    %select_n3A_325 = arith.select %ge3A_324, %get3A_317, %add3A_321 : vector<16xi1>, vector<16xi32>
    %add3A_326 = arith.constant 8192 : i32
    %add3A_327 = vector.broadcast %add3A_326 : i32 to vector<16xi32>
    %add3A_328 = arith.addi %add3A_327, %add3A_321 : vector<16xi32>
    %select_n3A_329 = arith.select %ge3A_324, %add3A_328, %add3A_321 : vector<16xi1>, vector<16xi32>
    %swap3A_330 = arith.constant 0 : i32
    %swap3A_331 = arith.index_cast %swap3A_330 : i32 to index
    %swap3A_332 = arith.constant 48 : index
    %swap3A_333 = tpu.vector_load %arg10[%swap3A_331, %swap3A_332] {strides = array<i32>} : memref<4x64xi32, #tpu.memory_space<vmem>>, vector<16xi32>,
    tpu.vector_store %arg10[%swap3A_331, %swap3A_332], %select_n3A_325 {strides = array<i32>} : memref<4x64xi32, #tpu.memory_space<vmem>>, vector<16xi32>,
    %swap3A_334 = arith.constant 0 : i32
    %swap3A_335 = arith.index_cast %swap3A_334 : i32 to index
    %swap3A_336 = arith.constant 48 : index
    %swap3A_337 = tpu.vector_load %arg11[%swap3A_335, %swap3A_336] {strides = array<i32>} : memref<4x64xi32, #tpu.memory_space<vmem>>, vector<16xi32>,
    tpu.vector_store %arg11[%swap3A_335, %swap3A_336], %select_n3A_329 {strides = array<i32>} : memref<4x64xi32, #tpu.memory_space<vmem>>, vector<16xi32>,
    %get3A_338 = arith.constant 0 : i32
    %get3A_339 = arith.index_cast %get3A_338 : i32 to index
    %get3A_340 = arith.constant 64 : index
    %get3A_341 = tpu.vector_load %arg9[%get3A_339, %get3A_340] {strides = array<i32>} : memref<2x128xi32, #tpu.memory_space<vmem>>, vector<16xi32>,
    %add3A_342 = arith.constant 64 : i32
    %add3A_343 = arith.addi %mul3A_2, %add3A_342 : i32
    %add3A_344 = vector.broadcast %add3A_343 : i32 to vector<16xi32>
    %add3A_345 = arith.addi %add3A_344, %iota3A : vector<16xi32>
    %ge3A_346 = arith.constant 0 : i32
    %ge3A_347 = vector.broadcast %ge3A_346 : i32 to vector<16xi32>
    %ge3A_348 = arith.cmpi sge, %get3A_341, %ge3A_347 : vector<16xi32>
    %select_n3A_349 = arith.select %ge3A_348, %get3A_341, %add3A_345 : vector<16xi1>, vector<16xi32>
    %add3A_350 = arith.constant 8192 : i32
    %add3A_351 = vector.broadcast %add3A_350 : i32 to vector<16xi32>
    %add3A_352 = arith.addi %add3A_351, %add3A_345 : vector<16xi32>
    %select_n3A_353 = arith.select %ge3A_348, %add3A_352, %add3A_345 : vector<16xi1>, vector<16xi32>
    %swap3A_354 = arith.constant 1 : i32
    %swap3A_355 = arith.index_cast %swap3A_354 : i32 to index
    %swap3A_356 = arith.constant 0 : index
    %swap3A_357 = tpu.vector_load %arg10[%swap3A_355, %swap3A_356] {strides = array<i32>} : memref<4x64xi32, #tpu.memory_space<vmem>>, vector<16xi32>,
    tpu.vector_store %arg10[%swap3A_355, %swap3A_356], %select_n3A_349 {strides = array<i32>} : memref<4x64xi32, #tpu.memory_space<vmem>>, vector<16xi32>,
    %swap3A_358 = arith.constant 1 : i32
    %swap3A_359 = arith.index_cast %swap3A_358 : i32 to index
    %swap3A_360 = arith.constant 0 : index
    %swap3A_361 = tpu.vector_load %arg11[%swap3A_359, %swap3A_360] {strides = array<i32>} : memref<4x64xi32, #tpu.memory_space<vmem>>, vector<16xi32>,
    tpu.vector_store %arg11[%swap3A_359, %swap3A_360], %select_n3A_353 {strides = array<i32>} : memref<4x64xi32, #tpu.memory_space<vmem>>, vector<16xi32>,
    %get3A_362 = arith.constant 0 : i32
    %get3A_363 = arith.index_cast %get3A_362 : i32 to index
    %get3A_364 = arith.constant 80 : index
    %get3A_365 = tpu.vector_load %arg9[%get3A_363, %get3A_364] {strides = array<i32>} : memref<2x128xi32, #tpu.memory_space<vmem>>, vector<16xi32>,
    %add3A_366 = arith.constant 80 : i32
    %add3A_367 = arith.addi %mul3A_2, %add3A_366 : i32
    %add3A_368 = vector.broadcast %add3A_367 : i32 to vector<16xi32>
    %add3A_369 = arith.addi %add3A_368, %iota3A : vector<16xi32>
    %ge3A_370 = arith.constant 0 : i32
    %ge3A_371 = vector.broadcast %ge3A_370 : i32 to vector<16xi32>
    %ge3A_372 = arith.cmpi sge, %get3A_365, %ge3A_371 : vector<16xi32>
    %select_n3A_373 = arith.select %ge3A_372, %get3A_365, %add3A_369 : vector<16xi1>, vector<16xi32>
    %add3A_374 = arith.constant 8192 : i32
    %add3A_375 = vector.broadcast %add3A_374 : i32 to vector<16xi32>
    %add3A_376 = arith.addi %add3A_375, %add3A_369 : vector<16xi32>
    %select_n3A_377 = arith.select %ge3A_372, %add3A_376, %add3A_369 : vector<16xi1>, vector<16xi32>
    %swap3A_378 = arith.constant 1 : i32
    %swap3A_379 = arith.index_cast %swap3A_378 : i32 to index
    %swap3A_380 = arith.constant 16 : index
    %swap3A_381 = tpu.vector_load %arg10[%swap3A_379, %swap3A_380] {strides = array<i32>} : memref<4x64xi32, #tpu.memory_space<vmem>>, vector<16xi32>,
    tpu.vector_store %arg10[%swap3A_379, %swap3A_380], %select_n3A_373 {strides = array<i32>} : memref<4x64xi32, #tpu.memory_space<vmem>>, vector<16xi32>,
    %swap3A_382 = arith.constant 1 : i32
    %swap3A_383 = arith.index_cast %swap3A_382 : i32 to index
    %swap3A_384 = arith.constant 16 : index
    %swap3A_385 = tpu.vector_load %arg11[%swap3A_383, %swap3A_384] {strides = array<i32>} : memref<4x64xi32, #tpu.memory_space<vmem>>, vector<16xi32>,
    tpu.vector_store %arg11[%swap3A_383, %swap3A_384], %select_n3A_377 {strides = array<i32>} : memref<4x64xi32, #tpu.memory_space<vmem>>, vector<16xi32>,
    %get3A_386 = arith.constant 0 : i32
    %get3A_387 = arith.index_cast %get3A_386 : i32 to index
    %get3A_388 = arith.constant 96 : index
    %get3A_389 = tpu.vector_load %arg9[%get3A_387, %get3A_388] {strides = array<i32>} : memref<2x128xi32, #tpu.memory_space<vmem>>, vector<16xi32>,
    %add3A_390 = arith.constant 96 : i32
    %add3A_391 = arith.addi %mul3A_2, %add3A_390 : i32
    %add3A_392 = vector.broadcast %add3A_391 : i32 to vector<16xi32>
    %add3A_393 = arith.addi %add3A_392, %iota3A : vector<16xi32>
    %ge3A_394 = arith.constant 0 : i32
    %ge3A_395 = vector.broadcast %ge3A_394 : i32 to vector<16xi32>
    %ge3A_396 = arith.cmpi sge, %get3A_389, %ge3A_395 : vector<16xi32>
    %select_n3A_397 = arith.select %ge3A_396, %get3A_389, %add3A_393 : vector<16xi1>, vector<16xi32>
    %add3A_398 = arith.constant 8192 : i32
    %add3A_399 = vector.broadcast %add3A_398 : i32 to vector<16xi32>
    %add3A_400 = arith.addi %add3A_399, %add3A_393 : vector<16xi32>
    %select_n3A_401 = arith.select %ge3A_396, %add3A_400, %add3A_393 : vector<16xi1>, vector<16xi32>
    %swap3A_402 = arith.constant 1 : i32
    %swap3A_403 = arith.index_cast %swap3A_402 : i32 to index
    %swap3A_404 = arith.constant 32 : index
    %swap3A_405 = tpu.vector_load %arg10[%swap3A_403, %swap3A_404] {strides = array<i32>} : memref<4x64xi32, #tpu.memory_space<vmem>>, vector<16xi32>,
    tpu.vector_store %arg10[%swap3A_403, %swap3A_404], %select_n3A_397 {strides = array<i32>} : memref<4x64xi32, #tpu.memory_space<vmem>>, vector<16xi32>,
    %swap3A_406 = arith.constant 1 : i32
    %swap3A_407 = arith.index_cast %swap3A_406 : i32 to index
    %swap3A_408 = arith.constant 32 : index
    %swap3A_409 = tpu.vector_load %arg11[%swap3A_407, %swap3A_408] {strides = array<i32>} : memref<4x64xi32, #tpu.memory_space<vmem>>, vector<16xi32>,
    tpu.vector_store %arg11[%swap3A_407, %swap3A_408], %select_n3A_401 {strides = array<i32>} : memref<4x64xi32, #tpu.memory_space<vmem>>, vector<16xi32>,
    %get3A_410 = arith.constant 0 : i32
    %get3A_411 = arith.index_cast %get3A_410 : i32 to index
    %get3A_412 = arith.constant 112 : index
    %get3A_413 = tpu.vector_load %arg9[%get3A_411, %get3A_412] {strides = array<i32>} : memref<2x128xi32, #tpu.memory_space<vmem>>, vector<16xi32>,
    %add3A_414 = arith.constant 112 : i32
    %add3A_415 = arith.addi %mul3A_2, %add3A_414 : i32
    %add3A_416 = vector.broadcast %add3A_415 : i32 to vector<16xi32>
    %add3A_417 = arith.addi %add3A_416, %iota3A : vector<16xi32>
    %ge3A_418 = arith.constant 0 : i32
    %ge3A_419 = vector.broadcast %ge3A_418 : i32 to vector<16xi32>
    %ge3A_420 = arith.cmpi sge, %get3A_413, %ge3A_419 : vector<16xi32>
    %select_n3A_421 = arith.select %ge3A_420, %get3A_413, %add3A_417 : vector<16xi1>, vector<16xi32>
    %add3A_422 = arith.constant 8192 : i32
    %add3A_423 = vector.broadcast %add3A_422 : i32 to vector<16xi32>
    %add3A_424 = arith.addi %add3A_423, %add3A_417 : vector<16xi32>
    %select_n3A_425 = arith.select %ge3A_420, %add3A_424, %add3A_417 : vector<16xi1>, vector<16xi32>
    %swap3A_426 = arith.constant 1 : i32
    %swap3A_427 = arith.index_cast %swap3A_426 : i32 to index
    %swap3A_428 = arith.constant 48 : index
    %swap3A_429 = tpu.vector_load %arg10[%swap3A_427, %swap3A_428] {strides = array<i32>} : memref<4x64xi32, #tpu.memory_space<vmem>>, vector<16xi32>,
    tpu.vector_store %arg10[%swap3A_427, %swap3A_428], %select_n3A_421 {strides = array<i32>} : memref<4x64xi32, #tpu.memory_space<vmem>>, vector<16xi32>,
    %swap3A_430 = arith.constant 1 : i32
    %swap3A_431 = arith.index_cast %swap3A_430 : i32 to index
    %swap3A_432 = arith.constant 48 : index
    %swap3A_433 = tpu.vector_load %arg11[%swap3A_431, %swap3A_432] {strides = array<i32>} : memref<4x64xi32, #tpu.memory_space<vmem>>, vector<16xi32>,
    tpu.vector_store %arg11[%swap3A_431, %swap3A_432], %select_n3A_425 {strides = array<i32>} : memref<4x64xi32, #tpu.memory_space<vmem>>, vector<16xi32>,
    %get3A_434 = arith.constant 1 : i32
    %get3A_435 = arith.index_cast %get3A_434 : i32 to index
    %get3A_436 = arith.constant 0 : index
    %get3A_437 = tpu.vector_load %arg9[%get3A_435, %get3A_436] {strides = array<i32>} : memref<2x128xi32, #tpu.memory_space<vmem>>, vector<16xi32>,
    %add3A_438 = arith.constant 128 : i32
    %add3A_439 = arith.addi %mul3A_2, %add3A_438 : i32
    %add3A_440 = vector.broadcast %add3A_439 : i32 to vector<16xi32>
    %add3A_441 = arith.addi %add3A_440, %iota3A : vector<16xi32>
    %ge3A_442 = arith.constant 0 : i32
    %ge3A_443 = vector.broadcast %ge3A_442 : i32 to vector<16xi32>
    %ge3A_444 = arith.cmpi sge, %get3A_437, %ge3A_443 : vector<16xi32>
    %select_n3A_445 = arith.select %ge3A_444, %get3A_437, %add3A_441 : vector<16xi1>, vector<16xi32>
    %add3A_446 = arith.constant 8192 : i32
    %add3A_447 = vector.broadcast %add3A_446 : i32 to vector<16xi32>
    %add3A_448 = arith.addi %add3A_447, %add3A_441 : vector<16xi32>
    %select_n3A_449 = arith.select %ge3A_444, %add3A_448, %add3A_441 : vector<16xi1>, vector<16xi32>
    %swap3A_450 = arith.constant 2 : i32
    %swap3A_451 = arith.index_cast %swap3A_450 : i32 to index
    %swap3A_452 = arith.constant 0 : index
    %swap3A_453 = tpu.vector_load %arg10[%swap3A_451, %swap3A_452] {strides = array<i32>} : memref<4x64xi32, #tpu.memory_space<vmem>>, vector<16xi32>,
    tpu.vector_store %arg10[%swap3A_451, %swap3A_452], %select_n3A_445 {strides = array<i32>} : memref<4x64xi32, #tpu.memory_space<vmem>>, vector<16xi32>,
    %swap3A_454 = arith.constant 2 : i32
    %swap3A_455 = arith.index_cast %swap3A_454 : i32 to index
    %swap3A_456 = arith.constant 0 : index
    %swap3A_457 = tpu.vector_load %arg11[%swap3A_455, %swap3A_456] {strides = array<i32>} : memref<4x64xi32, #tpu.memory_space<vmem>>, vector<16xi32>,
    tpu.vector_store %arg11[%swap3A_455, %swap3A_456], %select_n3A_449 {strides = array<i32>} : memref<4x64xi32, #tpu.memory_space<vmem>>, vector<16xi32>,
    %get3A_458 = arith.constant 1 : i32
    %get3A_459 = arith.index_cast %get3A_458 : i32 to index
    %get3A_460 = arith.constant 16 : index
    %get3A_461 = tpu.vector_load %arg9[%get3A_459, %get3A_460] {strides = array<i32>} : memref<2x128xi32, #tpu.memory_space<vmem>>, vector<16xi32>,
    %add3A_462 = arith.constant 144 : i32
    %add3A_463 = arith.addi %mul3A_2, %add3A_462 : i32
    %add3A_464 = vector.broadcast %add3A_463 : i32 to vector<16xi32>
    %add3A_465 = arith.addi %add3A_464, %iota3A : vector<16xi32>
    %ge3A_466 = arith.constant 0 : i32
    %ge3A_467 = vector.broadcast %ge3A_466 : i32 to vector<16xi32>
    %ge3A_468 = arith.cmpi sge, %get3A_461, %ge3A_467 : vector<16xi32>
    %select_n3A_469 = arith.select %ge3A_468, %get3A_461, %add3A_465 : vector<16xi1>, vector<16xi32>
    %add3A_470 = arith.constant 8192 : i32
    %add3A_471 = vector.broadcast %add3A_470 : i32 to vector<16xi32>
    %add3A_472 = arith.addi %add3A_471, %add3A_465 : vector<16xi32>
    %select_n3A_473 = arith.select %ge3A_468, %add3A_472, %add3A_465 : vector<16xi1>, vector<16xi32>
    %swap3A_474 = arith.constant 2 : i32
    %swap3A_475 = arith.index_cast %swap3A_474 : i32 to index
    %swap3A_476 = arith.constant 16 : index
    %swap3A_477 = tpu.vector_load %arg10[%swap3A_475, %swap3A_476] {strides = array<i32>} : memref<4x64xi32, #tpu.memory_space<vmem>>, vector<16xi32>,
    tpu.vector_store %arg10[%swap3A_475, %swap3A_476], %select_n3A_469 {strides = array<i32>} : memref<4x64xi32, #tpu.memory_space<vmem>>, vector<16xi32>,
    %swap3A_478 = arith.constant 2 : i32
    %swap3A_479 = arith.index_cast %swap3A_478 : i32 to index
    %swap3A_480 = arith.constant 16 : index
    %swap3A_481 = tpu.vector_load %arg11[%swap3A_479, %swap3A_480] {strides = array<i32>} : memref<4x64xi32, #tpu.memory_space<vmem>>, vector<16xi32>,
    tpu.vector_store %arg11[%swap3A_479, %swap3A_480], %select_n3A_473 {strides = array<i32>} : memref<4x64xi32, #tpu.memory_space<vmem>>, vector<16xi32>,
    %get3A_482 = arith.constant 1 : i32
    %get3A_483 = arith.index_cast %get3A_482 : i32 to index
    %get3A_484 = arith.constant 32 : index
    %get3A_485 = tpu.vector_load %arg9[%get3A_483, %get3A_484] {strides = array<i32>} : memref<2x128xi32, #tpu.memory_space<vmem>>, vector<16xi32>,
    %add3A_486 = arith.constant 160 : i32
    %add3A_487 = arith.addi %mul3A_2, %add3A_486 : i32
    %add3A_488 = vector.broadcast %add3A_487 : i32 to vector<16xi32>
    %add3A_489 = arith.addi %add3A_488, %iota3A : vector<16xi32>
    %ge3A_490 = arith.constant 0 : i32
    %ge3A_491 = vector.broadcast %ge3A_490 : i32 to vector<16xi32>
    %ge3A_492 = arith.cmpi sge, %get3A_485, %ge3A_491 : vector<16xi32>
    %select_n3A_493 = arith.select %ge3A_492, %get3A_485, %add3A_489 : vector<16xi1>, vector<16xi32>
    %add3A_494 = arith.constant 8192 : i32
    %add3A_495 = vector.broadcast %add3A_494 : i32 to vector<16xi32>
    %add3A_496 = arith.addi %add3A_495, %add3A_489 : vector<16xi32>
    %select_n3A_497 = arith.select %ge3A_492, %add3A_496, %add3A_489 : vector<16xi1>, vector<16xi32>
    %swap3A_498 = arith.constant 2 : i32
    %swap3A_499 = arith.index_cast %swap3A_498 : i32 to index
    %swap3A_500 = arith.constant 32 : index
    %swap3A_501 = tpu.vector_load %arg10[%swap3A_499, %swap3A_500] {strides = array<i32>} : memref<4x64xi32, #tpu.memory_space<vmem>>, vector<16xi32>,
    tpu.vector_store %arg10[%swap3A_499, %swap3A_500], %select_n3A_493 {strides = array<i32>} : memref<4x64xi32, #tpu.memory_space<vmem>>, vector<16xi32>,
    %swap3A_502 = arith.constant 2 : i32
    %swap3A_503 = arith.index_cast %swap3A_502 : i32 to index
    %swap3A_504 = arith.constant 32 : index
    %swap3A_505 = tpu.vector_load %arg11[%swap3A_503, %swap3A_504] {strides = array<i32>} : memref<4x64xi32, #tpu.memory_space<vmem>>, vector<16xi32>,
    tpu.vector_store %arg11[%swap3A_503, %swap3A_504], %select_n3A_497 {strides = array<i32>} : memref<4x64xi32, #tpu.memory_space<vmem>>, vector<16xi32>,
    %get3A_506 = arith.constant 1 : i32
    %get3A_507 = arith.index_cast %get3A_506 : i32 to index
    %get3A_508 = arith.constant 48 : index
    %get3A_509 = tpu.vector_load %arg9[%get3A_507, %get3A_508] {strides = array<i32>} : memref<2x128xi32, #tpu.memory_space<vmem>>, vector<16xi32>,
    %add3A_510 = arith.constant 176 : i32
    %add3A_511 = arith.addi %mul3A_2, %add3A_510 : i32
    %add3A_512 = vector.broadcast %add3A_511 : i32 to vector<16xi32>
    %add3A_513 = arith.addi %add3A_512, %iota3A : vector<16xi32>
    %ge3A_514 = arith.constant 0 : i32
    %ge3A_515 = vector.broadcast %ge3A_514 : i32 to vector<16xi32>
    %ge3A_516 = arith.cmpi sge, %get3A_509, %ge3A_515 : vector<16xi32>
    %select_n3A_517 = arith.select %ge3A_516, %get3A_509, %add3A_513 : vector<16xi1>, vector<16xi32>
    %add3A_518 = arith.constant 8192 : i32
    %add3A_519 = vector.broadcast %add3A_518 : i32 to vector<16xi32>
    %add3A_520 = arith.addi %add3A_519, %add3A_513 : vector<16xi32>
    %select_n3A_521 = arith.select %ge3A_516, %add3A_520, %add3A_513 : vector<16xi1>, vector<16xi32>
    %swap3A_522 = arith.constant 2 : i32
    %swap3A_523 = arith.index_cast %swap3A_522 : i32 to index
    %swap3A_524 = arith.constant 48 : index
    %swap3A_525 = tpu.vector_load %arg10[%swap3A_523, %swap3A_524] {strides = array<i32>} : memref<4x64xi32, #tpu.memory_space<vmem>>, vector<16xi32>,
    tpu.vector_store %arg10[%swap3A_523, %swap3A_524], %select_n3A_517 {strides = array<i32>} : memref<4x64xi32, #tpu.memory_space<vmem>>, vector<16xi32>,
    %swap3A_526 = arith.constant 2 : i32
    %swap3A_527 = arith.index_cast %swap3A_526 : i32 to index
    %swap3A_528 = arith.constant 48 : index
    %swap3A_529 = tpu.vector_load %arg11[%swap3A_527, %swap3A_528] {strides = array<i32>} : memref<4x64xi32, #tpu.memory_space<vmem>>, vector<16xi32>,
    tpu.vector_store %arg11[%swap3A_527, %swap3A_528], %select_n3A_521 {strides = array<i32>} : memref<4x64xi32, #tpu.memory_space<vmem>>, vector<16xi32>,
    %get3A_530 = arith.constant 1 : i32
    %get3A_531 = arith.index_cast %get3A_530 : i32 to index
    %get3A_532 = arith.constant 64 : index
    %get3A_533 = tpu.vector_load %arg9[%get3A_531, %get3A_532] {strides = array<i32>} : memref<2x128xi32, #tpu.memory_space<vmem>>, vector<16xi32>,
    %add3A_534 = arith.constant 192 : i32
    %add3A_535 = arith.addi %mul3A_2, %add3A_534 : i32
    %add3A_536 = vector.broadcast %add3A_535 : i32 to vector<16xi32>
    %add3A_537 = arith.addi %add3A_536, %iota3A : vector<16xi32>
    %ge3A_538 = arith.constant 0 : i32
    %ge3A_539 = vector.broadcast %ge3A_538 : i32 to vector<16xi32>
    %ge3A_540 = arith.cmpi sge, %get3A_533, %ge3A_539 : vector<16xi32>
    %select_n3A_541 = arith.select %ge3A_540, %get3A_533, %add3A_537 : vector<16xi1>, vector<16xi32>
    %add3A_542 = arith.constant 8192 : i32
    %add3A_543 = vector.broadcast %add3A_542 : i32 to vector<16xi32>
    %add3A_544 = arith.addi %add3A_543, %add3A_537 : vector<16xi32>
    %select_n3A_545 = arith.select %ge3A_540, %add3A_544, %add3A_537 : vector<16xi1>, vector<16xi32>
    %swap3A_546 = arith.constant 3 : i32
    %swap3A_547 = arith.index_cast %swap3A_546 : i32 to index
    %swap3A_548 = arith.constant 0 : index
    %swap3A_549 = tpu.vector_load %arg10[%swap3A_547, %swap3A_548] {strides = array<i32>} : memref<4x64xi32, #tpu.memory_space<vmem>>, vector<16xi32>,
    tpu.vector_store %arg10[%swap3A_547, %swap3A_548], %select_n3A_541 {strides = array<i32>} : memref<4x64xi32, #tpu.memory_space<vmem>>, vector<16xi32>,
    %swap3A_550 = arith.constant 3 : i32
    %swap3A_551 = arith.index_cast %swap3A_550 : i32 to index
    %swap3A_552 = arith.constant 0 : index
    %swap3A_553 = tpu.vector_load %arg11[%swap3A_551, %swap3A_552] {strides = array<i32>} : memref<4x64xi32, #tpu.memory_space<vmem>>, vector<16xi32>,
    tpu.vector_store %arg11[%swap3A_551, %swap3A_552], %select_n3A_545 {strides = array<i32>} : memref<4x64xi32, #tpu.memory_space<vmem>>, vector<16xi32>,
    %get3A_554 = arith.constant 1 : i32
    %get3A_555 = arith.index_cast %get3A_554 : i32 to index
    %get3A_556 = arith.constant 80 : index
    %get3A_557 = tpu.vector_load %arg9[%get3A_555, %get3A_556] {strides = array<i32>} : memref<2x128xi32, #tpu.memory_space<vmem>>, vector<16xi32>,
    %add3A_558 = arith.constant 208 : i32
    %add3A_559 = arith.addi %mul3A_2, %add3A_558 : i32
    %add3A_560 = vector.broadcast %add3A_559 : i32 to vector<16xi32>
    %add3A_561 = arith.addi %add3A_560, %iota3A : vector<16xi32>
    %ge3A_562 = arith.constant 0 : i32
    %ge3A_563 = vector.broadcast %ge3A_562 : i32 to vector<16xi32>
    %ge3A_564 = arith.cmpi sge, %get3A_557, %ge3A_563 : vector<16xi32>
    %select_n3A_565 = arith.select %ge3A_564, %get3A_557, %add3A_561 : vector<16xi1>, vector<16xi32>
    %add3A_566 = arith.constant 8192 : i32
    %add3A_567 = vector.broadcast %add3A_566 : i32 to vector<16xi32>
    %add3A_568 = arith.addi %add3A_567, %add3A_561 : vector<16xi32>
    %select_n3A_569 = arith.select %ge3A_564, %add3A_568, %add3A_561 : vector<16xi1>, vector<16xi32>
    %swap3A_570 = arith.constant 3 : i32
    %swap3A_571 = arith.index_cast %swap3A_570 : i32 to index
    %swap3A_572 = arith.constant 16 : index
    %swap3A_573 = tpu.vector_load %arg10[%swap3A_571, %swap3A_572] {strides = array<i32>} : memref<4x64xi32, #tpu.memory_space<vmem>>, vector<16xi32>,
    tpu.vector_store %arg10[%swap3A_571, %swap3A_572], %select_n3A_565 {strides = array<i32>} : memref<4x64xi32, #tpu.memory_space<vmem>>, vector<16xi32>,
    %swap3A_574 = arith.constant 3 : i32
    %swap3A_575 = arith.index_cast %swap3A_574 : i32 to index
    %swap3A_576 = arith.constant 16 : index
    %swap3A_577 = tpu.vector_load %arg11[%swap3A_575, %swap3A_576] {strides = array<i32>} : memref<4x64xi32, #tpu.memory_space<vmem>>, vector<16xi32>,
    tpu.vector_store %arg11[%swap3A_575, %swap3A_576], %select_n3A_569 {strides = array<i32>} : memref<4x64xi32, #tpu.memory_space<vmem>>, vector<16xi32>,
    %get3A_578 = arith.constant 1 : i32
    %get3A_579 = arith.index_cast %get3A_578 : i32 to index
    %get3A_580 = arith.constant 96 : index
    %get3A_581 = tpu.vector_load %arg9[%get3A_579, %get3A_580] {strides = array<i32>} : memref<2x128xi32, #tpu.memory_space<vmem>>, vector<16xi32>,
    %add3A_582 = arith.constant 224 : i32
    %add3A_583 = arith.addi %mul3A_2, %add3A_582 : i32
    %add3A_584 = vector.broadcast %add3A_583 : i32 to vector<16xi32>
    %add3A_585 = arith.addi %add3A_584, %iota3A : vector<16xi32>
    %ge3A_586 = arith.constant 0 : i32
    %ge3A_587 = vector.broadcast %ge3A_586 : i32 to vector<16xi32>
    %ge3A_588 = arith.cmpi sge, %get3A_581, %ge3A_587 : vector<16xi32>
    %select_n3A_589 = arith.select %ge3A_588, %get3A_581, %add3A_585 : vector<16xi1>, vector<16xi32>
    %add3A_590 = arith.constant 8192 : i32
    %add3A_591 = vector.broadcast %add3A_590 : i32 to vector<16xi32>
    %add3A_592 = arith.addi %add3A_591, %add3A_585 : vector<16xi32>
    %select_n3A_593 = arith.select %ge3A_588, %add3A_592, %add3A_585 : vector<16xi1>, vector<16xi32>
    %swap3A_594 = arith.constant 3 : i32
    %swap3A_595 = arith.index_cast %swap3A_594 : i32 to index
    %swap3A_596 = arith.constant 32 : index
    %swap3A_597 = tpu.vector_load %arg10[%swap3A_595, %swap3A_596] {strides = array<i32>} : memref<4x64xi32, #tpu.memory_space<vmem>>, vector<16xi32>,
    tpu.vector_store %arg10[%swap3A_595, %swap3A_596], %select_n3A_589 {strides = array<i32>} : memref<4x64xi32, #tpu.memory_space<vmem>>, vector<16xi32>,
    %swap3A_598 = arith.constant 3 : i32
    %swap3A_599 = arith.index_cast %swap3A_598 : i32 to index
    %swap3A_600 = arith.constant 32 : index
    %swap3A_601 = tpu.vector_load %arg11[%swap3A_599, %swap3A_600] {strides = array<i32>} : memref<4x64xi32, #tpu.memory_space<vmem>>, vector<16xi32>,
    tpu.vector_store %arg11[%swap3A_599, %swap3A_600], %select_n3A_593 {strides = array<i32>} : memref<4x64xi32, #tpu.memory_space<vmem>>, vector<16xi32>,
    %get3A_602 = arith.constant 1 : i32
    %get3A_603 = arith.index_cast %get3A_602 : i32 to index
    %get3A_604 = arith.constant 112 : index
    %get3A_605 = tpu.vector_load %arg9[%get3A_603, %get3A_604] {strides = array<i32>} : memref<2x128xi32, #tpu.memory_space<vmem>>, vector<16xi32>,
    %add3A_606 = arith.constant 240 : i32
    %add3A_607 = arith.addi %mul3A_2, %add3A_606 : i32
    %add3A_608 = vector.broadcast %add3A_607 : i32 to vector<16xi32>
    %add3A_609 = arith.addi %add3A_608, %iota3A : vector<16xi32>
    %ge3A_610 = arith.constant 0 : i32
    %ge3A_611 = vector.broadcast %ge3A_610 : i32 to vector<16xi32>
    %ge3A_612 = arith.cmpi sge, %get3A_605, %ge3A_611 : vector<16xi32>
    %select_n3A_613 = arith.select %ge3A_612, %get3A_605, %add3A_609 : vector<16xi1>, vector<16xi32>
    %add3A_614 = arith.constant 8192 : i32
    %add3A_615 = vector.broadcast %add3A_614 : i32 to vector<16xi32>
    %add3A_616 = arith.addi %add3A_615, %add3A_609 : vector<16xi32>
    %select_n3A_617 = arith.select %ge3A_612, %add3A_616, %add3A_609 : vector<16xi1>, vector<16xi32>
    %swap3A_618 = arith.constant 3 : i32
    %swap3A_619 = arith.index_cast %swap3A_618 : i32 to index
    %swap3A_620 = arith.constant 48 : index
    %swap3A_621 = tpu.vector_load %arg10[%swap3A_619, %swap3A_620] {strides = array<i32>} : memref<4x64xi32, #tpu.memory_space<vmem>>, vector<16xi32>,
    tpu.vector_store %arg10[%swap3A_619, %swap3A_620], %select_n3A_613 {strides = array<i32>} : memref<4x64xi32, #tpu.memory_space<vmem>>, vector<16xi32>,
    %swap3A_622 = arith.constant 3 : i32
    %swap3A_623 = arith.index_cast %swap3A_622 : i32 to index
    %swap3A_624 = arith.constant 48 : index
    %swap3A_625 = tpu.vector_load %arg11[%swap3A_623, %swap3A_624] {strides = array<i32>} : memref<4x64xi32, #tpu.memory_space<vmem>>, vector<16xi32>,
    tpu.vector_store %arg11[%swap3A_623, %swap3A_624], %select_n3A_617 {strides = array<i32>} : memref<4x64xi32, #tpu.memory_space<vmem>>, vector<16xi32>,
    %dma_wait3A_626 = arith.constant 0 : i32
    %dma_wait3A_627 = arith.constant 0 : i32
    %dma_wait3A_628 = tpu.memref_slice %arg12[%dma_wait3A_626, %dma_wait3A_627] : memref<256x256xf32, #tpu.memory_space<vmem>> -> memref<128x256xf32, #tpu.memory_space<vmem>>
    %dma_wait3A_629 = arith.constant 0 : i32
    %dma_wait3A_630 = tpu.memref_slice %arg5[%add3A_170, %dma_wait3A_629] : memref<16384x256xf32, #tpu.memory_space<hbm>> -> memref<128x256xf32, #tpu.memory_space<hbm>>
    %dma_wait3A_631 = arith.constant 0 : i32
    %dma_wait3A_632 = tpu.memref_slice %arg5[%add3A_170, %dma_wait3A_631] : memref<16384x256xf32, #tpu.memory_space<hbm>> -> memref<128x256xf32, #tpu.memory_space<hbm>>
    %dma_wait3A_633 = arith.constant 0 : i32
    %dma_wait3A_634 = arith.constant 0 : i32
    %dma_wait3A_635 = tpu.memref_slice %arg12[%dma_wait3A_633, %dma_wait3A_634] : memref<256x256xf32, #tpu.memory_space<vmem>> -> memref<128x256xf32, #tpu.memory_space<vmem>>
    tpu.wait_dma2 semaphore(%arg18 : memref<!tpu.dma_semaphore, #tpu.memory_space<semaphore_mem>>) src(%dma_wait3A_635 : memref<128x256xf32, #tpu.memory_space<vmem>>) dst(%dma_wait3A_632 : memref<128x256xf32, #tpu.memory_space<hbm>>)
    %dma_start3A_636 = arith.constant 0 : i32
    %dma_start3A_637 = arith.constant 0 : i32
    %dma_start3A_638 = arith.constant 0 : i32
    %dma_start3A_639 = tpu.memref_slice %arg12[%dma_start3A_637, %dma_start3A_638] : memref<256x256xf32, #tpu.memory_space<vmem>> -> memref<64x256xf32, #tpu.memory_space<vmem>>
    %dma_start3A_640 = arith.constant 0 : i32
    %dma_start3A_641 = tpu.memref_slice %arg10[%dma_start3A_636, %dma_start3A_640] : memref<4x64xi32, #tpu.memory_space<vmem>> -> memref<1x64xi32, #tpu.memory_space<vmem>>
    %dma_start3A_642 = tpu.memref_squeeze %dma_start3A_641 : memref<1x64xi32, #tpu.memory_space<vmem>> -> memref<64xi32, #tpu.memory_space<vmem>>
    %dma_start3A_643 = arith.constant 0 : i32
    %dma_start3A_644 = arith.constant 0 : i32
    %dma_start3A_645 = tpu.memref_slice %arg2[%dma_start3A_643, %dma_start3A_644] : memref<16384x256xf32, #tpu.memory_space<hbm>> -> memref<16384x256xf32, #tpu.memory_space<hbm>>
    tpu.enqueue_indirect_dma source(%dma_start3A_645 : memref<16384x256xf32, #tpu.memory_space<hbm>>) target(%dma_start3A_639 : memref<64x256xf32, #tpu.memory_space<vmem>>) offsets(%dma_start3A_642 : memref<64xi32, #tpu.memory_space<vmem>>) semaphore(%arg19 : memref<!tpu.dma_semaphore, #tpu.memory_space<semaphore_mem>>)
    %dma_start3A_646 = arith.constant 1 : i32
    %dma_start3A_647 = arith.constant 64 : i32
    %dma_start3A_648 = arith.constant 0 : i32
    %dma_start3A_649 = tpu.memref_slice %arg12[%dma_start3A_647, %dma_start3A_648] : memref<256x256xf32, #tpu.memory_space<vmem>> -> memref<64x256xf32, #tpu.memory_space<vmem>>
    %dma_start3A_650 = arith.constant 0 : i32
    %dma_start3A_651 = tpu.memref_slice %arg10[%dma_start3A_646, %dma_start3A_650] : memref<4x64xi32, #tpu.memory_space<vmem>> -> memref<1x64xi32, #tpu.memory_space<vmem>>
    %dma_start3A_652 = tpu.memref_squeeze %dma_start3A_651 : memref<1x64xi32, #tpu.memory_space<vmem>> -> memref<64xi32, #tpu.memory_space<vmem>>
    %dma_start3A_653 = arith.constant 0 : i32
    %dma_start3A_654 = arith.constant 0 : i32
    %dma_start3A_655 = tpu.memref_slice %arg2[%dma_start3A_653, %dma_start3A_654] : memref<16384x256xf32, #tpu.memory_space<hbm>> -> memref<16384x256xf32, #tpu.memory_space<hbm>>
    tpu.enqueue_indirect_dma source(%dma_start3A_655 : memref<16384x256xf32, #tpu.memory_space<hbm>>) target(%dma_start3A_649 : memref<64x256xf32, #tpu.memory_space<vmem>>) offsets(%dma_start3A_652 : memref<64xi32, #tpu.memory_space<vmem>>) semaphore(%arg15 : memref<!tpu.dma_semaphore, #tpu.memory_space<semaphore_mem>>)
    %dma_wait3A_656 = arith.constant 128 : i32
    %dma_wait3A_657 = arith.constant 0 : i32
    %dma_wait3A_658 = tpu.memref_slice %arg12[%dma_wait3A_656, %dma_wait3A_657] : memref<256x256xf32, #tpu.memory_space<vmem>> -> memref<128x256xf32, #tpu.memory_space<vmem>>
    %dma_wait3A_659 = arith.constant 0 : i32
    %dma_wait3A_660 = tpu.memref_slice %arg5[%add3A_184, %dma_wait3A_659] : memref<16384x256xf32, #tpu.memory_space<hbm>> -> memref<128x256xf32, #tpu.memory_space<hbm>>
    %dma_wait3A_661 = arith.constant 0 : i32
    %dma_wait3A_662 = tpu.memref_slice %arg5[%add3A_184, %dma_wait3A_661] : memref<16384x256xf32, #tpu.memory_space<hbm>> -> memref<128x256xf32, #tpu.memory_space<hbm>>
    %dma_wait3A_663 = arith.constant 128 : i32
    %dma_wait3A_664 = arith.constant 0 : i32
    %dma_wait3A_665 = tpu.memref_slice %arg12[%dma_wait3A_663, %dma_wait3A_664] : memref<256x256xf32, #tpu.memory_space<vmem>> -> memref<128x256xf32, #tpu.memory_space<vmem>>
    tpu.wait_dma2 semaphore(%arg18 : memref<!tpu.dma_semaphore, #tpu.memory_space<semaphore_mem>>) src(%dma_wait3A_665 : memref<128x256xf32, #tpu.memory_space<vmem>>) dst(%dma_wait3A_662 : memref<128x256xf32, #tpu.memory_space<hbm>>)
    %dma_start3A_666 = arith.constant 2 : i32
    %dma_start3A_667 = arith.constant 128 : i32
    %dma_start3A_668 = arith.constant 0 : i32
    %dma_start3A_669 = tpu.memref_slice %arg12[%dma_start3A_667, %dma_start3A_668] : memref<256x256xf32, #tpu.memory_space<vmem>> -> memref<64x256xf32, #tpu.memory_space<vmem>>
    %dma_start3A_670 = arith.constant 0 : i32
    %dma_start3A_671 = tpu.memref_slice %arg10[%dma_start3A_666, %dma_start3A_670] : memref<4x64xi32, #tpu.memory_space<vmem>> -> memref<1x64xi32, #tpu.memory_space<vmem>>
    %dma_start3A_672 = tpu.memref_squeeze %dma_start3A_671 : memref<1x64xi32, #tpu.memory_space<vmem>> -> memref<64xi32, #tpu.memory_space<vmem>>
    %dma_start3A_673 = arith.constant 0 : i32
    %dma_start3A_674 = arith.constant 0 : i32
    %dma_start3A_675 = tpu.memref_slice %arg2[%dma_start3A_673, %dma_start3A_674] : memref<16384x256xf32, #tpu.memory_space<hbm>> -> memref<16384x256xf32, #tpu.memory_space<hbm>>
    tpu.enqueue_indirect_dma source(%dma_start3A_675 : memref<16384x256xf32, #tpu.memory_space<hbm>>) target(%dma_start3A_669 : memref<64x256xf32, #tpu.memory_space<vmem>>) offsets(%dma_start3A_672 : memref<64xi32, #tpu.memory_space<vmem>>) semaphore(%arg16 : memref<!tpu.dma_semaphore, #tpu.memory_space<semaphore_mem>>)
    %dma_start3A_676 = arith.constant 3 : i32
    %dma_start3A_677 = arith.constant 192 : i32
    %dma_start3A_678 = arith.constant 0 : i32
    %dma_start3A_679 = tpu.memref_slice %arg12[%dma_start3A_677, %dma_start3A_678] : memref<256x256xf32, #tpu.memory_space<vmem>> -> memref<64x256xf32, #tpu.memory_space<vmem>>
    %dma_start3A_680 = arith.constant 0 : i32
    %dma_start3A_681 = tpu.memref_slice %arg10[%dma_start3A_676, %dma_start3A_680] : memref<4x64xi32, #tpu.memory_space<vmem>> -> memref<1x64xi32, #tpu.memory_space<vmem>>
    %dma_start3A_682 = tpu.memref_squeeze %dma_start3A_681 : memref<1x64xi32, #tpu.memory_space<vmem>> -> memref<64xi32, #tpu.memory_space<vmem>>
    %dma_start3A_683 = arith.constant 0 : i32
    %dma_start3A_684 = arith.constant 0 : i32
    %dma_start3A_685 = tpu.memref_slice %arg2[%dma_start3A_683, %dma_start3A_684] : memref<16384x256xf32, #tpu.memory_space<hbm>> -> memref<16384x256xf32, #tpu.memory_space<hbm>>
    tpu.enqueue_indirect_dma source(%dma_start3A_685 : memref<16384x256xf32, #tpu.memory_space<hbm>>) target(%dma_start3A_679 : memref<64x256xf32, #tpu.memory_space<vmem>>) offsets(%dma_start3A_682 : memref<64xi32, #tpu.memory_space<vmem>>) semaphore(%arg17 : memref<!tpu.dma_semaphore, #tpu.memory_space<semaphore_mem>>)
    %dma_wait3A_686 = arith.constant 0 : i32
    %dma_wait3A_687 = tpu.memref_slice %arg2[%add3A_200, %dma_wait3A_686] : memref<16384x256xf32, #tpu.memory_space<hbm>> -> memref<128x256xf32, #tpu.memory_space<hbm>>
    %dma_wait3A_688 = arith.constant 0 : i32
    %dma_wait3A_689 = tpu.memref_slice %arg2[%add3A_200, %dma_wait3A_688] : memref<16384x256xf32, #tpu.memory_space<hbm>> -> memref<128x256xf32, #tpu.memory_space<hbm>>
    tpu.wait_dma2 semaphore(%arg21 : memref<!tpu.dma_semaphore, #tpu.memory_space<semaphore_mem>>) src(%dma_wait3A_689 : memref<128x256xf32, #tpu.memory_space<hbm>>) dst(%arg13 : memref<128x256xf32, #tpu.memory_space<vmem>>)
    %add3A_690 = arith.constant 128 : i32
    %add3A_691 = arith.addi %mul3A_2, %add3A_690 : i32
    %dma_start3A_692 = arith.constant 0 : i32
    %dma_start3A_693 = tpu.memref_slice %arg5[%add3A_691, %dma_start3A_692] : memref<16384x256xf32, #tpu.memory_space<hbm>> -> memref<128x256xf32, #tpu.memory_space<hbm>>
    %dma_start3A_694 = arith.constant 0 : i32
    %dma_start3A_695 = tpu.memref_slice %arg5[%add3A_691, %dma_start3A_694] : memref<16384x256xf32, #tpu.memory_space<hbm>> -> memref<128x256xf32, #tpu.memory_space<hbm>>
    tpu.enqueue_dma source(%arg13 : memref<128x256xf32, #tpu.memory_space<vmem>>) target(%dma_start3A_695 : memref<128x256xf32, #tpu.memory_space<hbm>>) target_semaphore(%arg21 : memref<!tpu.dma_semaphore, #tpu.memory_space<semaphore_mem>>)
    %dma_wait3A_696 = arith.constant 0 : i32
    %dma_wait3A_697 = arith.constant 0 : i32
    %dma_wait3A_698 = arith.constant 0 : i32
    %dma_wait3A_699 = tpu.memref_slice %arg12[%dma_wait3A_697, %dma_wait3A_698] : memref<256x256xf32, #tpu.memory_space<vmem>> -> memref<64x256xf32, #tpu.memory_space<vmem>>
    %dma_wait3A_700 = arith.constant 0 : i32
    %dma_wait3A_701 = tpu.memref_slice %arg10[%dma_wait3A_696, %dma_wait3A_700] : memref<4x64xi32, #tpu.memory_space<vmem>> -> memref<1x64xi32, #tpu.memory_space<vmem>>
    %dma_wait3A_702 = tpu.memref_squeeze %dma_wait3A_701 : memref<1x64xi32, #tpu.memory_space<vmem>> -> memref<64xi32, #tpu.memory_space<vmem>>
    %dma_wait3A_703 = arith.constant 0 : i32
    %dma_wait3A_704 = arith.constant 0 : i32
    %dma_wait3A_705 = tpu.memref_slice %arg2[%dma_wait3A_703, %dma_wait3A_704] : memref<16384x256xf32, #tpu.memory_space<hbm>> -> memref<16384x256xf32, #tpu.memory_space<hbm>>
    tpu.wait_indirect_dma semaphore(%arg19 : memref<!tpu.dma_semaphore, #tpu.memory_space<semaphore_mem>>) src(%dma_wait3A_705 : memref<16384x256xf32, #tpu.memory_space<hbm>>) dst(%dma_wait3A_699 : memref<64x256xf32, #tpu.memory_space<vmem>>)
    %dma_start3A_706 = arith.constant 0 : i32
    %dma_start3A_707 = arith.constant 0 : i32
    %dma_start3A_708 = arith.constant 0 : i32
    %dma_start3A_709 = tpu.memref_slice %arg12[%dma_start3A_707, %dma_start3A_708] : memref<256x256xf32, #tpu.memory_space<vmem>> -> memref<64x256xf32, #tpu.memory_space<vmem>>
    %dma_start3A_710 = arith.constant 0 : i32
    %dma_start3A_711 = tpu.memref_slice %arg11[%dma_start3A_706, %dma_start3A_710] : memref<4x64xi32, #tpu.memory_space<vmem>> -> memref<1x64xi32, #tpu.memory_space<vmem>>
    %dma_start3A_712 = tpu.memref_squeeze %dma_start3A_711 : memref<1x64xi32, #tpu.memory_space<vmem>> -> memref<64xi32, #tpu.memory_space<vmem>>
    %dma_start3A_713 = arith.constant 0 : i32
    %dma_start3A_714 = arith.constant 0 : i32
    %dma_start3A_715 = tpu.memref_slice %arg5[%dma_start3A_713, %dma_start3A_714] : memref<16384x256xf32, #tpu.memory_space<hbm>> -> memref<16384x256xf32, #tpu.memory_space<hbm>>
    tpu.enqueue_indirect_dma source(%dma_start3A_709 : memref<64x256xf32, #tpu.memory_space<vmem>>) target(%dma_start3A_715 : memref<16384x256xf32, #tpu.memory_space<hbm>>) offsets(%dma_start3A_712 : memref<64xi32, #tpu.memory_space<vmem>>) semaphore(%arg20 : memref<!tpu.dma_semaphore, #tpu.memory_space<semaphore_mem>>)
    %dma_wait3A_716 = arith.constant 1 : i32
    %dma_wait3A_717 = arith.constant 64 : i32
    %dma_wait3A_718 = arith.constant 0 : i32
    %dma_wait3A_719 = tpu.memref_slice %arg12[%dma_wait3A_717, %dma_wait3A_718] : memref<256x256xf32, #tpu.memory_space<vmem>> -> memref<64x256xf32, #tpu.memory_space<vmem>>
    %dma_wait3A_720 = arith.constant 0 : i32
    %dma_wait3A_721 = tpu.memref_slice %arg10[%dma_wait3A_716, %dma_wait3A_720] : memref<4x64xi32, #tpu.memory_space<vmem>> -> memref<1x64xi32, #tpu.memory_space<vmem>>
    %dma_wait3A_722 = tpu.memref_squeeze %dma_wait3A_721 : memref<1x64xi32, #tpu.memory_space<vmem>> -> memref<64xi32, #tpu.memory_space<vmem>>
    %dma_wait3A_723 = arith.constant 0 : i32
    %dma_wait3A_724 = arith.constant 0 : i32
    %dma_wait3A_725 = tpu.memref_slice %arg2[%dma_wait3A_723, %dma_wait3A_724] : memref<16384x256xf32, #tpu.memory_space<hbm>> -> memref<16384x256xf32, #tpu.memory_space<hbm>>
    tpu.wait_indirect_dma semaphore(%arg15 : memref<!tpu.dma_semaphore, #tpu.memory_space<semaphore_mem>>) src(%dma_wait3A_725 : memref<16384x256xf32, #tpu.memory_space<hbm>>) dst(%dma_wait3A_719 : memref<64x256xf32, #tpu.memory_space<vmem>>)
    %dma_start3A_726 = arith.constant 1 : i32
    %dma_start3A_727 = arith.constant 64 : i32
    %dma_start3A_728 = arith.constant 0 : i32
    %dma_start3A_729 = tpu.memref_slice %arg12[%dma_start3A_727, %dma_start3A_728] : memref<256x256xf32, #tpu.memory_space<vmem>> -> memref<64x256xf32, #tpu.memory_space<vmem>>
    %dma_start3A_730 = arith.constant 0 : i32
    %dma_start3A_731 = tpu.memref_slice %arg11[%dma_start3A_726, %dma_start3A_730] : memref<4x64xi32, #tpu.memory_space<vmem>> -> memref<1x64xi32, #tpu.memory_space<vmem>>
    %dma_start3A_732 = tpu.memref_squeeze %dma_start3A_731 : memref<1x64xi32, #tpu.memory_space<vmem>> -> memref<64xi32, #tpu.memory_space<vmem>>
    %dma_start3A_733 = arith.constant 0 : i32
    %dma_start3A_734 = arith.constant 0 : i32
    %dma_start3A_735 = tpu.memref_slice %arg5[%dma_start3A_733, %dma_start3A_734] : memref<16384x256xf32, #tpu.memory_space<hbm>> -> memref<16384x256xf32, #tpu.memory_space<hbm>>
    tpu.enqueue_indirect_dma source(%dma_start3A_729 : memref<64x256xf32, #tpu.memory_space<vmem>>) target(%dma_start3A_735 : memref<16384x256xf32, #tpu.memory_space<hbm>>) offsets(%dma_start3A_732 : memref<64xi32, #tpu.memory_space<vmem>>) semaphore(%arg20 : memref<!tpu.dma_semaphore, #tpu.memory_space<semaphore_mem>>)
    %dma_wait3A_736 = arith.constant 2 : i32
    %dma_wait3A_737 = arith.constant 128 : i32
    %dma_wait3A_738 = arith.constant 0 : i32
    %dma_wait3A_739 = tpu.memref_slice %arg12[%dma_wait3A_737, %dma_wait3A_738] : memref<256x256xf32, #tpu.memory_space<vmem>> -> memref<64x256xf32, #tpu.memory_space<vmem>>
    %dma_wait3A_740 = arith.constant 0 : i32
    %dma_wait3A_741 = tpu.memref_slice %arg10[%dma_wait3A_736, %dma_wait3A_740] : memref<4x64xi32, #tpu.memory_space<vmem>> -> memref<1x64xi32, #tpu.memory_space<vmem>>
    %dma_wait3A_742 = tpu.memref_squeeze %dma_wait3A_741 : memref<1x64xi32, #tpu.memory_space<vmem>> -> memref<64xi32, #tpu.memory_space<vmem>>
    %dma_wait3A_743 = arith.constant 0 : i32
    %dma_wait3A_744 = arith.constant 0 : i32
    %dma_wait3A_745 = tpu.memref_slice %arg2[%dma_wait3A_743, %dma_wait3A_744] : memref<16384x256xf32, #tpu.memory_space<hbm>> -> memref<16384x256xf32, #tpu.memory_space<hbm>>
    tpu.wait_indirect_dma semaphore(%arg16 : memref<!tpu.dma_semaphore, #tpu.memory_space<semaphore_mem>>) src(%dma_wait3A_745 : memref<16384x256xf32, #tpu.memory_space<hbm>>) dst(%dma_wait3A_739 : memref<64x256xf32, #tpu.memory_space<vmem>>)
    %dma_start3A_746 = arith.constant 2 : i32
    %dma_start3A_747 = arith.constant 128 : i32
    %dma_start3A_748 = arith.constant 0 : i32
    %dma_start3A_749 = tpu.memref_slice %arg12[%dma_start3A_747, %dma_start3A_748] : memref<256x256xf32, #tpu.memory_space<vmem>> -> memref<64x256xf32, #tpu.memory_space<vmem>>
    %dma_start3A_750 = arith.constant 0 : i32
    %dma_start3A_751 = tpu.memref_slice %arg11[%dma_start3A_746, %dma_start3A_750] : memref<4x64xi32, #tpu.memory_space<vmem>> -> memref<1x64xi32, #tpu.memory_space<vmem>>
    %dma_start3A_752 = tpu.memref_squeeze %dma_start3A_751 : memref<1x64xi32, #tpu.memory_space<vmem>> -> memref<64xi32, #tpu.memory_space<vmem>>
    %dma_start3A_753 = arith.constant 0 : i32
    %dma_start3A_754 = arith.constant 0 : i32
    %dma_start3A_755 = tpu.memref_slice %arg5[%dma_start3A_753, %dma_start3A_754] : memref<16384x256xf32, #tpu.memory_space<hbm>> -> memref<16384x256xf32, #tpu.memory_space<hbm>>
    tpu.enqueue_indirect_dma source(%dma_start3A_749 : memref<64x256xf32, #tpu.memory_space<vmem>>) target(%dma_start3A_755 : memref<16384x256xf32, #tpu.memory_space<hbm>>) offsets(%dma_start3A_752 : memref<64xi32, #tpu.memory_space<vmem>>) semaphore(%arg20 : memref<!tpu.dma_semaphore, #tpu.memory_space<semaphore_mem>>)
    %dma_wait3A_756 = arith.constant 3 : i32
    %dma_wait3A_757 = arith.constant 192 : i32
    %dma_wait3A_758 = arith.constant 0 : i32
    %dma_wait3A_759 = tpu.memref_slice %arg12[%dma_wait3A_757, %dma_wait3A_758] : memref<256x256xf32, #tpu.memory_space<vmem>> -> memref<64x256xf32, #tpu.memory_space<vmem>>
    %dma_wait3A_760 = arith.constant 0 : i32
    %dma_wait3A_761 = tpu.memref_slice %arg10[%dma_wait3A_756, %dma_wait3A_760] : memref<4x64xi32, #tpu.memory_space<vmem>> -> memref<1x64xi32, #tpu.memory_space<vmem>>
    %dma_wait3A_762 = tpu.memref_squeeze %dma_wait3A_761 : memref<1x64xi32, #tpu.memory_space<vmem>> -> memref<64xi32, #tpu.memory_space<vmem>>
    %dma_wait3A_763 = arith.constant 0 : i32
    %dma_wait3A_764 = arith.constant 0 : i32
    %dma_wait3A_765 = tpu.memref_slice %arg2[%dma_wait3A_763, %dma_wait3A_764] : memref<16384x256xf32, #tpu.memory_space<hbm>> -> memref<16384x256xf32, #tpu.memory_space<hbm>>
    tpu.wait_indirect_dma semaphore(%arg17 : memref<!tpu.dma_semaphore, #tpu.memory_space<semaphore_mem>>) src(%dma_wait3A_765 : memref<16384x256xf32, #tpu.memory_space<hbm>>) dst(%dma_wait3A_759 : memref<64x256xf32, #tpu.memory_space<vmem>>)
    %dma_start3A_766 = arith.constant 3 : i32
    %dma_start3A_767 = arith.constant 192 : i32
    %dma_start3A_768 = arith.constant 0 : i32
    %dma_start3A_769 = tpu.memref_slice %arg12[%dma_start3A_767, %dma_start3A_768] : memref<256x256xf32, #tpu.memory_space<vmem>> -> memref<64x256xf32, #tpu.memory_space<vmem>>
    %dma_start3A_770 = arith.constant 0 : i32
    %dma_start3A_771 = tpu.memref_slice %arg11[%dma_start3A_766, %dma_start3A_770] : memref<4x64xi32, #tpu.memory_space<vmem>> -> memref<1x64xi32, #tpu.memory_space<vmem>>
    %dma_start3A_772 = tpu.memref_squeeze %dma_start3A_771 : memref<1x64xi32, #tpu.memory_space<vmem>> -> memref<64xi32, #tpu.memory_space<vmem>>
    %dma_start3A_773 = arith.constant 0 : i32
    %dma_start3A_774 = arith.constant 0 : i32
    %dma_start3A_775 = tpu.memref_slice %arg5[%dma_start3A_773, %dma_start3A_774] : memref<16384x256xf32, #tpu.memory_space<hbm>> -> memref<16384x256xf32, #tpu.memory_space<hbm>>
    tpu.enqueue_indirect_dma source(%dma_start3A_769 : memref<64x256xf32, #tpu.memory_space<vmem>>) target(%dma_start3A_775 : memref<16384x256xf32, #tpu.memory_space<hbm>>) offsets(%dma_start3A_772 : memref<64xi32, #tpu.memory_space<vmem>>) semaphore(%arg20 : memref<!tpu.dma_semaphore, #tpu.memory_space<semaphore_mem>>)
    %dma_wait3A_776 = arith.constant 0 : i32
    %dma_wait3A_777 = arith.constant 0 : i32
    %dma_wait3A_778 = arith.constant 0 : i32
    %dma_wait3A_779 = tpu.memref_slice %arg12[%dma_wait3A_777, %dma_wait3A_778] : memref<256x256xf32, #tpu.memory_space<vmem>> -> memref<64x256xf32, #tpu.memory_space<vmem>>
    %dma_wait3A_780 = arith.constant 0 : i32
    %dma_wait3A_781 = tpu.memref_slice %arg11[%dma_wait3A_776, %dma_wait3A_780] : memref<4x64xi32, #tpu.memory_space<vmem>> -> memref<1x64xi32, #tpu.memory_space<vmem>>
    %dma_wait3A_782 = tpu.memref_squeeze %dma_wait3A_781 : memref<1x64xi32, #tpu.memory_space<vmem>> -> memref<64xi32, #tpu.memory_space<vmem>>
    %dma_wait3A_783 = arith.constant 0 : i32
    %dma_wait3A_784 = arith.constant 0 : i32
    %dma_wait3A_785 = tpu.memref_slice %arg5[%dma_wait3A_783, %dma_wait3A_784] : memref<16384x256xf32, #tpu.memory_space<hbm>> -> memref<16384x256xf32, #tpu.memory_space<hbm>>
    tpu.wait_indirect_dma semaphore(%arg20 : memref<!tpu.dma_semaphore, #tpu.memory_space<semaphore_mem>>) src(%dma_wait3A_779 : memref<64x256xf32, #tpu.memory_space<vmem>>) dst(%dma_wait3A_785 : memref<16384x256xf32, #tpu.memory_space<hbm>>)
    %dma_wait3A_786 = arith.constant 1 : i32
    %dma_wait3A_787 = arith.constant 64 : i32
    %dma_wait3A_788 = arith.constant 0 : i32
    %dma_wait3A_789 = tpu.memref_slice %arg12[%dma_wait3A_787, %dma_wait3A_788] : memref<256x256xf32, #tpu.memory_space<vmem>> -> memref<64x256xf32, #tpu.memory_space<vmem>>
    %dma_wait3A_790 = arith.constant 0 : i32
    %dma_wait3A_791 = tpu.memref_slice %arg11[%dma_wait3A_786, %dma_wait3A_790] : memref<4x64xi32, #tpu.memory_space<vmem>> -> memref<1x64xi32, #tpu.memory_space<vmem>>
    %dma_wait3A_792 = tpu.memref_squeeze %dma_wait3A_791 : memref<1x64xi32, #tpu.memory_space<vmem>> -> memref<64xi32, #tpu.memory_space<vmem>>
    %dma_wait3A_793 = arith.constant 0 : i32
    %dma_wait3A_794 = arith.constant 0 : i32
    %dma_wait3A_795 = tpu.memref_slice %arg5[%dma_wait3A_793, %dma_wait3A_794] : memref<16384x256xf32, #tpu.memory_space<hbm>> -> memref<16384x256xf32, #tpu.memory_space<hbm>>
    tpu.wait_indirect_dma semaphore(%arg20 : memref<!tpu.dma_semaphore, #tpu.memory_space<semaphore_mem>>) src(%dma_wait3A_789 : memref<64x256xf32, #tpu.memory_space<vmem>>) dst(%dma_wait3A_795 : memref<16384x256xf32, #tpu.memory_space<hbm>>)
    %dma_wait3A_796 = arith.constant 2 : i32
    %dma_wait3A_797 = arith.constant 128 : i32
    %dma_wait3A_798 = arith.constant 0 : i32
    %dma_wait3A_799 = tpu.memref_slice %arg12[%dma_wait3A_797, %dma_wait3A_798] : memref<256x256xf32, #tpu.memory_space<vmem>> -> memref<64x256xf32, #tpu.memory_space<vmem>>
    %dma_wait3A_800 = arith.constant 0 : i32
    %dma_wait3A_801 = tpu.memref_slice %arg11[%dma_wait3A_796, %dma_wait3A_800] : memref<4x64xi32, #tpu.memory_space<vmem>> -> memref<1x64xi32, #tpu.memory_space<vmem>>
    %dma_wait3A_802 = tpu.memref_squeeze %dma_wait3A_801 : memref<1x64xi32, #tpu.memory_space<vmem>> -> memref<64xi32, #tpu.memory_space<vmem>>
    %dma_wait3A_803 = arith.constant 0 : i32
    %dma_wait3A_804 = arith.constant 0 : i32
    %dma_wait3A_805 = tpu.memref_slice %arg5[%dma_wait3A_803, %dma_wait3A_804] : memref<16384x256xf32, #tpu.memory_space<hbm>> -> memref<16384x256xf32, #tpu.memory_space<hbm>>
    tpu.wait_indirect_dma semaphore(%arg20 : memref<!tpu.dma_semaphore, #tpu.memory_space<semaphore_mem>>) src(%dma_wait3A_799 : memref<64x256xf32, #tpu.memory_space<vmem>>) dst(%dma_wait3A_805 : memref<16384x256xf32, #tpu.memory_space<hbm>>)
    %dma_wait3A_806 = arith.constant 3 : i32
    %dma_wait3A_807 = arith.constant 192 : i32
    %dma_wait3A_808 = arith.constant 0 : i32
    %dma_wait3A_809 = tpu.memref_slice %arg12[%dma_wait3A_807, %dma_wait3A_808] : memref<256x256xf32, #tpu.memory_space<vmem>> -> memref<64x256xf32, #tpu.memory_space<vmem>>
    %dma_wait3A_810 = arith.constant 0 : i32
    %dma_wait3A_811 = tpu.memref_slice %arg11[%dma_wait3A_806, %dma_wait3A_810] : memref<4x64xi32, #tpu.memory_space<vmem>> -> memref<1x64xi32, #tpu.memory_space<vmem>>
    %dma_wait3A_812 = tpu.memref_squeeze %dma_wait3A_811 : memref<1x64xi32, #tpu.memory_space<vmem>> -> memref<64xi32, #tpu.memory_space<vmem>>
    %dma_wait3A_813 = arith.constant 0 : i32
    %dma_wait3A_814 = arith.constant 0 : i32
    %dma_wait3A_815 = tpu.memref_slice %arg5[%dma_wait3A_813, %dma_wait3A_814] : memref<16384x256xf32, #tpu.memory_space<hbm>> -> memref<16384x256xf32, #tpu.memory_space<hbm>>
    tpu.wait_indirect_dma semaphore(%arg20 : memref<!tpu.dma_semaphore, #tpu.memory_space<semaphore_mem>>) src(%dma_wait3A_809 : memref<64x256xf32, #tpu.memory_space<vmem>>) dst(%dma_wait3A_815 : memref<16384x256xf32, #tpu.memory_space<hbm>>)
    %dma_wait3A_816 = arith.constant 0 : i32
    %dma_wait3A_817 = tpu.memref_slice %arg5[%add3A_691, %dma_wait3A_816] : memref<16384x256xf32, #tpu.memory_space<hbm>> -> memref<128x256xf32, #tpu.memory_space<hbm>>
    %dma_wait3A_818 = arith.constant 0 : i32
    %dma_wait3A_819 = tpu.memref_slice %arg5[%add3A_691, %dma_wait3A_818] : memref<16384x256xf32, #tpu.memory_space<hbm>> -> memref<128x256xf32, #tpu.memory_space<hbm>>
    tpu.wait_dma2 semaphore(%arg21 : memref<!tpu.dma_semaphore, #tpu.memory_space<semaphore_mem>>) src(%arg13 : memref<128x256xf32, #tpu.memory_space<vmem>>) dst(%dma_wait3A_819 : memref<128x256xf32, #tpu.memory_space<hbm>>)
    return
  }
}

</mosaic_0001>

<sc_bundles>
// kernel: kernel.3.cloned.1.call-start
scs
__scs_entry_jumppad:
0x0: {  	(pc) =	sbr.rel $0x88, $3  }
0x1: {  	(tag) =	ssettag $0x0;
	lr =	simm.s32 $0x1  }
0x2: {  	[smem:$0x3F9E] =	sst lr;
	_ =	strace $0xD0000000  }
0x3: {  	_ = 	snop  }
0x4: {  	_ = 	snop  }
0x5: {  	_ = 	snop  }
0x6: {  	_ = 	snop  }
0x7: {  	_ = 	snop  }
__scs_overlays_trampoline_lowered:
0x8: {  	[smem:$0x3FAD] =	sst s0  }
0x9: {  	[smem:$0x3FAE] =	sst s1  }
0xa: {  	[smem:$0x3FAF] =	sst s2  }
0xb: {  	[smem:$0x3FB0] =	sst s3  }
0xc: {  	[smem:$0x3FB1] =	sst s4  }
0xd: {  	[smem:$0x3FB2] =	sst s5  }
0xe: {  	[smem:$0x3FB3] =	sst s6  }
0xf: {  	[smem:$0x3FB4] =	sst s7  }
0x10: {  	[smem:$0x3FB5] =	sst s8  }
0x11: {  	[smem:$0x3FB6] =	sst s9;
	s0 =	simm.s32 @!p0 $0x0  }
0x12: {  	s1 =	sld [smem:$0x3F9C];
	s0 =	simm.s32 @p0 $0x1  }
0x13: {  	[smem:$0x3FB7] =	sst s0;
	s0 =	simm.s32 @!p1 $0x0  }
0x14: {  	s2 =	sld [smem:$0x3F9B];
	s0 =	simm.s32 @p1 $0x1  }
0x15: {  	[smem:$0x3FB8] =	sst s0;
	s0 =	simm.s32 @!p2 $0x0  }
0x16: {  	s3 =	sld [smem:$0x3FDB];
	s0 =	simm.s32 @p2 $0x1  }
0x17: {  	s4 =	simm.s32 $0x1BF5;
	[smem:$0x3FBA] =	sst s0  }
0x18: {  	s0 =	sld [smem:$0x3F9D];
	_ =	swait.ge [sflag:s4], $0x0  }
0x19: {  	s7 =	sld [smem:$0x3F9E]  }
0x1a: {  	s8 =	sadd.s32 $0xFFFFE003, lr  }
0x1b: {  	s9 =	sadd.s32 $0xFFFFFEF7, lr;
	s5 =	simm.s32 $0xFFFFFFFF;
	p2 =	slt.u32 s8, $0xFFFFF086  }
0x1c: {  	p1 =	slt.u32 s9, $0xF7A;
	s5 =	simm.s32 @!p2 $0x0  }
0x1d: {  	s5 =	simm.s32 @p1 $0x1;
	p0 =	seq.s32 s7, s2  }
0x1e: {  	s7 =	smul.u32 @!p0 $0xF7A, s2;
	p2 =	seq.s32 @!p0 s5, $0x0  }
0x1f: {  	s9 =	smul.u32 $0xF7A, s1;
	s8 =	simm.s32 @!p0 $0x1BF5;
	p2 =	por !p2, p0  }
0x20: {  	[sflag:s8] =	ssyncset.s32 @!p0 $0xFFFFF086;
	s6 =	sadd.s32 @!p0 s3, s7;
	s7 =	simm.s32 @!p0 $0x108  }
0x21: {  	s3 =	sadd.s32 s3, s9;
	s6 =	sadd.s32 @!p0 $0x88, s6;
	s7 =	simm.s32 @p2 $0x1082  }
0x22: {  	[simem:s7], [sflag:s8] =	dma.local @!p0 [hbm:s6], $0xF7A  }
0x23: {  	s9 =	sor.u32 $0xD0000000, s2;
	s6 =	simm.s32 $0x108;
	_ =	swait.ge @!p0 [sflag:s8], $0x0  }
0x24: {  	s3 =	sadd.s32 $0x88, s3;
	s6 =	simm.s32 @!p1 $0x1082;
	[sflag:s4] =	ssyncset.s32 $0xFFFFF086  }
0x25: {  	[simem:s6], [sflag:s4] =	dma.local [hbm:s3], $0xF7A  }
0x26: {  	[smem:$0x3F9E] =	sst s1;
	(tag) =	ssettag s2;
	_ =	strace s9  }
0x27: {  	s1 =	sld [smem:$0x3FAE]  }
0x28: {  	s2 =	sld [smem:$0x3FAF]  }
0x29: {  	s4 =	sld [smem:$0x3FB1]  }
0x2a: {  	p0 =	seq.s32 s5, $0x0;
	s5 =	sld [smem:$0x3FB2]  }
0x2b: {  	s6 =	sld [smem:$0x3FB3]  }
0x2c: {  	s7 =	sld [smem:$0x3FB4]  }
0x2d: {  	s3 =	simm.s32 $0x108;
	s8 =	sld [smem:$0x3FB5]  }
0x2e: {  	s3 =	simm.s32 @!p0 $0x1082;
	s9 =	sld [smem:$0x3FB6]  }
0x2f: {  	lr =	sadd.s32 s0, s3;
	s0 =	sld [smem:$0x3FAD]  }
0x30: {  	s3 =	sld [smem:$0x3FB0]  }
0x31: {  	[smem:$0x3FB9] =	sst s10  }
0x32: {  	s10 =	sld [smem:$0x3FB7];
	_ =	sdelay $0x3  }
0x33: {  	p0 =	seq.s32 s10, $0x1;
	s10 =	sld [smem:$0x3FB9];
	_ =	sdelay $0x3  }
0x34: {  	[smem:$0x3FB9] =	sst s10  }
0x35: {  	s10 =	sld [smem:$0x3FB8];
	_ =	sdelay $0x3  }
0x36: {  	p1 =	seq.s32 s10, $0x1;
	s10 =	sld [smem:$0x3FB9];
	_ =	sdelay $0x3  }
0x37: {  	[smem:$0x3FB9] =	sst s10  }
0x38: {  	s10 =	sld [smem:$0x3FBA]  }
0x39: {  	_ = 	snop;
	(pc) =	sbr.ind lr, $3  }
0x3a: {  	_ = 	snop  }
0x3b: {  	_ = 	snop  }
0x3c: {  	p2 =	seq.s32 s10, $0x1;
	s10 =	sld [smem:$0x3FB9]  }
0x3d: {  	_ =	shalt  }
0x3e: {  	_ =	shalt  }
0x3f: {  	_ =	shalt  }
0x40: {  	_ =	shalt  }
0x41: {  	_ =	shalt  }
0x42: {  	_ =	shalt  }
0x43: {  	_ =	shalt  }
0x44: {  	_ =	shalt  }
0x45: {  	_ =	shalt  }
0x46: {  	_ =	shalt  }
0x47: {  	_ =	shalt  }
0x48: {  	_ =	shalt  }
0x49: {  	_ =	shalt  }
0x4a: {  	_ =	shalt  }
0x4b: {  	_ =	shalt  }
0x4c: {  	_ =	shalt  }
0x4d: {  	_ =	shalt  }
0x4e: {  	_ =	shalt  }
0x4f: {  	_ =	shalt  }
0x50: {  	_ =	shalt  }
0x51: {  	_ =	shalt  }
0x52: {  	_ =	shalt  }
0x53: {  	_ =	shalt  }
0x54: {  	_ =	shalt  }
0x55: {  	_ =	shalt  }
0x56: {  	_ =	shalt  }
0x57: {  	_ =	shalt  }
0x58: {  	_ =	shalt  }
0x59: {  	_ =	shalt  }
0x5a: {  	_ =	shalt  }
0x5b: {  	_ =	shalt  }
0x5c: {  	_ =	shalt  }
0x5d: {  	_ =	shalt  }
0x5e: {  	_ =	shalt  }
0x5f: {  	_ =	shalt  }
0x60: {  	_ =	shalt  }
0x61: {  	_ =	shalt  }
0x62: {  	_ =	shalt  }
0x63: {  	_ =	shalt  }
0x64: {  	_ =	shalt  }
0x65: {  	_ =	shalt  }
0x66: {  	_ =	shalt  }
0x67: {  	_ =	shalt  }
0x68: {  	_ =	shalt  }
0x69: {  	_ =	shalt  }
0x6a: {  	_ =	shalt  }
0x6b: {  	_ =	shalt  }
0x6c: {  	_ =	shalt  }
0x6d: {  	_ =	shalt  }
0x6e: {  	_ =	shalt  }
0x6f: {  	_ =	shalt  }
0x70: {  	_ =	shalt  }
0x71: {  	_ =	shalt  }
0x72: {  	_ =	shalt  }
0x73: {  	_ =	shalt  }
0x74: {  	_ =	shalt  }
0x75: {  	_ =	shalt  }
0x76: {  	_ =	shalt  }
0x77: {  	_ =	shalt  }
0x78: {  	_ =	shalt  }
0x79: {  	_ =	shalt  }
0x7a: {  	_ =	shalt  }
0x7b: {  	_ =	shalt  }
0x7c: {  	_ =	shalt  }
0x7d: {  	_ =	shalt  }
0x7e: {  	_ =	shalt  }
0x7f: {  	_ =	shalt  }
0x80: {  	_ =	shalt  }
0x81: {  	_ =	shalt  }
0x82: {  	_ =	shalt  }
0x83: {  	_ =	shalt  }
0x84: {  	_ =	shalt  }
0x85: {  	_ =	shalt  }
0x86: {  	_ =	shalt  }
0x87: {  	_ =	shalt  }
.Lfunc_end0:
.L_simem_size_0:
called_computation_lowered:
.L_overlay_start_0:
0x88: {  	s2 =	sld [smem:$0x3FD9]  }
0x89: {  	s3 =	sld [smem:$0x3FFE];
	_ =	sdelay $0x1  }
0x8a: {  	s1 =	srdreg.scid  }
0x8b: {  	s0 =	sand.u32 $0x1, s1  }
0x8c: {  	s18 =	sshll.u32 s0, $0xA;
	s2 =	sadd.s32 s3, s2  }
0x8d: {  	s2 =	sadd.s32 s2, s18  }
0x8e: {  	[smem:$0x3FC5] =	sst s2  }
0x8f: {  	_ = 	snop  }
0x90: {  	s2 =	sld [smem:$0x3FC9]  }
0x91: {  	s19 =	sld [smem:$0x3FC8]  }
0x92: {  	s4 =	sld [smem:$0x3FC7]  }
0x93: {  	s5 =	sld [smem:$0x3FD0];
	(tm) =	ssettm $0x1  }
0x94: {  	s6 =	sld [smem:$0x3FFB];
	_ =	sdelay $0x3  }
0x95: {  	_ =	strace s6  }
0x96: {  	s6 =	sld [smem:$0x3FFC];
	_ =	sdelay $0x3  }
0x97: {  	_ =	strace s6  }
0x98: {  	s6 =	sld [smem:$0x3FFD];
	_ =	sdelay $0x3  }
0x99: {  	_ =	strace s6  }
0x9a: {  	_ =	strace $0x8FFFFFFF  }
0x9b: {  	s20 =	sld [smem:$0x3FDB];
	_ =	sdelay $0x1  }
0x9c: {  	s7 =	simm.s32 $_scs_section_size  }
0x9d: {  	s8 =	simm.s32 $_size__tile_overlayer_lowered;
	s9 =	simm.s32 $_tile_overlayer_lowered  }
0x9e: {  	s23 =	simm.s32 $0x1BFF;
	s22 =	sshll.u32 s9, $0x1;
	s6 =	sadd.s32 s7, s20  }
0x9f: {  	s10 =	simm.s32 $0x0;
	s21 =	sshll.u32 s8, $0x1;
	s8 =	sadd.s32 s22, s6  }
0xa0: {  	[timem:s10], [sflag:s23] =	dma.local [hbm:s8], s21  }
0xa1: {  	_ =	swait.ge [sflag:s23], s21  }
0xa2: {  	s7 =	ssub.s32 $0x0, s21;
	[sflag:s23] =	ssyncset.done $0x0  }
0xa3: {  	[sflag:s23] =	ssyncadd.s32 s7;
	_ =	sdelay $0x1  }
0xa4: {  	s24 =	simm.s32 $0x1B8B  }
0xa5: {  	_ =	swait.ge [sflag:s24], $0x1  }
0xa6: {  	[sflag:s24] =	ssyncset.done $0x0  }
0xa7: {  	s25 =	simm.s32 $0x1B8E;
	[sflag:s24] =	ssyncadd.s32 $0xFFFFFFFF  }
0xa8: {  	s26 =	simm.s32 $execute0_lowered;
	[smem:$0x3FD2] =	sst s25  }
0xa9: {  	s7 =	sshll.u32 s26, $0x1;
	_ =	strace $0x80000046;
	[dreg:$0x1] =	wrdreg $0xFFFFFFFF  }
0xaa: {  	s28 =	simm.s32 $_size_execute0_lowered;
	s6 =	sadd.s32 s6, s7;
	[dreg:$0x0] =	wrdreg $0x0  }
0xab: {  	s7 =	sshll.u32 s28, $0x1;
	[dreg:$0x2] =	wrdreg s6  }
0xac: {  	[dreg:$0x3] =	wrdreg s7  }
0xad: {  	[dreg:$0x4] =	wrdreg $0xC0  }
0xae: {  	_ =	task [dreg:s10], $0x5FFFF  }
0xaf: {  	[dreg:$0x1] =	wrdreg $0xFFFFFFFF  }
0xb0: {  	[dreg:$0x0] =	wrdreg $0x60  }
0xb1: {  	[dreg:$0x2] =	wrdreg s2  }
0xb2: {  	[dreg:$0x3] =	wrdreg s19  }
0xb3: {  	[dreg:$0x4] =	wrdreg s4  }
0xb4: {  	[dreg:$0x5] =	wrdreg s5  }
0xb5: {  	[dreg:$0x6] =	wrdreg $0x1BE800  }
0xb6: {  	[dreg:$0x7] =	wrdreg $0x9  }
0xb7: {  	_ =	task.clear_ibuf [dreg:s10], $0x8FFFF;
	_ =	strace $0x90000046  }
0xb8: {  	s29 =	simm.s32 $0x9;
	_ =	strace $0x80000048  }
0xb9: {  	_ =	swait.ge [sflag:s29], $0x1  }
0xba: {  	[sflag:s29] =	ssyncadd.s32 $0xFFFFFFFF  }
0xbb: {  	_ =	strace $0x90000048  }
0xbc: {  	_ =	sfence  }
0xbd: {  	s30 =	sld [smem:$0x0];
	_ =	sdelay $0x2  }
0xbe: {  	s31 =	sshll.u32 s1, $0xD;
	s1 =	sshrl.u32 s1, $0x2  }
0xbf: {  	s3 =	sand.u32 $0x4000, s31;
	s1 =	sadd.s32 s1, s30  }
0xc0: {  	s0 =	sor.u32 s3, s0;
	s1 =	sshll.u32 s1, $0x11  }
0xc1: {  	s0 =	sor.u32 s1, s0  }
0xc2: {  	s0 =	sadd.s32 $0x8F2B, s0  }
0xc3: {  	[sflag:s0] =	ssyncadd.remote.s32 $0x1  }
0xc4: {  	_ =	sfence.sel $0xFFFF  }
0xc5: {  	[dreg:$0x0] =	wrdreg $0xFFFFFFFF;
	(pc) =	sbr.abs _section_cstart, $3  }
0xc6: {  	[dreg:$0x1] =	wrdreg $0xFFFFFFFF  }
0xc7: {  	_ =	task.clear_ibuf [dreg:s10], $0x2FFFF;
	_ =	strace $0x9FFFFFFF  }
0xc8: {  	(tm) =	ssettm $0x7FFFFFFF  }
0xc9: {  	_ =	shalt  }
tec
execute0_lowered:
.L_overlay_start_1:
0x0: {  	(tag) =	ssettag $0x1  }
0x1: {  	s1 =	rddreg [dreg:$0x0]  }
0x2: {  	s21 =	rddreg [dreg:$0x1]  }
0x3: {  	s3 =	rddreg [dreg:$0x3]  }
0x4: {  	s11 =	rddreg [dreg:$0x4]  }
0x5: {  	s0 =	srdreg.scid;
	s10 =	stileid.u32;
	s7 =	simm.s32 $0x0  }
0x6: {  	s31 =	simm.s32 $0xBE80;
	s28 =	simm.s32 $0x12680;
	s29 =	simm.s32 $0x12E80  }
0x7: {  	s30 =	simm.s32 $0x13680;
	s0 =	sand.u32 $0x1, s0;
	s4 =	sshll.u32 s10, $0x8  }
0x8: {  	[smem:$0x7FF] =	sst s7;
	s2 =	sshll.u32 s0, $0xC;
	s0 =	ssub.s32 $0x2, s0  }
0x9: {  	s25 =	smul.u32 $0x1870, s10;
	s2 =	sor.u32 s4, s2;
	s20 =	sshrl.u32 s0, $0x1  }
0xa: {  	_ =	strace $0x80000047;
	s6 =	sor.u32 $0x2000, s2;
	s0 =	ssub.s32 s0, s20  }
0xb: {  	s8 =	sor.u32 $0x2080, s2;
	s9 =	sshll.u32 s2, $0x5;
	s5 =	sor.u32 $0x80, s2  }
0xc: {  	s13 =	sor.u32 $0x20, s2;
	s12 =	sor.u32 $0x40, s2;
	s18 =	sor.u32 $0x50, s2  }
0xd: {  	v0 =	vlaneseq.u32;
	s14 =	sor.u32 $0x60, s2;
	s15 =	sor.u32 $0x70, s2;
	s16 =	sor.u32 $0x90, s2  }
0xe: {  	v33 =	vor.u32 $0x2000, v0;
	s17 =	sor.u32 $0xA0, s2;
	s19 =	sor.u32 $0xB0, s2;
	s20 =	sor.u32 $0xD0, s2  }
0xf: {  	s22 =	sshrl.u32 s6, $0x3;
	s23 =	sshrl.u32 s8, $0x3;
	s24 =	sadd.s32 s1, s9;
	v6 =	vor.u32 s13, v0;
	v7 =	vor.u32 s13, v33  }
0x10: {  	s9 =	sadd.s32 s3, s9;
	s6 =	sshll.u32 s6, $0x5;
	s8 =	sshll.u32 s8, $0x5;
	v10 =	vor.u32 s12, v0;
	v11 =	vor.u32 s12, v33;
	v12 =	vor.u32 s18, v0  }
0x11: {  	s10 =	sshll.u32 s5, $0x5;
	s0 =	smax.u32 s0, $0x1;
	s13 =	simm.s32 $0x6;
	v18 =	vor.u32 s5, v0;
	v19 =	vor.u32 s5, v33;
	v24 =	vor.u32 s19, v0  }
0x12: {  	s5 =	simm.s32 $0x9680;
	v25 =	vor.u32 s19, v33;
	v28 =	vor.u32 s20, v0;
	v29 =	vor.u32 s20, v33;
	s19 =	simm.s32 $0xE680;
	s20 =	simm.s32 $0xEE80  }
0x13: {  	v13 =	vor.u32 s18, v33;
	v16 =	vor.u32 s15, v0;
	v17 =	vor.u32 s15, v33;
	s12 =	simm.s32 $0xF680;
	s18 =	simm.s32 $0xFE80;
	s15 =	simm.s32 $0x10E80  }
0x14: {  	v14 =	vor.u32 s14, v0;
	v15 =	vor.u32 s14, v33;
	s14 =	simm.s32 $0x0;
	s4 =	sadd.s32 s21, s22;
	[dreg:$0x8] =	wrdreg s24  }
0x15: {  	[dreg:$0x9] =	wrdreg s9;
	s6 =	sadd.s32 s3, s6;
	s26 =	sadd.s32 s3, s8  }
0x16: {  	s9 =	sadd.s32 s25, s11;
	s11 =	sor.u32 $0x10, s2;
	[dreg:$0xf] =	wrdreg s0  }
0x17: {  	vm0 =	vmmov $0xffff;
	v37 =	vimm.s32 $0xFFFFFFFF;
	v38 =	vimm.f32 $0.0e+00;
	s22 =	sor.u32 $0xC0, s2;
	s24 =	sor.u32 $0xE0, s2;
	[dreg:$0x6] =	wrdreg s4  }
0x18: {  	vm13 =	vcmask $0xF0C;
	vm11 =	vcmask $0x1310;
	v1 =	vmov s25;
	s25 =	sadd.s32 s1, s10;
	s8 =	sadd.s32 s3, s10;
	[dreg:$0xa] =	wrdreg s6  }
0x19: {  	vm12 =	vcmask $0x1714;
	vm10 =	vcmask $0x1B18;
	vm14 =	vcmask $0x1F1C;
	s1 =	simm.s32 $0x7E80;
	s3 =	simm.s32 $0x8E80;
	[dreg:$0xb] =	wrdreg s26  }
0x1a: {  	vm15 =	vcmask $0x2320;
	vm1 =	vcmask $0x2724;
	v39 =	vimm.s32 $0x0;
	s10 =	simm.s32 $0x9E80;
	s0 =	simm.s32 $0xC680;
	[dreg:$0xc] =	wrdreg s9  }
0x1b: {  	v34 =	vand.u32 $0x7, v0;
	v35 =	vshrl.u32 v0, $0x3;
	v36 =	vor.u32 $0x8, v0;
	s4 =	sadd.s32 s21, s23;
	s23 =	sor.u32 $0x30, s2;
	[dreg:$0xd] =	wrdreg s25  }
0x1c: {  	v39 =	vsel vm0, $0xFFFFFFFF, v39;
	v4 =	vor.u32 s2, v0;
	v5 =	vor.u32 s2, v33;
	s2 =	sor.u32 $0xF0, s2;
	[dreg:$0xe] =	wrdreg s8;
	s26 =	sadd.s32 $0x200, s21  }
.Ltmp0:
0x1d: {  	v35 =	vmul.u32 $0x8, v35;
	v20 =	vor.u32 s16, v0;
	v21 =	vor.u32 s16, v33;
	s9 =	simm.s32 $0x4;
	s8 =	simm.s32 $0x8680;
	(pc) =	sbr.rel .LBB2_1-.Ltmp0, $4  }
0x1e: {  	v2 =	vor.u32 s11, v0;
	v3 =	vor.u32 s11, v33;
	v26 =	vor.u32 s22, v0;
	s21 =	simm.s32 $0xB680;
	s11 =	simm.s32 $0xCE80;
	s6 =	simm.s32 $0xD680  }
0x1f: {  	v27 =	vor.u32 s22, v33;
	v30 =	vor.u32 s24, v0;
	v31 =	vor.u32 s24, v33;
	s22 =	simm.s32 $0xDE80;
	s24 =	simm.s32 $0x10680;
	[dreg:$0x7] =	wrdreg s4  }
0x20: {  	v22 =	vor.u32 s17, v0;
	v23 =	vor.u32 s17, v33;
	s25 =	simm.s32 $0x11680;
	v8 =	vor.u32 s23, v0;
	[dreg:$0x10] =	wrdreg s26;
	s4 =	simm.s32 $0xA680  }
0x21: {  	[tilespmem:$0x1FFF0] =	vst v39;
	v9 =	vor.u32 s23, v33;
	s23 =	simm.s32 $0xAE80;
	v32 =	vor.u32 s2, v0;
	v33 =	vor.u32 s2, v33;
	s26 =	simm.s32 $0x11E80;
	s2 =	simm.s32 $0x2000  }
.LBB2_10:
0x22: {  	_ =	sdelay $0x3  }
0x23: {  	vm11 =	vcmask $0x1310;
	vm12 =	vcmask $0x1714  }
0x24: {  	[tilespmem:v39+s2+$0x0] =	vst.idx.msk vm2, v40;
	vm10 =	vcmask $0x1B18;
	vm1 =	vmmov vm13;
	vm13 =	vcmask $0xF0C;
	s16 =	rddreg [dreg:$0x11]  }
.LBB2_11:
0x25: {  	s19 =	simm.s32 $0x3  }
0x26: {  	_ =	swait.ge [sflag:s19], $0x8000  }
0x27: {  	[sflag:s19] =	ssyncset.done $0x0  }
0x28: {  	[sflag:s19] =	ssyncadd.s32 $0xFFFF8000  }
0x29: {  	_ =	swait.ge [sflag:s19], $0x8000  }
0x2a: {  	[sflag:s19] =	ssyncset.done $0x0  }
0x2b: {  	s14 =	rddreg [dreg:$0xa];
	[sflag:s19] =	ssyncadd.s32 $0xFFFF8000  }
0x2c: {  	[hbm4b:s14+s7] =	stream.linear.scatter [tilespmem:s10], [sflag:$0x4], $0x8000, $0x38;
	[tilespmem:$0x1D6F0] =	vst v63  }
0x2d: {  	s23 =	rddreg [dreg:$0xb]  }
0x2e: {  	[hbm4b:s23+s7] =	stream.linear.scatter [tilespmem:s0], [sflag:$0x4], $0x8000, $0x38;
	[tilespmem:$0x1D6F0] =	vst v63  }
0x2f: {  	s25 =	simm.s32 $0x8;
	s24 =	rddreg [dreg:$0xc]  }
0x30: {  	[spmem:s24] =	stream.linear.scatter [tilespmem:s2], [sflag:$0x8], $0x1870, $0x38;
	[tilespmem:$0x1D6F0] =	vst v63  }
0x31: {  	_ =	swait.ge [sflag:s25], $0x1870  }
0x32: {  	[sflag:s25] =	ssyncset.done $0x0  }
0x33: {  	[sflag:s25] =	ssyncadd.s32 $0xFFFFE790  }
0x34: {  	s26 =	simm.s32 $0x7;
	[bflag:$0x0] =	sbarrier.arrive $0xFFFF  }
0x35: {  	_ =	swait.ge [sflag:s26], $0x8000  }
0x36: {  	[sflag:s26] =	ssyncset.done $0x0  }
0x37: {  	s6 =	simm.s32 $0x3880;
	s0 =	rddreg [dreg:$0xd];
	[sflag:s26] =	ssyncadd.s32 $0xFFFF8000  }
0x38: {  	[tilespmem:s4], [sflag:$0x7] =	stream.linear.gather [hbm4b:s0+s7], $0x8000, $0x38;
	[tilespmem:$0x1D6F0] =	vst v63  }
0x39: {  	s3 =	simm.s32 $0x80;
	s5 =	simm.s32 $0x3980;
	s1 =	rddreg [dreg:$0x4]  }
0x3a: {  	[tilespmem:s5], [sflag:$0x5] =	stream.indirect.gather [spmem:s1], $0x1, s6, s3, $0xb8;
	[tilespmem:$0x1D6F0] =	vst v63  }
0x3b: {  	s8 =	simm.s32 $0x3900;
	s9 =	simm.s32 $0x3A00;
	s13 =	simm.s32 $0x5  }
0x3c: {  	[tilespmem:s9], [sflag:$0x5] =	stream.indirect.gather [spmem:s1], $0x1, s8, s3, $0xb8;
	[tilespmem:$0x1D6F0] =	vst v63  }
0x3d: {  	_ =	swait.ge [sflag:s13], $0x80  }
0x3e: {  	[sflag:s13] =	ssyncset.done $0x0  }
0x3f: {  	[sflag:s13] =	ssyncadd.s32 $0xFFFFFF80  }
0x40: {  	_ =	swait.ge [sflag:s13], $0x80  }
0x41: {  	[sflag:s13] =	ssyncset.done $0x0  }
0x42: {  	[sflag:s13] =	ssyncadd.s32 $0xFFFFFF80  }
0x43: {  	v39 =	vld [tilespmem:$0x3980];
	_ =	sdelay $0x1  }
0x44: {  	v40 =	vld [tilespmem:$0x3990];
	_ =	sdelay $0x1  }
0x45: {  	v41 =	vld [tilespmem:$0x39A0]  }
0x46: {  	vm0 =	vgt.s32 v39, $0xFFFFFFFF  }
0x47: {  	v42 =	vld [tilespmem:$0x39B0];
	v39 =	vsel vm0, v39, v4  }
0x48: {  	v43 =	vsel vm0, v5, v4;
	vm0 =	vgt.s32 v40, $0xFFFFFFFF;
	[tilespmem:$0x3A80] =	vst v39  }
0x49: {  	v45 =	vld [tilespmem:$0x39C0];
	[tilespmem:$0x3C80] =	vst v43;
	v44 =	vsel vm0, v40, v2  }
0x4a: {  	v46 =	vsel vm0, v3, v2;
	vm0 =	vgt.s32 v41, $0xFFFFFFFF;
	[tilespmem:$0x3A90] =	vst v44  }
0x4b: {  	v48 =	vld [tilespmem:$0x39D0];
	[tilespmem:$0x3C90] =	vst v46;
	v47 =	vsel vm0, v41, v6  }
0x4c: {  	v49 =	vsel vm0, v7, v6;
	vm0 =	vgt.s32 v42, $0xFFFFFFFF;
	[tilespmem:$0x3AA0] =	vst v47  }
0x4d: {  	v51 =	vld [tilespmem:$0x39E0];
	[tilespmem:$0x3CA0] =	vst v49;
	v50 =	vsel vm0, v42, v8  }
0x4e: {  	v52 =	vsel vm0, v9, v8;
	vm0 =	vgt.s32 v45, $0xFFFFFFFF;
	[tilespmem:$0x3AB0] =	vst v50  }
0x4f: {  	v54 =	vld [tilespmem:$0x39F0];
	[tilespmem:$0x3CB0] =	vst v52;
	v53 =	vsel vm0, v45, v10  }
0x50: {  	v55 =	vsel vm0, v11, v10;
	vm0 =	vgt.s32 v48, $0xFFFFFFFF;
	[tilespmem:$0x3B00] =	vst v53  }
0x51: {  	v57 =	vld [tilespmem:$0x3A00];
	[tilespmem:$0x3D00] =	vst v55;
	v56 =	vsel vm0, v48, v12  }
0x52: {  	v58 =	vsel vm0, v13, v12;
	vm0 =	vgt.s32 v51, $0xFFFFFFFF;
	[tilespmem:$0x3B10] =	vst v56  }
0x53: {  	v60 =	vld [tilespmem:$0x3A10];
	[tilespmem:$0x3D10] =	vst v58;
	v59 =	vsel vm0, v51, v14  }
0x54: {  	v61 =	vsel vm0, v15, v14;
	vm0 =	vgt.s32 v54, $0xFFFFFFFF;
	[tilespmem:$0x3B20] =	vst v59  }
0x55: {  	v63 =	vld [tilespmem:$0x3A20];
	[tilespmem:$0x3D20] =	vst v61;
	v62 =	vsel vm0, v54, v16  }
0x56: {  	v43 =	vsel vm0, v17, v16;
	vm0 =	vgt.s32 v57, $0xFFFFFFFF;
	[tilespmem:$0x3B30] =	vst v62  }
0x57: {  	v45 =	vld [tilespmem:$0x3A30];
	[tilespmem:$0x3D30] =	vst v43;
	v44 =	vsel vm0, v57, v18  }
0x58: {  	v46 =	vsel vm0, v19, v18;
	vm0 =	vgt.s32 v60, $0xFFFFFFFF;
	[tilespmem:$0x3B80] =	vst v44  }
0x59: {  	v48 =	vld [tilespmem:$0x3A40];
	[tilespmem:$0x3D80] =	vst v46;
	v47 =	vsel vm0, v60, v20  }
0x5a: {  	v49 =	vsel vm0, v21, v20;
	vm0 =	vgt.s32 v63, $0xFFFFFFFF;
	[tilespmem:$0x3B90] =	vst v47  }
0x5b: {  	v51 =	vld [tilespmem:$0x3A50];
	[tilespmem:$0x3D90] =	vst v49;
	v50 =	vsel vm0, v63, v22  }
0x5c: {  	v52 =	vsel vm0, v23, v22;
	vm0 =	vgt.s32 v45, $0xFFFFFFFF;
	[tilespmem:$0x3BA0] =	vst v50  }
0x5d: {  	v54 =	vld [tilespmem:$0x3A60];
	[tilespmem:$0x3DA0] =	vst v52;
	v53 =	vsel vm0, v45, v24  }
0x5e: {  	v55 =	vsel vm0, v25, v24;
	vm0 =	vgt.s32 v48, $0xFFFFFFFF;
	[tilespmem:$0x3BB0] =	vst v53  }
0x5f: {  	v57 =	vld [tilespmem:$0x3A70];
	[tilespmem:$0x3DB0] =	vst v55;
	v56 =	vsel vm0, v48, v26  }
0x60: {  	v58 =	vsel vm0, v27, v26;
	vm0 =	vgt.s32 v51, $0xFFFFFFFF;
	[tilespmem:$0x3C00] =	vst v56  }
0x61: {  	[tilespmem:$0x3E00] =	vst v58;
	v59 =	vsel vm0, v51, v28  }
0x62: {  	v60 =	vsel vm0, v29, v28;
	vm0 =	vgt.s32 v54, $0xFFFFFFFF;
	[tilespmem:$0x3C10] =	vst v59  }
0x63: {  	[tilespmem:$0x3E10] =	vst v60;
	v61 =	vsel vm0, v54, v30  }
0x64: {  	v62 =	vsel vm0, v31, v30;
	vm0 =	vgt.s32 v57, $0xFFFFFFFF;
	[tilespmem:$0x3C20] =	vst v61  }
0x65: {  	[tilespmem:$0x3E20] =	vst v62;
	v63 =	vsel vm0, v57, v32  }
0x66: {  	v44 =	vsel vm0, v33, v32;
	[tilespmem:$0x3C30] =	vst v63  }
0x67: {  	[tilespmem:$0x3E30] =	vst v44  }
0x68: {  	_ =	swait.ge [sflag:s21], $0x8000  }
0x69: {  	[sflag:s21] =	ssyncset.done $0x0  }
0x6a: {  	[sflag:s21] =	ssyncadd.s32 $0xFFFF8000  }
0x6b: {  	v45 =	vld [tilespmem:$0x3A80];
	_ =	sdelay $0x4  }
0x6c: {  	v46 =	vshll.u32 v45, $0x1  }
0x6d: {  	v39 =	vand.u32 $0x7, v45;
	v40 =	vand.u32 $0xFFFFFFF0, v46  }
0x6e: {  	v39 =	vor.u32 v39, v40  }
0x6f: {  	v40 =	vperm.xlane v39, v34  }
0x70: {  	v47 =	vld [tilespmem:$0x1FFF0]  }
0x71: {  	v39 =	vperm.xlane v39, v36;
	v40 =	vadd.s32 v35, v40;
	_ =	sdelay $0x1  }
0x72: {  	v39 =	vadd.s32 v35, v39;
	_ =	sdelay $0x1  }
0x73: {  	s0 =	rddreg [dreg:$0x0];
	vm0 =	vnez.u8 v47  }
0x74: {  	[tilespmem:s10], [sflag:$0x5] =	stream.indirect_vreg.gather [hbm4b:s0+s7], $0x80, v40, vm0, $0xb8;
	[tilespmem:$0x1D6F0] =	vst v63  }
0x75: {  	s1 =	simm.s32 $0x4680  }
0x76: {  	[tilespmem:s1], [sflag:$0x5] =	stream.indirect_vreg.gather [hbm4b:s0+s7], $0x80, v39, vm0, $0xb8;
	[tilespmem:$0x1D6F0] =	vst v63  }
0x77: {  	v39 =	vld [tilespmem:$0x3A90];
	_ =	sdelay $0x4  }
0x78: {  	v48 =	vshll.u32 v39, $0x1  }
0x79: {  	v39 =	vand.u32 $0x7, v39;
	v40 =	vand.u32 $0xFFFFFFF0, v48  }
0x7a: {  	v39 =	vor.u32 v39, v40  }
0x7b: {  	v40 =	vperm.xlane v39, v34;
	_ =	sdelay $0x1  }
0x7c: {  	v39 =	vperm.xlane v39, v36;
	v40 =	vadd.s32 v35, v40;
	_ =	sdelay $0x1  }
0x7d: {  	v39 =	vadd.s32 v35, v39;
	_ =	sdelay $0x1  }
0x7e: {  	s11 =	simm.s32 $0x4E80  }
0x7f: {  	[tilespmem:s11], [sflag:$0x5] =	stream.indirect_vreg.gather [hbm4b:s0+s7], $0x80, v40, vm0, $0xb8;
	[tilespmem:$0x1D6F0] =	vst v63  }
0x80: {  	s14 =	simm.s32 $0x5680  }
0x81: {  	[tilespmem:s14], [sflag:$0x5] =	stream.indirect_vreg.gather [hbm4b:s0+s7], $0x80, v39, vm0, $0xb8;
	[tilespmem:$0x1D6F0] =	vst v63  }
0x82: {  	v39 =	vld [tilespmem:$0x3AA0];
	_ =	sdelay $0x4  }
0x83: {  	v49 =	vshll.u32 v39, $0x1  }
0x84: {  	v39 =	vand.u32 $0x7, v39;
	v40 =	vand.u32 $0xFFFFFFF0, v49  }
0x85: {  	v39 =	vor.u32 v39, v40  }
0x86: {  	v40 =	vperm.xlane v39, v34;
	_ =	sdelay $0x1  }
0x87: {  	v39 =	vperm.xlane v39, v36;
	v40 =	vadd.s32 v35, v40;
	_ =	sdelay $0x1  }
0x88: {  	v39 =	vadd.s32 v35, v39;
	_ =	sdelay $0x1  }
0x89: {  	s15 =	simm.s32 $0x5E80  }
0x8a: {  	[tilespmem:s15], [sflag:$0x5] =	stream.indirect_vreg.gather [hbm4b:s0+s7], $0x80, v40, vm0, $0xb8;
	[tilespmem:$0x1D6F0] =	vst v63  }
0x8b: {  	s17 =	simm.s32 $0x6680  }
0x8c: {  	[tilespmem:s17], [sflag:$0x5] =	stream.indirect_vreg.gather [hbm4b:s0+s7], $0x80, v39, vm0, $0xb8;
	[tilespmem:$0x1D6F0] =	vst v63  }
0x8d: {  	v39 =	vld [tilespmem:$0x3AB0];
	_ =	sdelay $0x4  }
0x8e: {  	v50 =	vshll.u32 v39, $0x1  }
0x8f: {  	v39 =	vand.u32 $0x7, v39;
	v40 =	vand.u32 $0xFFFFFFF0, v50  }
0x90: {  	v39 =	vor.u32 v39, v40  }
0x91: {  	v40 =	vperm.xlane v39, v34;
	_ =	sdelay $0x1  }
0x92: {  	v39 =	vperm.xlane v39, v36;
	v40 =	vadd.s32 v35, v40;
	_ =	sdelay $0x1  }
0x93: {  	v39 =	vadd.s32 v35, v39;
	_ =	sdelay $0x1  }
0x94: {  	s18 =	simm.s32 $0x6E80  }
0x95: {  	[tilespmem:s18], [sflag:$0x5] =	stream.indirect_vreg.gather [hbm4b:s0+s7], $0x80, v40, vm0, $0xb8;
	[tilespmem:$0x1D6F0] =	vst v63  }
0x96: {  	s8 =	simm.s32 $0x7680  }
0x97: {  	[tilespmem:s8], [sflag:$0x5] =	stream.indirect_vreg.gather [hbm4b:s0+s7], $0x80, v39, vm0, $0xb8;
	[tilespmem:$0x1D6F0] =	vst v63  }
0x98: {  	v39 =	vld [tilespmem:$0x3B00];
	_ =	sdelay $0x4  }
0x99: {  	v51 =	vshll.u32 v39, $0x1  }
0x9a: {  	v39 =	vand.u32 $0x7, v39;
	v40 =	vand.u32 $0xFFFFFFF0, v51  }
0x9b: {  	v39 =	vor.u32 v39, v40  }
0x9c: {  	v40 =	vperm.xlane v39, v34;
	_ =	sdelay $0x1  }
0x9d: {  	v39 =	vperm.xlane v39, v36;
	v40 =	vadd.s32 v35, v40;
	_ =	sdelay $0x1  }
0x9e: {  	v39 =	vadd.s32 v35, v39;
	_ =	sdelay $0x1  }
0x9f: {  	s3 =	simm.s32 $0x7E80  }
0xa0: {  	[tilespmem:s3], [sflag:$0x1] =	stream.indirect_vreg.gather [hbm4b:s0+s7], $0x80, v40, vm0, $0xb8;
	[tilespmem:$0x1D6F0] =	vst v63  }
0xa1: {  	s5 =	simm.s32 $0x8680  }
0xa2: {  	[tilespmem:s5], [sflag:$0x1] =	stream.indirect_vreg.gather [hbm4b:s0+s7], $0x80, v39, vm0, $0xb8;
	[tilespmem:$0x1D6F0] =	vst v63  }
0xa3: {  	v39 =	vld [tilespmem:$0x3B10];
	_ =	sdelay $0x4  }
0xa4: {  	v52 =	vshll.u32 v39, $0x1  }
0xa5: {  	v39 =	vand.u32 $0x7, v39;
	v40 =	vand.u32 $0xFFFFFFF0, v52  }
0xa6: {  	v39 =	vor.u32 v39, v40  }
0xa7: {  	v40 =	vperm.xlane v39, v34;
	_ =	sdelay $0x1  }
0xa8: {  	v39 =	vperm.xlane v39, v36;
	v40 =	vadd.s32 v35, v40;
	_ =	sdelay $0x1  }
0xa9: {  	v39 =	vadd.s32 v35, v39;
	_ =	sdelay $0x1  }
0xaa: {  	s10 =	simm.s32 $0x8E80  }
0xab: {  	[tilespmem:s10], [sflag:$0x1] =	stream.indirect_vreg.gather [hbm4b:s0+s7], $0x80, v40, vm0, $0xb8;
	[tilespmem:$0x1D6F0] =	vst v63  }
0xac: {  	s31 =	simm.s32 $0x9680  }
0xad: {  	[tilespmem:s31], [sflag:$0x1] =	stream.indirect_vreg.gather [hbm4b:s0+s7], $0x80, v39, vm0, $0xb8;
	[tilespmem:$0x1D6F0] =	vst v63  }
0xae: {  	v39 =	vld [tilespmem:$0x3B20];
	_ =	sdelay $0x4  }
0xaf: {  	v53 =	vshll.u32 v39, $0x1  }
0xb0: {  	v39 =	vand.u32 $0x7, v39;
	v40 =	vand.u32 $0xFFFFFFF0, v53  }
0xb1: {  	v39 =	vor.u32 v39, v40  }
0xb2: {  	v40 =	vperm.xlane v39, v34;
	_ =	sdelay $0x1  }
0xb3: {  	v39 =	vperm.xlane v39, v36;
	v40 =	vadd.s32 v35, v40;
	_ =	sdelay $0x1  }
0xb4: {  	v39 =	vadd.s32 v35, v39;
	_ =	sdelay $0x1  }
0xb5: {  	s23 =	simm.s32 $0x9E80  }
0xb6: {  	[tilespmem:s23], [sflag:$0x1] =	stream.indirect_vreg.gather [hbm4b:s0+s7], $0x80, v40, vm0, $0xb8;
	[tilespmem:$0x1D6F0] =	vst v63  }
0xb7: {  	s20 =	simm.s32 $0xA680  }
0xb8: {  	[tilespmem:s20], [sflag:$0x1] =	stream.indirect_vreg.gather [hbm4b:s0+s7], $0x80, v39, vm0, $0xb8;
	[tilespmem:$0x1D6F0] =	vst v63  }
0xb9: {  	v39 =	vld [tilespmem:$0x3B30];
	_ =	sdelay $0x4  }
0xba: {  	v54 =	vshll.u32 v39, $0x1  }
0xbb: {  	v39 =	vand.u32 $0x7, v39;
	v40 =	vand.u32 $0xFFFFFFF0, v54  }
0xbc: {  	v39 =	vor.u32 v39, v40  }
0xbd: {  	v40 =	vperm.xlane v39, v34;
	_ =	sdelay $0x1  }
0xbe: {  	v39 =	vperm.xlane v39, v36;
	v40 =	vadd.s32 v35, v40;
	_ =	sdelay $0x1  }
0xbf: {  	v39 =	vadd.s32 v35, v39;
	_ =	sdelay $0x1  }
0xc0: {  	s24 =	simm.s32 $0xAE80  }
0xc1: {  	[tilespmem:s24], [sflag:$0x1] =	stream.indirect_vreg.gather [hbm4b:s0+s7], $0x80, v40, vm0, $0xb8;
	[tilespmem:$0x1D6F0] =	vst v63  }
0xc2: {  	s25 =	simm.s32 $0xB680  }
0xc3: {  	[tilespmem:s25], [sflag:$0x1] =	stream.indirect_vreg.gather [hbm4b:s0+s7], $0x80, v39, vm0, $0xb8;
	[tilespmem:$0x1D6F0] =	vst v63  }
0xc4: {  	_ =	swait.ge [sflag:s21], $0x8000  }
0xc5: {  	[sflag:s21] =	ssyncset.done $0x0  }
0xc6: {  	[sflag:s21] =	ssyncadd.s32 $0xFFFF8000  }
0xc7: {  	v55 =	vld [tilespmem:$0x3B80];
	_ =	sdelay $0x4  }
0xc8: {  	v56 =	vshll.u32 v55, $0x1  }
0xc9: {  	v39 =	vand.u32 $0x7, v55;
	v40 =	vand.u32 $0xFFFFFFF0, v56  }
0xca: {  	v39 =	vor.u32 v39, v40  }
0xcb: {  	v40 =	vperm.xlane v39, v34;
	_ =	sdelay $0x1  }
0xcc: {  	v39 =	vperm.xlane v39, v36;
	v40 =	vadd.s32 v35, v40;
	_ =	sdelay $0x1  }
0xcd: {  	v39 =	vadd.s32 v35, v39;
	_ =	sdelay $0x1  }
0xce: {  	s22 =	simm.s32 $0xBE80  }
0xcf: {  	[tilespmem:s22], [sflag:$0x2] =	stream.indirect_vreg.gather [hbm4b:s0+s7], $0x80, v40, vm0, $0xb8;
	[tilespmem:$0x1D6F0] =	vst v63  }
0xd0: {  	s26 =	simm.s32 $0xC680  }
0xd1: {  	[tilespmem:s26], [sflag:$0x2] =	stream.indirect_vreg.gather [hbm4b:s0+s7], $0x80, v39, vm0, $0xb8;
	[tilespmem:$0x1D6F0] =	vst v63  }
0xd2: {  	v39 =	vld [tilespmem:$0x3B90];
	_ =	sdelay $0x4  }
0xd3: {  	v57 =	vshll.u32 v39, $0x1  }
0xd4: {  	v39 =	vand.u32 $0x7, v39;
	v40 =	vand.u32 $0xFFFFFFF0, v57  }
0xd5: {  	v39 =	vor.u32 v39, v40  }
0xd6: {  	v40 =	vperm.xlane v39, v34;
	_ =	sdelay $0x1  }
0xd7: {  	v39 =	vperm.xlane v39, v36;
	v40 =	vadd.s32 v35, v40;
	_ =	sdelay $0x1  }
0xd8: {  	v39 =	vadd.s32 v35, v39;
	_ =	sdelay $0x1  }
0xd9: {  	s11 =	simm.s32 $0xCE80  }
0xda: {  	[tilespmem:s11], [sflag:$0x2] =	stream.indirect_vreg.gather [hbm4b:s0+s7], $0x80, v40, vm0, $0xb8;
	[tilespmem:$0x1D6F0] =	vst v63  }
0xdb: {  	s6 =	simm.s32 $0xD680  }
0xdc: {  	[tilespmem:s6], [sflag:$0x2] =	stream.indirect_vreg.gather [hbm4b:s0+s7], $0x80, v39, vm0, $0xb8;
	[tilespmem:$0x1D6F0] =	vst v63  }
0xdd: {  	v39 =	vld [tilespmem:$0x3BA0];
	_ =	sdelay $0x4  }
0xde: {  	v58 =	vshll.u32 v39, $0x1  }
0xdf: {  	v39 =	vand.u32 $0x7, v39;
	v40 =	vand.u32 $0xFFFFFFF0, v58  }
0xe0: {  	v39 =	vor.u32 v39, v40  }
0xe1: {  	v40 =	vperm.xlane v39, v34;
	_ =	sdelay $0x1  }
0xe2: {  	v39 =	vperm.xlane v39, v36;
	v40 =	vadd.s32 v35, v40;
	_ =	sdelay $0x1  }
0xe3: {  	v39 =	vadd.s32 v35, v39;
	_ =	sdelay $0x1  }
0xe4: {  	s22 =	simm.s32 $0xDE80  }
0xe5: {  	[tilespmem:s22], [sflag:$0x2] =	stream.indirect_vreg.gather [hbm4b:s0+s7], $0x80, v40, vm0, $0xb8;
	[tilespmem:$0x1D6F0] =	vst v63  }
0xe6: {  	_ = 	snop  }
0xe7: {  	[tilespmem:s12], [sflag:$0x2] =	stream.indirect_vreg.gather [hbm4b:s0+s7], $0x80, v39, vm0, $0xb8;
	[tilespmem:$0x1D6F0] =	vst v63  }
0xe8: {  	v39 =	vld [tilespmem:$0x3BB0];
	_ =	sdelay $0x4  }
0xe9: {  	v59 =	vshll.u32 v39, $0x1  }
0xea: {  	v39 =	vand.u32 $0x7, v39;
	v40 =	vand.u32 $0xFFFFFFF0, v59  }
0xeb: {  	v39 =	vor.u32 v39, v40  }
0xec: {  	v40 =	vperm.xlane v39, v34;
	_ =	sdelay $0x1  }
0xed: {  	v39 =	vperm.xlane v39, v36;
	v40 =	vadd.s32 v35, v40;
	_ =	sdelay $0x1  }
0xee: {  	v39 =	vadd.s32 v35, v39;
	_ =	sdelay $0x1  }
0xef: {  	s20 =	simm.s32 $0xEE80  }
0xf0: {  	[tilespmem:s20], [sflag:$0x2] =	stream.indirect_vreg.gather [hbm4b:s0+s7], $0x80, v40, vm0, $0xb8;
	[tilespmem:$0x1D6F0] =	vst v63  }
0xf1: {  	s12 =	simm.s32 $0xF680  }
0xf2: {  	[tilespmem:s12], [sflag:$0x2] =	stream.indirect_vreg.gather [hbm4b:s0+s7], $0x80, v39, vm0, $0xb8;
	[tilespmem:$0x1D6F0] =	vst v63  }
0xf3: {  	v39 =	vld [tilespmem:$0x3C00];
	_ =	sdelay $0x4  }
0xf4: {  	v60 =	vshll.u32 v39, $0x1  }
0xf5: {  	v39 =	vand.u32 $0x7, v39;
	v40 =	vand.u32 $0xFFFFFFF0, v60  }
0xf6: {  	v39 =	vor.u32 v39, v40  }
0xf7: {  	v40 =	vperm.xlane v39, v34;
	_ =	sdelay $0x1  }
0xf8: {  	v39 =	vperm.xlane v39, v36;
	v40 =	vadd.s32 v35, v40;
	_ =	sdelay $0x1  }
0xf9: {  	v39 =	vadd.s32 v35, v39;
	_ =	sdelay $0x1  }
0xfa: {  	s18 =	simm.s32 $0xFE80  }
0xfb: {  	[tilespmem:s18], [sflag:$0x3] =	stream.indirect_vreg.gather [hbm4b:s0+s7], $0x80, v40, vm0, $0xb8;
	[tilespmem:$0x1D6F0] =	vst v63  }
0xfc: {  	s24 =	simm.s32 $0x10680  }
0xfd: {  	[tilespmem:s24], [sflag:$0x3] =	stream.indirect_vreg.gather [hbm4b:s0+s7], $0x80, v39, vm0, $0xb8;
	[tilespmem:$0x1D6F0] =	vst v63  }
0xfe: {  	v39 =	vld [tilespmem:$0x3C10];
	_ =	sdelay $0x4  }
0xff: {  	v61 =	vshll.u32 v39, $0x1  }
0x100: {  	v39 =	vand.u32 $0x7, v39;
	v40 =	vand.u32 $0xFFFFFFF0, v61  }
0x101: {  	v39 =	vor.u32 v39, v40  }
0x102: {  	v40 =	vperm.xlane v39, v34;
	_ =	sdelay $0x1  }
0x103: {  	v39 =	vperm.xlane v39, v36;
	v40 =	vadd.s32 v35, v40;
	_ =	sdelay $0x1  }
0x104: {  	v39 =	vadd.s32 v35, v39;
	_ =	sdelay $0x1  }
0x105: {  	s15 =	simm.s32 $0x10E80  }
0x106: {  	[tilespmem:s15], [sflag:$0x3] =	stream.indirect_vreg.gather [hbm4b:s0+s7], $0x80, v40, vm0, $0xb8;
	[tilespmem:$0x1D6F0] =	vst v63  }
0x107: {  	s25 =	simm.s32 $0x11680  }
0x108: {  	[tilespmem:s25], [sflag:$0x3] =	stream.indirect_vreg.gather [hbm4b:s0+s7], $0x80, v39, vm0, $0xb8;
	[tilespmem:$0x1D6F0] =	vst v63  }
0x109: {  	v39 =	vld [tilespmem:$0x3C20];
	_ =	sdelay $0x4  }
0x10a: {  	v62 =	vshll.u32 v39, $0x1  }
0x10b: {  	v39 =	vand.u32 $0x7, v39;
	v40 =	vand.u32 $0xFFFFFFF0, v62  }
0x10c: {  	v39 =	vor.u32 v39, v40  }
0x10d: {  	v40 =	vperm.xlane v39, v34;
	_ =	sdelay $0x1  }
0x10e: {  	v39 =	vperm.xlane v39, v36;
	v40 =	vadd.s32 v35, v40;
	_ =	sdelay $0x1  }
0x10f: {  	v39 =	vadd.s32 v35, v39;
	_ =	sdelay $0x1  }
0x110: {  	s26 =	simm.s32 $0x11E80  }
0x111: {  	[tilespmem:s26], [sflag:$0x3] =	stream.indirect_vreg.gather [hbm4b:s0+s7], $0x80, v40, vm0, $0xb8;
	[tilespmem:$0x1D6F0] =	vst v63  }
0x112: {  	s28 =	simm.s32 $0x12680  }
0x113: {  	[tilespmem:s28], [sflag:$0x3] =	stream.indirect_vreg.gather [hbm4b:s0+s7], $0x80, v39, vm0, $0xb8;
	[tilespmem:$0x1D6F0] =	vst v63  }
0x114: {  	v39 =	vld [tilespmem:$0x3C30];
	_ =	sdelay $0x4  }
0x115: {  	v63 =	vshll.u32 v39, $0x1  }
0x116: {  	v39 =	vand.u32 $0x7, v39;
	v40 =	vand.u32 $0xFFFFFFF0, v63  }
0x117: {  	v39 =	vor.u32 v39, v40  }
0x118: {  	v40 =	vperm.xlane v39, v34;
	_ =	sdelay $0x1  }
0x119: {  	v39 =	vperm.xlane v39, v36;
	v40 =	vadd.s32 v35, v40;
	_ =	sdelay $0x1  }
0x11a: {  	v39 =	vadd.s32 v35, v39;
	_ =	sdelay $0x1  }
0x11b: {  	s29 =	simm.s32 $0x12E80  }
0x11c: {  	[tilespmem:s29], [sflag:$0x3] =	stream.indirect_vreg.gather [hbm4b:s0+s7], $0x80, v40, vm0, $0xb8;
	[tilespmem:$0x1D6F0] =	vst v63  }
0x11d: {  	s30 =	simm.s32 $0x13680  }
0x11e: {  	[tilespmem:s30], [sflag:$0x3] =	stream.indirect_vreg.gather [hbm4b:s0+s7], $0x80, v39, vm0, $0xb8;
	[tilespmem:$0x1D6F0] =	vst v63  }
0x11f: {  	s0 =	simm.s32 $0x7  }
0x120: {  	_ =	swait.ge [sflag:s0], $0x8000  }
0x121: {  	[sflag:s0] =	ssyncset.done $0x0  }
0x122: {  	s21 =	simm.s32 $0x13E80;
	s4 =	rddreg [dreg:$0xe];
	[sflag:s0] =	ssyncadd.s32 $0xFFFF8000  }
0x123: {  	[hbm4b:s4+s7] =	stream.linear.scatter [tilespmem:s21], [sflag:$0x7], $0x8000, $0x38;
	[tilespmem:$0x1D6F0] =	vst v63  }
0x124: {  	_ =	swait.ge [sflag:s13], $0x4000  }
0x125: {  	[sflag:s13] =	ssyncset.done $0x0  }
0x126: {  	[sflag:s13] =	ssyncadd.s32 $0xFFFFC000  }
0x127: {  	v44 =	vld [tilespmem:$0x3C80];
	_ =	sdelay $0x4  }
0x128: {  	v45 =	vshll.u32 v44, $0x1  }
0x129: {  	v39 =	vand.u32 $0x7, v44;
	v40 =	vand.u32 $0xFFFFFFF0, v45  }
0x12a: {  	v39 =	vor.u32 v39, v40  }
0x12b: {  	v40 =	vperm.xlane v39, v34;
	_ =	sdelay $0x1  }
0x12c: {  	v39 =	vperm.xlane v39, v36;
	v40 =	vadd.s32 v35, v40;
	_ =	sdelay $0x1  }
0x12d: {  	v39 =	vadd.s32 v35, v39;
	_ =	sdelay $0x1  }
0x12e: {  	s1 =	simm.s32 $0x3E80;
	s13 =	rddreg [dreg:$0x3]  }
0x12f: {  	[hbm4b:s13+s7] =	stream.indirect_vreg.scatter [tilespmem:s1], [sflag:$0x6], $0x80, v40, vm0, $0xb8;
	[tilespmem:$0x1D6F0] =	vst v63  }
0x130: {  	s1 =	simm.s32 $0x4680  }
0x131: {  	[hbm4b:s13+s7] =	stream.indirect_vreg.scatter [tilespmem:s1], [sflag:$0x6], $0x80, v39, vm0, $0xb8;
	[tilespmem:$0x1D6F0] =	vst v63  }
0x132: {  	v39 =	vld [tilespmem:$0x3C90];
	_ =	sdelay $0x4  }
0x133: {  	v46 =	vshll.u32 v39, $0x1  }
0x134: {  	v39 =	vand.u32 $0x7, v39;
	v40 =	vand.u32 $0xFFFFFFF0, v46  }
0x135: {  	v39 =	vor.u32 v39, v40  }
0x136: {  	v40 =	vperm.xlane v39, v34;
	_ =	sdelay $0x1  }
0x137: {  	v39 =	vperm.xlane v39, v36;
	v40 =	vadd.s32 v35, v40;
	_ =	sdelay $0x1  }
0x138: {  	v39 =	vadd.s32 v35, v39;
	_ =	sdelay $0x1  }
0x139: {  	s4 =	simm.s32 $0x4E80  }
0x13a: {  	[hbm4b:s13+s7] =	stream.indirect_vreg.scatter [tilespmem:s4], [sflag:$0x6], $0x80, v40, vm0, $0xb8;
	[tilespmem:$0x1D6F0] =	vst v63  }
0x13b: {  	s14 =	simm.s32 $0x5680  }
0x13c: {  	[hbm4b:s13+s7] =	stream.indirect_vreg.scatter [tilespmem:s14], [sflag:$0x6], $0x80, v39, vm0, $0xb8;
	[tilespmem:$0x1D6F0] =	vst v63  }
0x13d: {  	v39 =	vld [tilespmem:$0x3CA0];
	_ =	sdelay $0x4  }
0x13e: {  	v47 =	vshll.u32 v39, $0x1  }
0x13f: {  	v39 =	vand.u32 $0x7, v39;
	v40 =	vand.u32 $0xFFFFFFF0, v47  }
0x140: {  	v39 =	vor.u32 v39, v40  }
0x141: {  	v40 =	vperm.xlane v39, v34;
	_ =	sdelay $0x1  }
0x142: {  	v39 =	vperm.xlane v39, v36;
	v40 =	vadd.s32 v35, v40;
	_ =	sdelay $0x1  }
0x143: {  	v39 =	vadd.s32 v35, v39;
	_ =	sdelay $0x1  }
0x144: {  	s21 =	simm.s32 $0x5E80  }
0x145: {  	[hbm4b:s13+s7] =	stream.indirect_vreg.scatter [tilespmem:s21], [sflag:$0x6], $0x80, v40, vm0, $0xb8;
	[tilespmem:$0x1D6F0] =	vst v63  }
0x146: {  	s1 =	simm.s32 $0x6680  }
0x147: {  	[hbm4b:s13+s7] =	stream.indirect_vreg.scatter [tilespmem:s1], [sflag:$0x6], $0x80, v39, vm0, $0xb8;
	[tilespmem:$0x1D6F0] =	vst v63  }
0x148: {  	v39 =	vld [tilespmem:$0x3CB0];
	_ =	sdelay $0x4  }
0x149: {  	v48 =	vshll.u32 v39, $0x1  }
0x14a: {  	v39 =	vand.u32 $0x7, v39;
	v40 =	vand.u32 $0xFFFFFFF0, v48  }
0x14b: {  	v39 =	vor.u32 v39, v40  }
0x14c: {  	v40 =	vperm.xlane v39, v34;
	_ =	sdelay $0x1  }
0x14d: {  	v39 =	vperm.xlane v39, v36;
	v40 =	vadd.s32 v35, v40;
	_ =	sdelay $0x1  }
0x14e: {  	v39 =	vadd.s32 v35, v39;
	_ =	sdelay $0x1  }
0x14f: {  	s4 =	simm.s32 $0x6E80  }
0x150: {  	[hbm4b:s13+s7] =	stream.indirect_vreg.scatter [tilespmem:s4], [sflag:$0x6], $0x80, v40, vm0, $0xb8;
	[tilespmem:$0x1D6F0] =	vst v63  }
0x151: {  	_ = 	snop  }
0x152: {  	[hbm4b:s13+s7] =	stream.indirect_vreg.scatter [tilespmem:s8], [sflag:$0x6], $0x80, v39, vm0, $0xb8;
	[tilespmem:$0x1D6F0] =	vst v63  }
0x153: {  	s8 =	simm.s32 $0x1  }
0x154: {  	_ =	swait.ge [sflag:s8], $0x4000  }
0x155: {  	[sflag:s8] =	ssyncset.done $0x0  }
0x156: {  	[sflag:s8] =	ssyncadd.s32 $0xFFFFC000  }
0x157: {  	v49 =	vld [tilespmem:$0x3D00];
	_ =	sdelay $0x4  }
0x158: {  	v50 =	vshll.u32 v49, $0x1  }
0x159: {  	v39 =	vand.u32 $0x7, v49;
	v40 =	vand.u32 $0xFFFFFFF0, v50  }
0x15a: {  	v39 =	vor.u32 v39, v40  }
0x15b: {  	v40 =	vperm.xlane v39, v34;
	_ =	sdelay $0x1  }
0x15c: {  	v39 =	vperm.xlane v39, v36;
	v40 =	vadd.s32 v35, v40;
	_ =	sdelay $0x1  }
0x15d: {  	v39 =	vadd.s32 v35, v39;
	_ =	sdelay $0x2  }
0x15e: {  	[hbm4b:s13+s7] =	stream.indirect_vreg.scatter [tilespmem:s3], [sflag:$0x6], $0x80, v40, vm0, $0xb8;
	[tilespmem:$0x1D6F0] =	vst v63  }
0x15f: {  	_ = 	snop  }
0x160: {  	[hbm4b:s13+s7] =	stream.indirect_vreg.scatter [tilespmem:s5], [sflag:$0x6], $0x80, v39, vm0, $0xb8;
	[tilespmem:$0x1D6F0] =	vst v63  }
0x161: {  	v39 =	vld [tilespmem:$0x3D10];
	_ =	sdelay $0x4  }
0x162: {  	v51 =	vshll.u32 v39, $0x1  }
0x163: {  	v39 =	vand.u32 $0x7, v39;
	v40 =	vand.u32 $0xFFFFFFF0, v51  }
0x164: {  	v39 =	vor.u32 v39, v40  }
0x165: {  	v40 =	vperm.xlane v39, v34;
	_ =	sdelay $0x1  }
0x166: {  	v39 =	vperm.xlane v39, v36;
	v40 =	vadd.s32 v35, v40;
	_ =	sdelay $0x1  }
0x167: {  	v39 =	vadd.s32 v35, v39;
	_ =	sdelay $0x2  }
0x168: {  	[hbm4b:s13+s7] =	stream.indirect_vreg.scatter [tilespmem:s10], [sflag:$0x6], $0x80, v40, vm0, $0xb8;
	[tilespmem:$0x1D6F0] =	vst v63  }
0x169: {  	_ = 	snop  }
0x16a: {  	[hbm4b:s13+s7] =	stream.indirect_vreg.scatter [tilespmem:s31], [sflag:$0x6], $0x80, v39, vm0, $0xb8;
	[tilespmem:$0x1D6F0] =	vst v63  }
0x16b: {  	v39 =	vld [tilespmem:$0x3D20];
	_ =	sdelay $0x4  }
0x16c: {  	v52 =	vshll.u32 v39, $0x1  }
0x16d: {  	v39 =	vand.u32 $0x7, v39;
	v40 =	vand.u32 $0xFFFFFFF0, v52  }
0x16e: {  	v39 =	vor.u32 v39, v40  }
0x16f: {  	v40 =	vperm.xlane v39, v34;
	_ =	sdelay $0x1  }
0x170: {  	v39 =	vperm.xlane v39, v36;
	v40 =	vadd.s32 v35, v40;
	_ =	sdelay $0x1  }
0x171: {  	v39 =	vadd.s32 v35, v39;
	_ =	sdelay $0x2  }
0x172: {  	[hbm4b:s13+s7] =	stream.indirect_vreg.scatter [tilespmem:s23], [sflag:$0x6], $0x80, v40, vm0, $0xb8;
	[tilespmem:$0x1D6F0] =	vst v63  }
0x173: {  	s14 =	simm.s32 $0xA680  }
0x174: {  	[hbm4b:s13+s7] =	stream.indirect_vreg.scatter [tilespmem:s14], [sflag:$0x6], $0x80, v39, vm0, $0xb8;
	[tilespmem:$0x1D6F0] =	vst v63  }
0x175: {  	v39 =	vld [tilespmem:$0x3D30];
	_ =	sdelay $0x4  }
0x176: {  	v53 =	vshll.u32 v39, $0x1  }
0x177: {  	v39 =	vand.u32 $0x7, v39;
	v40 =	vand.u32 $0xFFFFFFF0, v53  }
0x178: {  	v39 =	vor.u32 v39, v40  }
0x179: {  	v40 =	vperm.xlane v39, v34;
	_ =	sdelay $0x1  }
0x17a: {  	v39 =	vperm.xlane v39, v36;
	v40 =	vadd.s32 v35, v40;
	_ =	sdelay $0x1  }
0x17b: {  	v39 =	vadd.s32 v35, v39;
	_ =	sdelay $0x1  }
0x17c: {  	s21 =	simm.s32 $0xAE80  }
0x17d: {  	[hbm4b:s13+s7] =	stream.indirect_vreg.scatter [tilespmem:s21], [sflag:$0x6], $0x80, v40, vm0, $0xb8;
	[tilespmem:$0x1D6F0] =	vst v63  }
0x17e: {  	s0 =	simm.s32 $0x2;
	s14 =	simm.s32 $0xB680  }
0x17f: {  	[hbm4b:s13+s7] =	stream.indirect_vreg.scatter [tilespmem:s14], [sflag:$0x6], $0x80, v39, vm0, $0xb8;
	[tilespmem:$0x1D6F0] =	vst v63  }
0x180: {  	_ =	swait.ge [sflag:s0], $0x4000  }
0x181: {  	[sflag:s0] =	ssyncset.done $0x0  }
0x182: {  	[sflag:s0] =	ssyncadd.s32 $0xFFFFC000  }
0x183: {  	v54 =	vld [tilespmem:$0x3D80];
	_ =	sdelay $0x4  }
0x184: {  	v55 =	vshll.u32 v54, $0x1  }
0x185: {  	v39 =	vand.u32 $0x7, v54;
	v40 =	vand.u32 $0xFFFFFFF0, v55  }
0x186: {  	v39 =	vor.u32 v39, v40  }
0x187: {  	v40 =	vperm.xlane v39, v34;
	_ =	sdelay $0x1  }
0x188: {  	v39 =	vperm.xlane v39, v36;
	v40 =	vadd.s32 v35, v40;
	_ =	sdelay $0x1  }
0x189: {  	v39 =	vadd.s32 v35, v39;
	_ =	sdelay $0x1  }
0x18a: {  	s14 =	simm.s32 $0xBE80  }
0x18b: {  	[hbm4b:s13+s7] =	stream.indirect_vreg.scatter [tilespmem:s14], [sflag:$0x6], $0x80, v40, vm0, $0xb8;
	[tilespmem:$0x1D6F0] =	vst v63  }
0x18c: {  	s14 =	simm.s32 $0xC680  }
0x18d: {  	[hbm4b:s13+s7] =	stream.indirect_vreg.scatter [tilespmem:s14], [sflag:$0x6], $0x80, v39, vm0, $0xb8;
	[tilespmem:$0x1D6F0] =	vst v63  }
0x18e: {  	v39 =	vld [tilespmem:$0x3D90];
	_ =	sdelay $0x4  }
0x18f: {  	v56 =	vshll.u32 v39, $0x1  }
0x190: {  	v39 =	vand.u32 $0x7, v39;
	v40 =	vand.u32 $0xFFFFFFF0, v56  }
0x191: {  	v39 =	vor.u32 v39, v40  }
0x192: {  	v40 =	vperm.xlane v39, v34;
	_ =	sdelay $0x1  }
0x193: {  	v39 =	vperm.xlane v39, v36;
	v40 =	vadd.s32 v35, v40;
	_ =	sdelay $0x1  }
0x194: {  	v39 =	vadd.s32 v35, v39;
	_ =	sdelay $0x2  }
0x195: {  	[hbm4b:s13+s7] =	stream.indirect_vreg.scatter [tilespmem:s11], [sflag:$0x6], $0x80, v40, vm0, $0xb8;
	[tilespmem:$0x1D6F0] =	vst v63  }
0x196: {  	_ = 	snop  }
0x197: {  	[hbm4b:s13+s7] =	stream.indirect_vreg.scatter [tilespmem:s6], [sflag:$0x6], $0x80, v39, vm0, $0xb8;
	[tilespmem:$0x1D6F0] =	vst v63  }
0x198: {  	v39 =	vld [tilespmem:$0x3DA0];
	_ =	sdelay $0x4  }
0x199: {  	v57 =	vshll.u32 v39, $0x1  }
0x19a: {  	v39 =	vand.u32 $0x7, v39;
	v40 =	vand.u32 $0xFFFFFFF0, v57  }
0x19b: {  	v39 =	vor.u32 v39, v40  }
0x19c: {  	v40 =	vperm.xlane v39, v34;
	_ =	sdelay $0x1  }
0x19d: {  	v39 =	vperm.xlane v39, v36;
	v40 =	vadd.s32 v35, v40;
	_ =	sdelay $0x1  }
0x19e: {  	v39 =	vadd.s32 v35, v39;
	_ =	sdelay $0x2  }
0x19f: {  	[hbm4b:s13+s7] =	stream.indirect_vreg.scatter [tilespmem:s22], [sflag:$0x6], $0x80, v40, vm0, $0xb8;
	[tilespmem:$0x1D6F0] =	vst v63  }
0x1a0: {  	s14 =	simm.s32 $0xE680  }
0x1a1: {  	[hbm4b:s13+s7] =	stream.indirect_vreg.scatter [tilespmem:s14], [sflag:$0x6], $0x80, v39, vm0, $0xb8;
	[tilespmem:$0x1D6F0] =	vst v63  }
0x1a2: {  	v39 =	vld [tilespmem:$0x3DB0];
	_ =	sdelay $0x4  }
0x1a3: {  	v58 =	vshll.u32 v39, $0x1  }
0x1a4: {  	v39 =	vand.u32 $0x7, v39;
	v40 =	vand.u32 $0xFFFFFFF0, v58  }
0x1a5: {  	v39 =	vor.u32 v39, v40  }
0x1a6: {  	v40 =	vperm.xlane v39, v34;
	_ =	sdelay $0x1  }
0x1a7: {  	v39 =	vperm.xlane v39, v36;
	v40 =	vadd.s32 v35, v40;
	_ =	sdelay $0x1  }
0x1a8: {  	v39 =	vadd.s32 v35, v39;
	_ =	sdelay $0x2  }
0x1a9: {  	[hbm4b:s13+s7] =	stream.indirect_vreg.scatter [tilespmem:s20], [sflag:$0x6], $0x80, v40, vm0, $0xb8;
	[tilespmem:$0x1D6F0] =	vst v63  }
0x1aa: {  	_ = 	snop  }
0x1ab: {  	[hbm4b:s13+s7] =	stream.indirect_vreg.scatter [tilespmem:s12], [sflag:$0x6], $0x80, v39, vm0, $0xb8;
	[tilespmem:$0x1D6F0] =	vst v63  }
0x1ac: {  	_ =	swait.ge [sflag:s19], $0x4000  }
0x1ad: {  	[sflag:s19] =	ssyncset.done $0x0  }
0x1ae: {  	[sflag:s19] =	ssyncadd.s32 $0xFFFFC000  }
0x1af: {  	v59 =	vld [tilespmem:$0x3E00];
	_ =	sdelay $0x4  }
0x1b0: {  	v60 =	vshll.u32 v59, $0x1  }
0x1b1: {  	v39 =	vand.u32 $0x7, v59;
	v40 =	vand.u32 $0xFFFFFFF0, v60  }
0x1b2: {  	v39 =	vor.u32 v39, v40  }
0x1b3: {  	v40 =	vperm.xlane v39, v34;
	_ =	sdelay $0x1  }
0x1b4: {  	v39 =	vperm.xlane v39, v36;
	v40 =	vadd.s32 v35, v40;
	_ =	sdelay $0x1  }
0x1b5: {  	v39 =	vadd.s32 v35, v39;
	_ =	sdelay $0x2  }
0x1b6: {  	[hbm4b:s13+s7] =	stream.indirect_vreg.scatter [tilespmem:s18], [sflag:$0x6], $0x80, v40, vm0, $0xb8;
	[tilespmem:$0x1D6F0] =	vst v63  }
0x1b7: {  	_ = 	snop  }
0x1b8: {  	[hbm4b:s13+s7] =	stream.indirect_vreg.scatter [tilespmem:s24], [sflag:$0x6], $0x80, v39, vm0, $0xb8;
	[tilespmem:$0x1D6F0] =	vst v63  }
0x1b9: {  	v39 =	vld [tilespmem:$0x3E10];
	_ =	sdelay $0x4  }
0x1ba: {  	v61 =	vshll.u32 v39, $0x1  }
0x1bb: {  	v39 =	vand.u32 $0x7, v39;
	v40 =	vand.u32 $0xFFFFFFF0, v61  }
0x1bc: {  	v39 =	vor.u32 v39, v40  }
0x1bd: {  	v40 =	vperm.xlane v39, v34;
	_ =	sdelay $0x1  }
0x1be: {  	v39 =	vperm.xlane v39, v36;
	v40 =	vadd.s32 v35, v40;
	_ =	sdelay $0x1  }
0x1bf: {  	v39 =	vadd.s32 v35, v39;
	_ =	sdelay $0x2  }
0x1c0: {  	[hbm4b:s13+s7] =	stream.indirect_vreg.scatter [tilespmem:s15], [sflag:$0x6], $0x80, v40, vm0, $0xb8;
	[tilespmem:$0x1D6F0] =	vst v63  }
0x1c1: {  	_ = 	snop  }
0x1c2: {  	[hbm4b:s13+s7] =	stream.indirect_vreg.scatter [tilespmem:s25], [sflag:$0x6], $0x80, v39, vm0, $0xb8;
	[tilespmem:$0x1D6F0] =	vst v63  }
0x1c3: {  	v39 =	vld [tilespmem:$0x3E20];
	_ =	sdelay $0x4  }
0x1c4: {  	v62 =	vshll.u32 v39, $0x1  }
0x1c5: {  	v39 =	vand.u32 $0x7, v39;
	v40 =	vand.u32 $0xFFFFFFF0, v62  }
0x1c6: {  	v39 =	vor.u32 v39, v40  }
0x1c7: {  	v40 =	vperm.xlane v39, v34;
	_ =	sdelay $0x1  }
0x1c8: {  	v39 =	vperm.xlane v39, v36;
	v40 =	vadd.s32 v35, v40;
	_ =	sdelay $0x1  }
0x1c9: {  	v39 =	vadd.s32 v35, v39;
	_ =	sdelay $0x2  }
0x1ca: {  	[hbm4b:s13+s7] =	stream.indirect_vreg.scatter [tilespmem:s26], [sflag:$0x6], $0x80, v40, vm0, $0xb8;
	[tilespmem:$0x1D6F0] =	vst v63  }
0x1cb: {  	_ = 	snop  }
0x1cc: {  	[hbm4b:s13+s7] =	stream.indirect_vreg.scatter [tilespmem:s28], [sflag:$0x6], $0x80, v39, vm0, $0xb8;
	[tilespmem:$0x1D6F0] =	vst v63  }
0x1cd: {  	v39 =	vld [tilespmem:$0x3E30];
	_ =	sdelay $0x4  }
0x1ce: {  	v63 =	vshll.u32 v39, $0x1  }
0x1cf: {  	v39 =	vand.u32 $0x7, v39;
	v40 =	vand.u32 $0xFFFFFFF0, v63  }
0x1d0: {  	v39 =	vor.u32 v39, v40  }
0x1d1: {  	v40 =	vperm.xlane v39, v34;
	_ =	sdelay $0x1  }
0x1d2: {  	v39 =	vperm.xlane v39, v36;
	v40 =	vadd.s32 v35, v40;
	_ =	sdelay $0x1  }
0x1d3: {  	v39 =	vadd.s32 v35, v39;
	_ =	sdelay $0x2  }
0x1d4: {  	[hbm4b:s13+s7] =	stream.indirect_vreg.scatter [tilespmem:s29], [sflag:$0x6], $0x80, v40, vm0, $0xb8;
	[tilespmem:$0x1D6F0] =	vst v63  }
0x1d5: {  	_ = 	snop  }
0x1d6: {  	[hbm4b:s13+s7] =	stream.indirect_vreg.scatter [tilespmem:s30], [sflag:$0x6], $0x80, v39, vm0, $0xb8;
	[tilespmem:$0x1D6F0] =	vst v63  }
0x1d7: {  	s13 =	simm.s32 $0x6  }
0x1d8: {  	_ =	swait.ge [sflag:s13], $0x4000  }
0x1d9: {  	[sflag:s13] =	ssyncset.done $0x0  }
0x1da: {  	[sflag:s13] =	ssyncadd.s32 $0xFFFFC000  }
0x1db: {  	_ =	swait.ge [sflag:s13], $0x4000  }
0x1dc: {  	[sflag:s13] =	ssyncset.done $0x0  }
0x1dd: {  	[sflag:s13] =	ssyncadd.s32 $0xFFFFC000  }
0x1de: {  	_ =	swait.ge [sflag:s13], $0x4000  }
0x1df: {  	[sflag:s13] =	ssyncset.done $0x0  }
0x1e0: {  	[sflag:s13] =	ssyncadd.s32 $0xFFFFC000  }
0x1e1: {  	_ =	swait.ge [sflag:s13], $0x4000  }
0x1e2: {  	[sflag:s13] =	ssyncset.done $0x0  }
0x1e3: {  	s17 =	simm.s32 $0x7;
	[sflag:s13] =	ssyncadd.s32 $0xFFFFC000  }
0x1e4: {  	_ =	swait.ge [sflag:s17], $0x8000  }
0x1e5: {  	s16 =	sadd.s32 $0x1, s16;
	s14 =	rddreg [dreg:$0xf]  }
0x1e6: {  	s9 =	simm.s32 $0x4;
	p0 =	sne.s32 s16, s14  }
.Ltmp1:
0x1e7: {  	s1 =	simm.s32 $0x7E80;
	s4 =	simm.s32 $0xA680;
	(pc) =	sbr.rel @!p0 .LBB2_12-.Ltmp1, $4  }
0x1e8: {  	s8 =	simm.s32 $0x8680;
	s3 =	simm.s32 $0x8E80;
	s5 =	simm.s32 $0x9680  }
0x1e9: {  	s10 =	simm.s32 $0x9E80;
	s31 =	simm.s32 $0xBE80;
	s23 =	simm.s32 $0xAE80  }
0x1ea: {  	s21 =	simm.s32 $0xB680;
	s0 =	simm.s32 $0xC680;
	[sflag:s17] =	ssyncset.done $0x0  }
0x1eb: {  	s19 =	simm.s32 $0xE680;
	[sflag:s17] =	ssyncadd.s32 $0xFFFF8000;
	s14 =	smov.u32 s16  }
.LBB2_1:
0x1ec: {  	[dreg:$0x11] =	wrdreg s14  }
0x1ed: {  	s14 =	rddreg [dreg:$0x6];
	s16 =	simm.s32 $0x3880  }
0x1ee: {  	[tilespmem:s16], [sflag:$0x4] =	stream.linear.gather [hbm4b:s14+s7], $0x80, $0x38;
	[tilespmem:$0x1D6F0] =	vst v63  }
0x1ef: {  	s17 =	simm.s32 $0x3900;
	s16 =	rddreg [dreg:$0x7]  }
0x1f0: {  	[tilespmem:s17], [sflag:$0x6] =	stream.linear.gather [hbm4b:s16+s7], $0x80, $0x38;
	[tilespmem:$0x1D6F0] =	vst v63  }
0x1f1: {  	_ =	swait.ge [sflag:s9], $0x80  }
0x1f2: {  	[sflag:s9] =	ssyncset.done $0x0  }
0x1f3: {  	[sflag:s9] =	ssyncadd.s32 $0xFFFFFF80  }
0x1f4: {  	_ =	swait.ge [sflag:s13], $0x80  }
0x1f5: {  	[sflag:s13] =	ssyncset.done $0x0  }
0x1f6: {  	[sflag:s13] =	ssyncadd.s32 $0xFFFFFF80  }
0x1f7: {  	v39 =	vld [tilespmem:$0x3880];
	_ =	sdelay $0x4  }
0x1f8: {  	v40 =	vshll.u32 v39, $0x1  }
0x1f9: {  	v39 =	vand.u32 $0x7, v39;
	v40 =	vand.u32 $0xFFFFFFF0, v40  }
0x1fa: {  	v39 =	vor.u32 v39, v40  }
0x1fb: {  	v40 =	vperm.xlane v39, v34;
	_ =	sdelay $0x1  }
0x1fc: {  	v39 =	vperm.xlane v39, v36;
	v40 =	vadd.s32 v35, v40;
	_ =	sdelay $0x1  }
0x1fd: {  	v39 =	vadd.s32 v35, v39;
	_ =	sdelay $0x1  }
0x1fe: {  	s16 =	simm.s32 $0x3E80;
	s13 =	rddreg [dreg:$0x2]  }
0x1ff: {  	[tilespmem:s16], [sflag:$0x3] =	stream.indirect_vreg.gather [hbm4b:s13+s7], $0x80, v40, vm0, $0xb8;
	[tilespmem:$0x1D6F0] =	vst v63  }
0x200: {  	s17 =	simm.s32 $0x4680  }
0x201: {  	[tilespmem:s17], [sflag:$0x3] =	stream.indirect_vreg.gather [hbm4b:s13+s7], $0x80, v39, vm0, $0xb8;
	[tilespmem:$0x1D6F0] =	vst v63  }
0x202: {  	v39 =	vld [tilespmem:$0x3890];
	_ =	sdelay $0x4  }
0x203: {  	v49 =	vshll.u32 v39, $0x1  }
0x204: {  	v39 =	vand.u32 $0x7, v39;
	v40 =	vand.u32 $0xFFFFFFF0, v49  }
0x205: {  	v39 =	vor.u32 v39, v40  }
0x206: {  	v40 =	vperm.xlane v39, v34;
	_ =	sdelay $0x1  }
0x207: {  	v39 =	vperm.xlane v39, v36;
	v40 =	vadd.s32 v35, v40;
	_ =	sdelay $0x1  }
0x208: {  	v39 =	vadd.s32 v35, v39;
	_ =	sdelay $0x1  }
0x209: {  	s14 =	simm.s32 $0x4E80  }
0x20a: {  	[tilespmem:s14], [sflag:$0x3] =	stream.indirect_vreg.gather [hbm4b:s13+s7], $0x80, v40, vm0, $0xb8;
	[tilespmem:$0x1D6F0] =	vst v63  }
0x20b: {  	s16 =	simm.s32 $0x5680  }
0x20c: {  	[tilespmem:s16], [sflag:$0x3] =	stream.indirect_vreg.gather [hbm4b:s13+s7], $0x80, v39, vm0, $0xb8;
	[tilespmem:$0x1D6F0] =	vst v63  }
0x20d: {  	v39 =	vld [tilespmem:$0x38A0];
	_ =	sdelay $0x4  }
0x20e: {  	v50 =	vshll.u32 v39, $0x1  }
0x20f: {  	v39 =	vand.u32 $0x7, v39;
	v40 =	vand.u32 $0xFFFFFFF0, v50  }
0x210: {  	v39 =	vor.u32 v39, v40  }
0x211: {  	v40 =	vperm.xlane v39, v34;
	_ =	sdelay $0x1  }
0x212: {  	v39 =	vperm.xlane v39, v36;
	v40 =	vadd.s32 v35, v40;
	_ =	sdelay $0x1  }
0x213: {  	v39 =	vadd.s32 v35, v39;
	_ =	sdelay $0x1  }
0x214: {  	s17 =	simm.s32 $0x5E80  }
0x215: {  	[tilespmem:s17], [sflag:$0x3] =	stream.indirect_vreg.gather [hbm4b:s13+s7], $0x80, v40, vm0, $0xb8;
	[tilespmem:$0x1D6F0] =	vst v63  }
0x216: {  	s14 =	simm.s32 $0x6680  }
0x217: {  	[tilespmem:s14], [sflag:$0x3] =	stream.indirect_vreg.gather [hbm4b:s13+s7], $0x80, v39, vm0, $0xb8;
	[tilespmem:$0x1D6F0] =	vst v63  }
0x218: {  	v39 =	vld [tilespmem:$0x38B0];
	_ =	sdelay $0x4  }
0x219: {  	v51 =	vshll.u32 v39, $0x1  }
0x21a: {  	v39 =	vand.u32 $0x7, v39;
	v40 =	vand.u32 $0xFFFFFFF0, v51  }
0x21b: {  	v39 =	vor.u32 v39, v40  }
0x21c: {  	v40 =	vperm.xlane v39, v34;
	_ =	sdelay $0x1  }
0x21d: {  	v39 =	vperm.xlane v39, v36;
	v40 =	vadd.s32 v35, v40;
	_ =	sdelay $0x1  }
0x21e: {  	v39 =	vadd.s32 v35, v39;
	_ =	sdelay $0x1  }
0x21f: {  	s16 =	simm.s32 $0x6E80  }
0x220: {  	[tilespmem:s16], [sflag:$0x3] =	stream.indirect_vreg.gather [hbm4b:s13+s7], $0x80, v40, vm0, $0xb8;
	[tilespmem:$0x1D6F0] =	vst v63  }
0x221: {  	s17 =	simm.s32 $0x7680  }
0x222: {  	[tilespmem:s17], [sflag:$0x3] =	stream.indirect_vreg.gather [hbm4b:s13+s7], $0x80, v39, vm0, $0xb8;
	[tilespmem:$0x1D6F0] =	vst v63  }
0x223: {  	v39 =	vld [tilespmem:$0x38C0];
	_ =	sdelay $0x4  }
0x224: {  	v52 =	vshll.u32 v39, $0x1  }
0x225: {  	v39 =	vand.u32 $0x7, v39;
	v40 =	vand.u32 $0xFFFFFFF0, v52  }
0x226: {  	v39 =	vor.u32 v39, v40  }
0x227: {  	v40 =	vperm.xlane v39, v34;
	_ =	sdelay $0x1  }
0x228: {  	v39 =	vperm.xlane v39, v36;
	v40 =	vadd.s32 v35, v40;
	_ =	sdelay $0x1  }
0x229: {  	v39 =	vadd.s32 v35, v39;
	_ =	sdelay $0x2  }
0x22a: {  	[tilespmem:s1], [sflag:$0x3] =	stream.indirect_vreg.gather [hbm4b:s13+s7], $0x80, v40, vm0, $0xb8;
	[tilespmem:$0x1D6F0] =	vst v63  }
0x22b: {  	_ = 	snop  }
0x22c: {  	[tilespmem:s8], [sflag:$0x3] =	stream.indirect_vreg.gather [hbm4b:s13+s7], $0x80, v39, vm0, $0xb8;
	[tilespmem:$0x1D6F0] =	vst v63  }
0x22d: {  	v39 =	vld [tilespmem:$0x38D0];
	_ =	sdelay $0x4  }
0x22e: {  	v53 =	vshll.u32 v39, $0x1  }
0x22f: {  	v39 =	vand.u32 $0x7, v39;
	v40 =	vand.u32 $0xFFFFFFF0, v53  }
0x230: {  	v39 =	vor.u32 v39, v40  }
0x231: {  	v40 =	vperm.xlane v39, v34;
	_ =	sdelay $0x1  }
0x232: {  	v39 =	vperm.xlane v39, v36;
	v40 =	vadd.s32 v35, v40;
	_ =	sdelay $0x1  }
0x233: {  	v39 =	vadd.s32 v35, v39;
	_ =	sdelay $0x2  }
0x234: {  	[tilespmem:s3], [sflag:$0x3] =	stream.indirect_vreg.gather [hbm4b:s13+s7], $0x80, v40, vm0, $0xb8;
	[tilespmem:$0x1D6F0] =	vst v63  }
0x235: {  	_ = 	snop  }
0x236: {  	[tilespmem:s5], [sflag:$0x3] =	stream.indirect_vreg.gather [hbm4b:s13+s7], $0x80, v39, vm0, $0xb8;
	[tilespmem:$0x1D6F0] =	vst v63  }
0x237: {  	v39 =	vld [tilespmem:$0x38E0];
	_ =	sdelay $0x4  }
0x238: {  	v54 =	vshll.u32 v39, $0x1  }
0x239: {  	v39 =	vand.u32 $0x7, v39;
	v40 =	vand.u32 $0xFFFFFFF0, v54  }
0x23a: {  	v39 =	vor.u32 v39, v40  }
0x23b: {  	v40 =	vperm.xlane v39, v34;
	_ =	sdelay $0x1  }
0x23c: {  	v39 =	vperm.xlane v39, v36;
	v40 =	vadd.s32 v35, v40;
	_ =	sdelay $0x1  }
0x23d: {  	v39 =	vadd.s32 v35, v39;
	_ =	sdelay $0x2  }
0x23e: {  	[tilespmem:s10], [sflag:$0x3] =	stream.indirect_vreg.gather [hbm4b:s13+s7], $0x80, v40, vm0, $0xb8;
	[tilespmem:$0x1D6F0] =	vst v63  }
0x23f: {  	_ = 	snop  }
0x240: {  	[tilespmem:s4], [sflag:$0x3] =	stream.indirect_vreg.gather [hbm4b:s13+s7], $0x80, v39, vm0, $0xb8;
	[tilespmem:$0x1D6F0] =	vst v63  }
0x241: {  	v39 =	vld [tilespmem:$0x38F0];
	_ =	sdelay $0x4  }
0x242: {  	v55 =	vshll.u32 v39, $0x1  }
0x243: {  	v39 =	vand.u32 $0x7, v39;
	v40 =	vand.u32 $0xFFFFFFF0, v55  }
0x244: {  	v39 =	vor.u32 v39, v40  }
0x245: {  	v40 =	vperm.xlane v39, v34;
	_ =	sdelay $0x1  }
0x246: {  	v39 =	vperm.xlane v39, v36;
	v40 =	vadd.s32 v35, v40;
	_ =	sdelay $0x1  }
0x247: {  	v39 =	vadd.s32 v35, v39;
	_ =	sdelay $0x2  }
0x248: {  	[tilespmem:s23], [sflag:$0x3] =	stream.indirect_vreg.gather [hbm4b:s13+s7], $0x80, v40, vm0, $0xb8;
	[tilespmem:$0x1D6F0] =	vst v63  }
0x249: {  	_ = 	snop  }
0x24a: {  	[tilespmem:s21], [sflag:$0x3] =	stream.indirect_vreg.gather [hbm4b:s13+s7], $0x80, v39, vm0, $0xb8;
	[tilespmem:$0x1D6F0] =	vst v63  }
0x24b: {  	v39 =	vld [tilespmem:$0x3900];
	_ =	sdelay $0x4  }
0x24c: {  	v56 =	vshll.u32 v39, $0x1  }
0x24d: {  	v39 =	vand.u32 $0x7, v39;
	v40 =	vand.u32 $0xFFFFFFF0, v56  }
0x24e: {  	v39 =	vor.u32 v39, v40  }
0x24f: {  	v40 =	vperm.xlane v39, v34;
	_ =	sdelay $0x1  }
0x250: {  	v39 =	vperm.xlane v39, v36;
	v40 =	vadd.s32 v35, v40;
	_ =	sdelay $0x1  }
0x251: {  	v39 =	vadd.s32 v35, v39;
	_ =	sdelay $0x2  }
0x252: {  	[tilespmem:s31], [sflag:$0x3] =	stream.indirect_vreg.gather [hbm4b:s13+s7], $0x80, v40, vm0, $0xb8;
	[tilespmem:$0x1D6F0] =	vst v63  }
0x253: {  	_ = 	snop  }
0x254: {  	[tilespmem:s0], [sflag:$0x3] =	stream.indirect_vreg.gather [hbm4b:s13+s7], $0x80, v39, vm0, $0xb8;
	[tilespmem:$0x1D6F0] =	vst v63  }
0x255: {  	v39 =	vld [tilespmem:$0x3910];
	_ =	sdelay $0x4  }
0x256: {  	v57 =	vshll.u32 v39, $0x1  }
0x257: {  	v39 =	vand.u32 $0x7, v39;
	v40 =	vand.u32 $0xFFFFFFF0, v57  }
0x258: {  	v39 =	vor.u32 v39, v40  }
0x259: {  	v40 =	vperm.xlane v39, v34;
	_ =	sdelay $0x1  }
0x25a: {  	v39 =	vperm.xlane v39, v36;
	v40 =	vadd.s32 v35, v40;
	_ =	sdelay $0x1  }
0x25b: {  	v39 =	vadd.s32 v35, v39;
	_ =	sdelay $0x2  }
0x25c: {  	[tilespmem:s11], [sflag:$0x3] =	stream.indirect_vreg.gather [hbm4b:s13+s7], $0x80, v40, vm0, $0xb8;
	[tilespmem:$0x1D6F0] =	vst v63  }
0x25d: {  	_ = 	snop  }
0x25e: {  	[tilespmem:s6], [sflag:$0x3] =	stream.indirect_vreg.gather [hbm4b:s13+s7], $0x80, v39, vm0, $0xb8;
	[tilespmem:$0x1D6F0] =	vst v63  }
0x25f: {  	v39 =	vld [tilespmem:$0x3920];
	_ =	sdelay $0x4  }
0x260: {  	v58 =	vshll.u32 v39, $0x1  }
0x261: {  	v39 =	vand.u32 $0x7, v39;
	v40 =	vand.u32 $0xFFFFFFF0, v58  }
0x262: {  	v39 =	vor.u32 v39, v40  }
0x263: {  	v40 =	vperm.xlane v39, v34;
	_ =	sdelay $0x1  }
0x264: {  	v39 =	vperm.xlane v39, v36;
	v40 =	vadd.s32 v35, v40;
	_ =	sdelay $0x1  }
0x265: {  	v39 =	vadd.s32 v35, v39;
	_ =	sdelay $0x2  }
0x266: {  	[tilespmem:s22], [sflag:$0x3] =	stream.indirect_vreg.gather [hbm4b:s13+s7], $0x80, v40, vm0, $0xb8;
	[tilespmem:$0x1D6F0] =	vst v63  }
0x267: {  	_ = 	snop  }
0x268: {  	[tilespmem:s19], [sflag:$0x3] =	stream.indirect_vreg.gather [hbm4b:s13+s7], $0x80, v39, vm0, $0xb8;
	[tilespmem:$0x1D6F0] =	vst v63  }
0x269: {  	v39 =	vld [tilespmem:$0x3930];
	_ =	sdelay $0x4  }
0x26a: {  	v59 =	vshll.u32 v39, $0x1  }
0x26b: {  	v39 =	vand.u32 $0x7, v39;
	v40 =	vand.u32 $0xFFFFFFF0, v59  }
0x26c: {  	v39 =	vor.u32 v39, v40  }
0x26d: {  	v40 =	vperm.xlane v39, v34;
	_ =	sdelay $0x1  }
0x26e: {  	v39 =	vperm.xlane v39, v36;
	v40 =	vadd.s32 v35, v40;
	_ =	sdelay $0x1  }
0x26f: {  	v39 =	vadd.s32 v35, v39;
	_ =	sdelay $0x2  }
0x270: {  	[tilespmem:s20], [sflag:$0x3] =	stream.indirect_vreg.gather [hbm4b:s13+s7], $0x80, v40, vm0, $0xb8;
	[tilespmem:$0x1D6F0] =	vst v63  }
0x271: {  	_ = 	snop  }
0x272: {  	[tilespmem:s12], [sflag:$0x3] =	stream.indirect_vreg.gather [hbm4b:s13+s7], $0x80, v39, vm0, $0xb8;
	[tilespmem:$0x1D6F0] =	vst v63  }
0x273: {  	v39 =	vld [tilespmem:$0x3940];
	_ =	sdelay $0x4  }
0x274: {  	v60 =	vshll.u32 v39, $0x1  }
0x275: {  	v39 =	vand.u32 $0x7, v39;
	v40 =	vand.u32 $0xFFFFFFF0, v60  }
0x276: {  	v39 =	vor.u32 v39, v40  }
0x277: {  	v40 =	vperm.xlane v39, v34;
	_ =	sdelay $0x1  }
0x278: {  	v39 =	vperm.xlane v39, v36;
	v40 =	vadd.s32 v35, v40;
	_ =	sdelay $0x1  }
0x279: {  	v39 =	vadd.s32 v35, v39;
	_ =	sdelay $0x2  }
0x27a: {  	[tilespmem:s18], [sflag:$0x3] =	stream.indirect_vreg.gather [hbm4b:s13+s7], $0x80, v40, vm0, $0xb8;
	[tilespmem:$0x1D6F0] =	vst v63  }
0x27b: {  	_ = 	snop  }
0x27c: {  	[tilespmem:s24], [sflag:$0x3] =	stream.indirect_vreg.gather [hbm4b:s13+s7], $0x80, v39, vm0, $0xb8;
	[tilespmem:$0x1D6F0] =	vst v63  }
0x27d: {  	v39 =	vld [tilespmem:$0x3950];
	_ =	sdelay $0x4  }
0x27e: {  	v61 =	vshll.u32 v39, $0x1  }
0x27f: {  	v39 =	vand.u32 $0x7, v39;
	v40 =	vand.u32 $0xFFFFFFF0, v61  }
0x280: {  	v39 =	vor.u32 v39, v40  }
0x281: {  	v40 =	vperm.xlane v39, v34;
	_ =	sdelay $0x1  }
0x282: {  	v39 =	vperm.xlane v39, v36;
	v40 =	vadd.s32 v35, v40;
	_ =	sdelay $0x1  }
0x283: {  	v39 =	vadd.s32 v35, v39;
	_ =	sdelay $0x2  }
0x284: {  	[tilespmem:s15], [sflag:$0x3] =	stream.indirect_vreg.gather [hbm4b:s13+s7], $0x80, v40, vm0, $0xb8;
	[tilespmem:$0x1D6F0] =	vst v63  }
0x285: {  	_ = 	snop  }
0x286: {  	[tilespmem:s25], [sflag:$0x3] =	stream.indirect_vreg.gather [hbm4b:s13+s7], $0x80, v39, vm0, $0xb8;
	[tilespmem:$0x1D6F0] =	vst v63  }
0x287: {  	v39 =	vld [tilespmem:$0x3960];
	_ =	sdelay $0x4  }
0x288: {  	v62 =	vshll.u32 v39, $0x1  }
0x289: {  	v39 =	vand.u32 $0x7, v39;
	v40 =	vand.u32 $0xFFFFFFF0, v62  }
0x28a: {  	v39 =	vor.u32 v39, v40  }
0x28b: {  	v40 =	vperm.xlane v39, v34;
	_ =	sdelay $0x1  }
0x28c: {  	v39 =	vperm.xlane v39, v36;
	v40 =	vadd.s32 v35, v40;
	_ =	sdelay $0x1  }
0x28d: {  	v39 =	vadd.s32 v35, v39;
	_ =	sdelay $0x2  }
0x28e: {  	[tilespmem:s26], [sflag:$0x3] =	stream.indirect_vreg.gather [hbm4b:s13+s7], $0x80, v40, vm0, $0xb8;
	[tilespmem:$0x1D6F0] =	vst v63  }
0x28f: {  	_ = 	snop  }
0x290: {  	[tilespmem:s28], [sflag:$0x3] =	stream.indirect_vreg.gather [hbm4b:s13+s7], $0x80, v39, vm0, $0xb8;
	[tilespmem:$0x1D6F0] =	vst v63  }
0x291: {  	v39 =	vld [tilespmem:$0x3970];
	_ =	sdelay $0x4  }
0x292: {  	v63 =	vshll.u32 v39, $0x1  }
0x293: {  	v39 =	vand.u32 $0x7, v39;
	v40 =	vand.u32 $0xFFFFFFF0, v63  }
0x294: {  	v39 =	vor.u32 v39, v40  }
0x295: {  	v40 =	vperm.xlane v39, v34;
	_ =	sdelay $0x1  }
0x296: {  	v39 =	vperm.xlane v39, v36;
	v40 =	vadd.s32 v35, v40;
	_ =	sdelay $0x1  }
0x297: {  	v39 =	vadd.s32 v35, v39;
	_ =	sdelay $0x2  }
0x298: {  	[tilespmem:s29], [sflag:$0x3] =	stream.indirect_vreg.gather [hbm4b:s13+s7], $0x80, v40, vm0, $0xb8;
	[tilespmem:$0x1D6F0] =	vst v63  }
0x299: {  	s14 =	simm.s32 $0x0  }
0x29a: {  	[tilespmem:s30], [sflag:$0x3] =	stream.indirect_vreg.gather [hbm4b:s13+s7], $0x80, v39, vm0, $0xb8;
	[tilespmem:$0x1D6F0] =	vst v63  }
0x29b: {  	s4 =	simm.s32 $0x13E80;
	s31 =	simm.s32 $0x13E80;
	s26 =	rddreg [dreg:$0x1]  }
0x29c: {  	[tilespmem:s7], [sflag:$0x1] =	stream.linear.gather [hbm4b:s26+s7], $0x1000, $0x38;
	[tilespmem:$0x1D6F0] =	vst v63  }
0x29d: {  	s0 =	simm.s32 $0xBE80;
	s28 =	rddreg [dreg:$0x10];
	s29 =	simm.s32 $0x1000  }
0x29e: {  	[tilespmem:s29], [sflag:$0x2] =	stream.linear.gather [hbm4b:s28+s7], $0x1000, $0x38;
	[tilespmem:$0x1D6F0] =	vst v63  }
0x29f: {  	s19 =	simm.s32 $0x100;
	s12 =	simm.s32 $0xE680;
	s30 =	rddreg [dreg:$0x8]  }
0x2a0: {  	[tilespmem:s31], [sflag:$0x7] =	stream.linear.gather [hbm4b:s30+s7], $0x8000, $0x38;
	[tilespmem:$0x1D6F0] =	vst v63  }
.LBB2_2:
0x2a1: {  	p0 =	sne.s32 s19, $0x6000;
	[tilespmem:s14+$0x2030] =	vst v37;
	s20 =	smov.u32 s19;
	s19 =	sadd.s32 $0x100, s19  }
.Ltmp2:
0x2a2: {  	[tilespmem:s14+$0x2020] =	vst v37;
	(pc) =	sbr.rel @p0 .LBB2_2-.Ltmp2, $3  }
0x2a3: {  	[tilespmem:s14+$0x2000] =	vst v37  }
0x2a4: {  	[tilespmem:s14+$0x2010] =	vst v37;
	_ =	sdelay $0x1  }
0x2a5: {  	s14 =	sshra.s32 s20, $0x2  }
0x2a6: {  	[tilespmem:s14+$0x2030] =	vst v37  }
0x2a7: {  	[tilespmem:s14+$0x2020] =	vst v37  }
0x2a8: {  	[tilespmem:s14+$0x2000] =	vst v37  }
0x2a9: {  	[tilespmem:s14+$0x2010] =	vst v37  }
0x2aa: {  	[tilespmem:$0x3840] =	vst v37  }
0x2ab: {  	[tilespmem:$0x3850] =	vst v37  }
0x2ac: {  	s6 =	simm.s32 $0x1;
	[tilespmem:$0x3860] =	vst v37  }
0x2ad: {  	_ =	swait.ge [sflag:s6], $0x1000  }
0x2ae: {  	[sflag:s6] =	ssyncset.done $0x0  }
0x2af: {  	s14 =	simm.s32 $0x70;
	s19 =	simm.s32 $0x40;
	vm0 =	vmxor vm0, vm0;
	[sflag:s6] =	ssyncadd.s32 $0xFFFFF000  }
.LBB2_4:
0x2b0: {  	v39 =	vld [tilespmem:s19+$0xFFFFFFC0];
	_ =	sdelay $0x4  }
0x2b1: {  	v39 =	vsub.s32 v39, v1  }
0x2b2: {  	vm2 =	vlt.u32 v39, $0x1870  }
0x2b3: {  	v39 =	vnsel vm2, $0x0, v39;
	_ =	sdelay $0x2  }
0x2b4: {  	s20 =	sadd.s32 $0xFFFFFF90, s14  }
0x2b5: {  	v40 =	vor.u32 s20, v0  }
0x2b6: {  	[tilespmem:v39+s2+$0x0] =	vst.idx.msk vm2, v40  }
0x2b7: {  	v41 =	vld.idx.msk [tilespmem:v39+s2+$0x0], $0xffff;
	_ =	sdelay $0x4  }
0x2b8: {  	vm3 =	vgt.s32 v40, v41  }
0x2b9: {  	vm2 =	vmand vm2, vm3;
	_ =	sdelay $0x5  }
0x2ba: {  	[tilespmem:v39+s2+$0x0] =	vst.idx.msk vm2, v40  }
0x2bb: {  	v39 =	vld [tilespmem:s19+$0xFFFFFFD0];
	_ =	sdelay $0x4  }
0x2bc: {  	v39 =	vsub.s32 v39, v1  }
0x2bd: {  	vm3 =	vlt.u32 v39, $0x1870  }
0x2be: {  	v39 =	vnsel vm3, $0x0, v39;
	_ =	sdelay $0x2  }
0x2bf: {  	s25 =	sadd.s32 $0xFFFFFFA0, s14  }
0x2c0: {  	v45 =	vor.u32 s25, v0  }
0x2c1: {  	[tilespmem:v39+s2+$0x0] =	vst.idx.msk vm3, v45  }
0x2c2: {  	v46 =	vld.idx.msk [tilespmem:v39+s2+$0x0], $0xffff;
	_ =	sdelay $0x4  }
0x2c3: {  	vm4 =	vgt.s32 v45, v46  }
0x2c4: {  	vm3 =	vmand vm3, vm4;
	_ =	sdelay $0x5  }
0x2c5: {  	[tilespmem:v39+s2+$0x0] =	vst.idx.msk vm3, v45  }
0x2c6: {  	v39 =	vld [tilespmem:s19+$0xFFFFFFE0];
	_ =	sdelay $0x4  }
0x2c7: {  	v39 =	vsub.s32 v39, v1  }
0x2c8: {  	vm4 =	vlt.u32 v39, $0x1870  }
0x2c9: {  	v39 =	vnsel vm4, $0x0, v39;
	_ =	sdelay $0x2  }
0x2ca: {  	s26 =	sadd.s32 $0xFFFFFFB0, s14  }
0x2cb: {  	v47 =	vor.u32 s26, v0  }
0x2cc: {  	[tilespmem:v39+s2+$0x0] =	vst.idx.msk vm4, v47  }
0x2cd: {  	v48 =	vld.idx.msk [tilespmem:v39+s2+$0x0], $0xffff;
	_ =	sdelay $0x4  }
0x2ce: {  	vm5 =	vgt.s32 v47, v48  }
0x2cf: {  	vm4 =	vmand vm4, vm5;
	_ =	sdelay $0x5  }
0x2d0: {  	[tilespmem:v39+s2+$0x0] =	vst.idx.msk vm4, v47  }
0x2d1: {  	v39 =	vld [tilespmem:s19+$0xFFFFFFF0];
	_ =	sdelay $0x4  }
0x2d2: {  	v39 =	vsub.s32 v39, v1  }
0x2d3: {  	vm5 =	vlt.u32 v39, $0x1870  }
0x2d4: {  	v39 =	vnsel vm5, $0x0, v39;
	_ =	sdelay $0x2  }
0x2d5: {  	s28 =	sadd.s32 $0xFFFFFFC0, s14  }
0x2d6: {  	v49 =	vor.u32 s28, v0  }
0x2d7: {  	[tilespmem:v39+s2+$0x0] =	vst.idx.msk vm5, v49  }
0x2d8: {  	v50 =	vld.idx.msk [tilespmem:v39+s2+$0x0], $0xffff;
	_ =	sdelay $0x4  }
0x2d9: {  	vm6 =	vgt.s32 v49, v50  }
0x2da: {  	vm5 =	vmand vm5, vm6;
	_ =	sdelay $0x5  }
0x2db: {  	[tilespmem:v39+s2+$0x0] =	vst.idx.msk vm5, v49  }
0x2dc: {  	v39 =	vld [tilespmem:s19+$0x0];
	_ =	sdelay $0x4  }
0x2dd: {  	v39 =	vsub.s32 v39, v1  }
0x2de: {  	vm6 =	vlt.u32 v39, $0x1870  }
0x2df: {  	v39 =	vnsel vm6, $0x0, v39;
	_ =	sdelay $0x2  }
0x2e0: {  	s29 =	sadd.s32 $0xFFFFFFD0, s14  }
0x2e1: {  	v51 =	vor.u32 s29, v0  }
0x2e2: {  	[tilespmem:v39+s2+$0x0] =	vst.idx.msk vm6, v51  }
0x2e3: {  	v52 =	vld.idx.msk [tilespmem:v39+s2+$0x0], $0xffff;
	_ =	sdelay $0x4  }
0x2e4: {  	vm7 =	vgt.s32 v51, v52  }
0x2e5: {  	vm6 =	vmand vm6, vm7;
	_ =	sdelay $0x5  }
0x2e6: {  	[tilespmem:v39+s2+$0x0] =	vst.idx.msk vm6, v51  }
0x2e7: {  	v39 =	vld [tilespmem:s19+$0x10];
	_ =	sdelay $0x4  }
0x2e8: {  	v39 =	vsub.s32 v39, v1  }
0x2e9: {  	vm7 =	vlt.u32 v39, $0x1870  }
0x2ea: {  	v39 =	vnsel vm7, $0x0, v39;
	_ =	sdelay $0x2  }
0x2eb: {  	s30 =	sadd.s32 $0xFFFFFFE0, s14  }
0x2ec: {  	v53 =	vor.u32 s30, v0  }
0x2ed: {  	[tilespmem:v39+s2+$0x0] =	vst.idx.msk vm7, v53  }
0x2ee: {  	v54 =	vld.idx.msk [tilespmem:v39+s2+$0x0], $0xffff;
	_ =	sdelay $0x4  }
0x2ef: {  	vm8 =	vgt.s32 v53, v54  }
0x2f0: {  	vm7 =	vmand vm7, vm8;
	_ =	sdelay $0x5  }
0x2f1: {  	[tilespmem:v39+s2+$0x0] =	vst.idx.msk vm7, v53  }
0x2f2: {  	v39 =	vld [tilespmem:s19+$0x20];
	_ =	sdelay $0x4  }
0x2f3: {  	v39 =	vsub.s32 v39, v1  }
0x2f4: {  	vm8 =	vlt.u32 v39, $0x1870  }
0x2f5: {  	v39 =	vnsel vm8, $0x0, v39;
	_ =	sdelay $0x2  }
0x2f6: {  	s31 =	sadd.s32 $0xFFFFFFF0, s14  }
0x2f7: {  	v55 =	vor.u32 s31, v0  }
0x2f8: {  	[tilespmem:v39+s2+$0x0] =	vst.idx.msk vm8, v55  }
0x2f9: {  	v56 =	vld.idx.msk [tilespmem:v39+s2+$0x0], $0xffff;
	_ =	sdelay $0x4  }
0x2fa: {  	vm9 =	vgt.s32 v55, v56  }
0x2fb: {  	vm8 =	vmand vm8, vm9;
	_ =	sdelay $0x5  }
0x2fc: {  	[tilespmem:v39+s2+$0x0] =	vst.idx.msk vm8, v55  }
0x2fd: {  	v39 =	vld [tilespmem:s19+$0x30];
	_ =	sdelay $0x4  }
0x2fe: {  	v39 =	vsub.s32 v39, v1  }
0x2ff: {  	vm9 =	vlt.u32 v39, $0x1870  }
0x300: {  	v39 =	vnsel vm9, $0x0, v39;
	_ =	sdelay $0x3  }
0x301: {  	v57 =	vor.u32 s14, v0  }
0x302: {  	[tilespmem:v39+s2+$0x0] =	vst.idx.msk vm9, v57  }
0x303: {  	v58 =	vld.idx.msk [tilespmem:v39+s2+$0x0], $0xffff  }
0x304: {  	v42 =	vmpcnt.ones.xlane vm2;
	v43 =	vmpcnt.ones.xlane vm3  }
0x305: {  	v44 =	vmpcnt.ones.xlane vm4  }
0x306: {  	vm2 =	vgt.s32 v42, $0x1;
	vm3 =	vgt.s32 v43, $0x1  }
0x307: {  	vm2 =	vmor vm2, vm3;
	vm3 =	vgt.s32 v44, $0x1;
	v59 =	vmpcnt.ones.xlane vm5  }
0x308: {  	vm2 =	vmor vm2, vm3;
	v60 =	vmpcnt.ones.xlane vm6;
	vm3 =	vgt.s32 v57, v58  }
0x309: {  	vm4 =	vgt.s32 v59, $0x1;
	v61 =	vmpcnt.ones.xlane vm7;
	vm3 =	vmand vm9, vm3  }
0x30a: {  	p0 =	sne.s32 s14, $0xFF0;
	vm2 =	vmor vm2, vm4;
	vm4 =	vgt.s32 v60, $0x1;
	v62 =	vmpcnt.ones.xlane vm8  }
.Ltmp3:
0x30b: {  	vm2 =	vmor vm2, vm4;
	vm4 =	vgt.s32 v61, $0x1;
	v63 =	vmpcnt.ones.xlane vm3;
	(pc) =	sbr.rel @p0 .LBB2_4-.Ltmp3, $4  }
0x30c: {  	vm2 =	vmor vm2, vm4;
	vm4 =	vgt.s32 v62, $0x1  }
0x30d: {  	vm2 =	vmor vm2, vm4;
	vm4 =	vgt.s32 v63, $0x1  }
0x30e: {  	vm2 =	vmor vm2, vm4  }
0x30f: {  	s14 =	sadd.s32 $0x80, s14;
	s19 =	sadd.s32 $0x80, s19;
	vm0 =	vmor vm0, vm2;
	[tilespmem:v39+s2+$0x0] =	vst.idx.msk vm3, v57  }
0x310: {  	s6 =	simm.s32 $0x7  }
0x311: {  	_ =	swait.ge [sflag:s6], $0x8000  }
0x312: {  	[sflag:s6] =	ssyncset.done $0x0  }
0x313: {  	s31 =	simm.s32 $0x2;
	s14 =	rddreg [dreg:$0x9];
	[sflag:s6] =	ssyncadd.s32 $0xFFFF8000  }
0x314: {  	[hbm4b:s14+s7] =	stream.linear.scatter [tilespmem:s4], [sflag:$0x7], $0x8000, $0x38;
	[tilespmem:$0x1D6F0] =	vst v63  }
0x315: {  	_ =	swait.ge [sflag:s31], $0x1000  }
0x316: {  	s19 =	simm.s32 $0x1070;
	s10 =	simm.s32 $0x3E80;
	[sflag:s31] =	ssyncset.done $0x0  }
0x317: {  	s21 =	simm.s32 $0x4;
	s14 =	simm.s32 $0x1070;
	[sflag:s31] =	ssyncadd.s32 $0xFFFFF000  }
.LBB2_6:
0x318: {  	v39 =	vld [tilespmem:s14+$0xFFFFFF90];
	_ =	sdelay $0x4  }
0x319: {  	v39 =	vsub.s32 v39, v1  }
0x31a: {  	vm2 =	vlt.u32 v39, $0x1870  }
0x31b: {  	v39 =	vnsel vm2, $0x0, v39;
	_ =	sdelay $0x2  }
0x31c: {  	s20 =	sadd.s32 $0xFFFFFF90, s19  }
0x31d: {  	v40 =	vor.u32 s20, v0  }
0x31e: {  	[tilespmem:v39+s2+$0x0] =	vst.idx.msk vm2, v40  }
0x31f: {  	v41 =	vld.idx.msk [tilespmem:v39+s2+$0x0], $0xffff;
	_ =	sdelay $0x4  }
0x320: {  	vm3 =	vgt.s32 v40, v41  }
0x321: {  	vm2 =	vmand vm2, vm3;
	_ =	sdelay $0x5  }
0x322: {  	[tilespmem:v39+s2+$0x0] =	vst.idx.msk vm2, v40  }
0x323: {  	v39 =	vld [tilespmem:s14+$0xFFFFFFA0];
	_ =	sdelay $0x4  }
0x324: {  	v39 =	vsub.s32 v39, v1  }
0x325: {  	vm3 =	vlt.u32 v39, $0x1870  }
0x326: {  	v39 =	vnsel vm3, $0x0, v39;
	_ =	sdelay $0x2  }
0x327: {  	s25 =	sadd.s32 $0xFFFFFFA0, s19  }
0x328: {  	v45 =	vor.u32 s25, v0  }
0x329: {  	[tilespmem:v39+s2+$0x0] =	vst.idx.msk vm3, v45  }
0x32a: {  	v46 =	vld.idx.msk [tilespmem:v39+s2+$0x0], $0xffff;
	_ =	sdelay $0x4  }
0x32b: {  	vm4 =	vgt.s32 v45, v46  }
0x32c: {  	vm3 =	vmand vm3, vm4;
	_ =	sdelay $0x5  }
0x32d: {  	[tilespmem:v39+s2+$0x0] =	vst.idx.msk vm3, v45  }
0x32e: {  	v39 =	vld [tilespmem:s14+$0xFFFFFFB0];
	_ =	sdelay $0x4  }
0x32f: {  	v39 =	vsub.s32 v39, v1  }
0x330: {  	vm4 =	vlt.u32 v39, $0x1870  }
0x331: {  	v39 =	vnsel vm4, $0x0, v39;
	_ =	sdelay $0x2  }
0x332: {  	s26 =	sadd.s32 $0xFFFFFFB0, s19  }
0x333: {  	v47 =	vor.u32 s26, v0  }
0x334: {  	[tilespmem:v39+s2+$0x0] =	vst.idx.msk vm4, v47  }
0x335: {  	v48 =	vld.idx.msk [tilespmem:v39+s2+$0x0], $0xffff;
	_ =	sdelay $0x4  }
0x336: {  	vm5 =	vgt.s32 v47, v48  }
0x337: {  	vm4 =	vmand vm4, vm5;
	_ =	sdelay $0x5  }
0x338: {  	[tilespmem:v39+s2+$0x0] =	vst.idx.msk vm4, v47  }
0x339: {  	v39 =	vld [tilespmem:s14+$0xFFFFFFC0];
	_ =	sdelay $0x4  }
0x33a: {  	v39 =	vsub.s32 v39, v1  }
0x33b: {  	vm5 =	vlt.u32 v39, $0x1870  }
0x33c: {  	v39 =	vnsel vm5, $0x0, v39;
	_ =	sdelay $0x2  }
0x33d: {  	s28 =	sadd.s32 $0xFFFFFFC0, s19  }
0x33e: {  	v49 =	vor.u32 s28, v0  }
0x33f: {  	[tilespmem:v39+s2+$0x0] =	vst.idx.msk vm5, v49  }
0x340: {  	v50 =	vld.idx.msk [tilespmem:v39+s2+$0x0], $0xffff;
	_ =	sdelay $0x4  }
0x341: {  	vm6 =	vgt.s32 v49, v50  }
0x342: {  	vm5 =	vmand vm5, vm6;
	_ =	sdelay $0x5  }
0x343: {  	[tilespmem:v39+s2+$0x0] =	vst.idx.msk vm5, v49  }
0x344: {  	v39 =	vld [tilespmem:s14+$0xFFFFFFD0];
	_ =	sdelay $0x4  }
0x345: {  	v39 =	vsub.s32 v39, v1  }
0x346: {  	vm6 =	vlt.u32 v39, $0x1870  }
0x347: {  	v39 =	vnsel vm6, $0x0, v39;
	_ =	sdelay $0x2  }
0x348: {  	s29 =	sadd.s32 $0xFFFFFFD0, s19  }
0x349: {  	v51 =	vor.u32 s29, v0  }
0x34a: {  	[tilespmem:v39+s2+$0x0] =	vst.idx.msk vm6, v51  }
0x34b: {  	v52 =	vld.idx.msk [tilespmem:v39+s2+$0x0], $0xffff;
	_ =	sdelay $0x4  }
0x34c: {  	vm7 =	vgt.s32 v51, v52  }
0x34d: {  	vm6 =	vmand vm6, vm7;
	_ =	sdelay $0x5  }
0x34e: {  	[tilespmem:v39+s2+$0x0] =	vst.idx.msk vm6, v51  }
0x34f: {  	v39 =	vld [tilespmem:s14+$0xFFFFFFE0];
	_ =	sdelay $0x4  }
0x350: {  	v39 =	vsub.s32 v39, v1  }
0x351: {  	vm7 =	vlt.u32 v39, $0x1870  }
0x352: {  	v39 =	vnsel vm7, $0x0, v39;
	_ =	sdelay $0x2  }
0x353: {  	s30 =	sadd.s32 $0xFFFFFFE0, s19  }
0x354: {  	v53 =	vor.u32 s30, v0  }
0x355: {  	[tilespmem:v39+s2+$0x0] =	vst.idx.msk vm7, v53  }
0x356: {  	v54 =	vld.idx.msk [tilespmem:v39+s2+$0x0], $0xffff;
	_ =	sdelay $0x4  }
0x357: {  	vm8 =	vgt.s32 v53, v54  }
0x358: {  	vm7 =	vmand vm7, vm8;
	_ =	sdelay $0x5  }
0x359: {  	[tilespmem:v39+s2+$0x0] =	vst.idx.msk vm7, v53  }
0x35a: {  	v39 =	vld [tilespmem:s14+$0xFFFFFFF0];
	_ =	sdelay $0x4  }
0x35b: {  	v39 =	vsub.s32 v39, v1  }
0x35c: {  	vm8 =	vlt.u32 v39, $0x1870  }
0x35d: {  	v39 =	vnsel vm8, $0x0, v39;
	_ =	sdelay $0x2  }
0x35e: {  	s31 =	sadd.s32 $0xFFFFFFF0, s19  }
0x35f: {  	v55 =	vor.u32 s31, v0  }
0x360: {  	[tilespmem:v39+s2+$0x0] =	vst.idx.msk vm8, v55  }
0x361: {  	v56 =	vld.idx.msk [tilespmem:v39+s2+$0x0], $0xffff;
	_ =	sdelay $0x4  }
0x362: {  	vm9 =	vgt.s32 v55, v56  }
0x363: {  	vm8 =	vmand vm8, vm9;
	_ =	sdelay $0x5  }
0x364: {  	[tilespmem:v39+s2+$0x0] =	vst.idx.msk vm8, v55  }
0x365: {  	v39 =	vld [tilespmem:s14+$0x0];
	_ =	sdelay $0x4  }
0x366: {  	v39 =	vsub.s32 v39, v1  }
0x367: {  	vm9 =	vlt.u32 v39, $0x1870  }
0x368: {  	v39 =	vnsel vm9, $0x0, v39;
	_ =	sdelay $0x3  }
0x369: {  	v57 =	vor.u32 s19, v0  }
0x36a: {  	[tilespmem:v39+s2+$0x0] =	vst.idx.msk vm9, v57  }
0x36b: {  	v58 =	vld.idx.msk [tilespmem:v39+s2+$0x0], $0xffff  }
0x36c: {  	v42 =	vmpcnt.ones.xlane vm2;
	v43 =	vmpcnt.ones.xlane vm3  }
0x36d: {  	v44 =	vmpcnt.ones.xlane vm4  }
0x36e: {  	vm2 =	vgt.s32 v42, $0x1;
	vm3 =	vgt.s32 v43, $0x1  }
0x36f: {  	vm2 =	vmor vm2, vm3;
	vm3 =	vgt.s32 v44, $0x1;
	v59 =	vmpcnt.ones.xlane vm5  }
0x370: {  	vm2 =	vmor vm2, vm3;
	v60 =	vmpcnt.ones.xlane vm6;
	vm3 =	vgt.s32 v57, v58  }
0x371: {  	vm4 =	vgt.s32 v59, $0x1;
	v61 =	vmpcnt.ones.xlane vm7;
	vm3 =	vmand vm9, vm3  }
0x372: {  	p0 =	sne.s32 s19, $0x1FF0;
	vm2 =	vmor vm2, vm4;
	vm4 =	vgt.s32 v60, $0x1;
	v62 =	vmpcnt.ones.xlane vm8  }
.Ltmp4:
0x373: {  	vm2 =	vmor vm2, vm4;
	vm4 =	vgt.s32 v61, $0x1;
	v63 =	vmpcnt.ones.xlane vm3;
	(pc) =	sbr.rel @p0 .LBB2_6-.Ltmp4, $4  }
0x374: {  	vm2 =	vmor vm2, vm4;
	vm4 =	vgt.s32 v62, $0x1  }
0x375: {  	vm2 =	vmor vm2, vm4;
	vm4 =	vgt.s32 v63, $0x1  }
0x376: {  	vm2 =	vmor vm2, vm4  }
0x377: {  	s19 =	sadd.s32 $0x80, s19;
	s14 =	sadd.s32 $0x80, s14;
	vm0 =	vmor vm0, vm2;
	[tilespmem:v39+s2+$0x0] =	vst.idx.msk vm3, v57  }
0x378: {  	v39 =	vsel vm0, $0x3F800000, v38  }
0x379: {  	(xrf0) =	vmax.scan.msk.f32 $0xffff, v39;
	_ =	sdelay $0x5  }
0x37a: {  	v39, _, _ =	vpop (xrf0)  }
0x37b: {  	(v2sf) =	vpush v39, $0xF;
	_ =	sdelay $0xe  }
0x37c: {  	s14 =	spop (v2sf)  }
0x37d: {  	p0 =	sgt.f32 s14, $0.0e+00  }
.Ltmp5:
0x37e: {  	_ = 	snop;
	(pc) =	sbr.rel @!p0 .LBB2_11-.Ltmp5, $2  }
0x37f: {  	_ =	sdelay $0x2  }
0x380: {  	s16 =	rddreg [dreg:$0x11];
	s14 =	simm.s32 $0x0  }
0x381: {  	v39 =	vld [tilespmem:s14+$0x0];
	_ =	sdelay $0x4  }
0x382: {  	vm0 =	vmmov $0x1;
	v40 =	vimm.s32 $0x0;
	v39 =	vsub.s32 v39, v1  }
0x383: {  	v40 =	vsel vm0, $0xFFFFFFFF, v40;
	vm2 =	vlt.u32 v39, $0x1870  }
0x384: {  	vm3 =	vmand vm2, vm0;
	v39 =	vnsel vm2, $0x0, v39;
	vm0 =	vcmask $0x704  }
0x385: {  	vm4 =	vmand vm2, vm0;
	vm0 =	vmmov vm10;
	vm10 =	vcmask $0xB08  }
0x386: {  	vm5 =	vmand vm2, vm10  }
0x387: {  	vm6 =	vmand vm2, vm13  }
0x388: {  	vm7 =	vmand vm2, vm11  }
0x389: {  	[tilespmem:$0x1FFE0] =	vst v40;
	v40 =	vor.u32 s14, v0;
	vm8 =	vmand vm2, vm12  }
0x38a: {  	[tilespmem:v39+s2+$0x0] =	vst.idx.msk vm3, v40;
	vm3 =	vmand vm2, vm0  }
0x38b: {  	[tilespmem:v39+s2+$0x0] =	vst.idx.msk vm4, v40;
	vm4 =	vmand vm2, vm14  }
0x38c: {  	[tilespmem:v39+s2+$0x0] =	vst.idx.msk vm5, v40;
	vm5 =	vmand vm2, vm15  }
0x38d: {  	vm9 =	vcmask $0x2B28;
	[tilespmem:v39+s2+$0x0] =	vst.idx.msk vm6, v40;
	vm6 =	vmand vm2, vm1  }
0x38e: {  	vm0 =	vcmask $0x2F2C;
	[tilespmem:v39+s2+$0x0] =	vst.idx.msk vm7, v40;
	vm7 =	vmand vm2, vm9  }
0x38f: {  	vm10 =	vcmask $0x3330;
	[tilespmem:v39+s2+$0x0] =	vst.idx.msk vm8, v40;
	vm8 =	vmand vm2, vm0  }
0x390: {  	vm13 =	vmmov vm1;
	vm1 =	vcmask $0x3734;
	[tilespmem:v39+s2+$0x0] =	vst.idx.msk vm3, v40;
	vm3 =	vmand vm2, vm10  }
0x391: {  	vm11 =	vcmask $0x3B38;
	[tilespmem:v39+s2+$0x0] =	vst.idx.msk vm4, v40;
	vm4 =	vmand vm2, vm1  }
0x392: {  	vm12 =	vcmask $0x3F3C;
	[tilespmem:v39+s2+$0x0] =	vst.idx.msk vm5, v40;
	vm5 =	vmand vm2, vm11  }
0x393: {  	vm2 =	vmand vm2, vm12;
	[tilespmem:v39+s2+$0x0] =	vst.idx.msk vm6, v40  }
0x394: {  	[tilespmem:v39+s2+$0x0] =	vst.idx.msk vm7, v40  }
0x395: {  	[tilespmem:v39+s2+$0x0] =	vst.idx.msk vm8, v40  }
0x396: {  	[tilespmem:v39+s2+$0x0] =	vst.idx.msk vm3, v40  }
0x397: {  	[tilespmem:v39+s2+$0x0] =	vst.idx.msk vm4, v40  }
0x398: {  	s19 =	simm.s32 $0x10;
	[tilespmem:v39+s2+$0x0] =	vst.idx.msk vm5, v40  }
.LBB2_9:
0x399: {  	[tilespmem:v39+s2+$0x0] =	vst.idx.msk vm2, v40;
	s14 =	sadd.s32 $0x10, s14  }
0x39a: {  	v39 =	vld [tilespmem:s14+$0x0]  }
0x39b: {  	v63 =	vld [tilespmem:$0x1FFE0];
	_ =	sdelay $0x3  }
0x39c: {  	v39 =	vsub.s32 v39, v1  }
0x39d: {  	vm3 =	vnez.u8 v63;
	vm2 =	vlt.u32 v39, $0x1870  }
0x39e: {  	vm3 =	vmand vm2, vm3  }
0x39f: {  	vm4 =	vcmask $0x704;
	v39 =	vnsel vm2, $0x0, v39  }
0x3a0: {  	vm5 =	vcmask $0xB08;
	vm4 =	vmand vm2, vm4  }
0x3a1: {  	vm6 =	vcmask $0xF0C;
	vm5 =	vmand vm2, vm5  }
0x3a2: {  	s20 =	smov.u32 s19;
	vm7 =	vcmask $0x1310;
	vm6 =	vmand vm2, vm6  }
0x3a3: {  	vm8 =	vcmask $0x1714;
	v40 =	vor.u32 s20, v0;
	vm7 =	vmand vm2, vm7  }
0x3a4: {  	vm8 =	vmand vm2, vm8;
	[tilespmem:v39+s2+$0x0] =	vst.idx.msk vm3, v40;
	vm3 =	vcmask $0x1B18  }
0x3a5: {  	vm3 =	vmand vm2, vm3  }
0x3a6: {  	[tilespmem:v39+s2+$0x0] =	vst.idx.msk vm4, v40;
	vm4 =	vmand vm2, vm14  }
0x3a7: {  	[tilespmem:v39+s2+$0x0] =	vst.idx.msk vm5, v40;
	vm5 =	vmand vm2, vm15  }
0x3a8: {  	[tilespmem:v39+s2+$0x0] =	vst.idx.msk vm6, v40;
	vm6 =	vmand vm2, vm13  }
0x3a9: {  	[tilespmem:v39+s2+$0x0] =	vst.idx.msk vm7, v40;
	vm7 =	vmand vm2, vm9  }
0x3aa: {  	[tilespmem:v39+s2+$0x0] =	vst.idx.msk vm8, v40;
	vm8 =	vmand vm2, vm0  }
0x3ab: {  	[tilespmem:v39+s2+$0x0] =	vst.idx.msk vm3, v40;
	vm3 =	vmand vm2, vm10  }
0x3ac: {  	[tilespmem:v39+s2+$0x0] =	vst.idx.msk vm4, v40;
	vm4 =	vmand vm2, vm1  }
0x3ad: {  	[tilespmem:v39+s2+$0x0] =	vst.idx.msk vm5, v40;
	vm5 =	vmand vm2, vm11  }
0x3ae: {  	p0 =	sne.s32 s19, $0x1FF0;
	[tilespmem:v39+s2+$0x0] =	vst.idx.msk vm6, v40  }
.Ltmp6:
0x3af: {  	[tilespmem:v39+s2+$0x0] =	vst.idx.msk vm7, v40;
	(pc) =	sbr.rel @p0 .LBB2_9-.Ltmp6, $4  }
0x3b0: {  	[tilespmem:v39+s2+$0x0] =	vst.idx.msk vm8, v40  }
0x3b1: {  	[tilespmem:v39+s2+$0x0] =	vst.idx.msk vm3, v40  }
0x3b2: {  	[tilespmem:v39+s2+$0x0] =	vst.idx.msk vm4, v40  }
0x3b3: {  	s19 =	sadd.s32 $0x10, s19;
	vm2 =	vmand vm2, vm12;
	[tilespmem:v39+s2+$0x0] =	vst.idx.msk vm5, v40  }
.Ltmp7:
0x3b4: {  	_ = 	snop;
	(pc) =	sbr.rel .LBB2_10-.Ltmp7, $1  }
0x3b5: {  	_ =	sdelay $0x3  }
.LBB2_12:
0x3b6: {  	_ =	sfence.sel $0x180000  }
0x3b7: {  	[bflag:$0x0] =	sbarrier.arrive $0xFFFF  }
0x3b8: {  	_ =	strace $0x90000047  }
0x3b9: {  	s0 =	stileid.u32;
	[bflag:$0x2] =	sbarrier.arrive $0xFFFF  }
0x3ba: {  	p0 =	sne.s32 s0, $0x0;
	s0 =	rddreg [dreg:$0x5]  }
0x3bb: {  	s0 =	sadd.s32 @!p0 $0x100000, s0  }
0x3bc: {  	[sflag:s0] =	ssyncadd.tile.s32 @!p0 $0x1;
	_ =	shalt  }
.Lfunc_end2:
_tile_overlayer_lowered:
.L_overlay_start_2:
0x3bd: {  	(tag) =	ssettag $0x2  }
0x3be: {  	s0 =	rddreg [dreg:$0x0];
	s2 =	stileid.u32  }
0x3bf: {  	s1 =	rddreg [dreg:$0x1];
	p0 =	sne.s32 s2, $0x0  }
0x3c0: {  	s3 =	rddreg [dreg:$0x2];
	[bflag:$0x3] =	sbarrier.arrive $0xFFFF;
	s2 =	simm.s32 @!p0 $0x1C08  }
0x3c1: {  	[timem:s3], [sflag:s2] =	dma.local @!p0 [hbm:s0], s1  }
0x3c2: {  	s0 =	simm.s32 @!p0 $0x8  }
0x3c3: {  	_ =	swait.ge @!p0 [sflag:s0], s1  }
0x3c4: {  	s1 =	ssub.s32 @!p0 $0x0, s1;
	[sflag:s0] =	ssyncset.done @!p0 $0x0  }
0x3c5: {  	[sflag:s0] =	ssyncadd.s32 @!p0 s1  }
0x3c6: {  	[bflag:$0x3] =	sbarrier.arrive $0xFFFF  }
0x3c7: {  	_ =	shalt  }

</sc_bundles>
